<compile_context>
chip_gen: v7x
topology: tpu7x:2x2x1
jax: 0.10.2.dev20260603
libtpu: 0.0.44.dev20260713+nightly
codegen_flags: <defaults>
</compile_context>

<pallas_src>
import functools

import jax
import jax.numpy as jnp
import numpy as np
from jax import lax
from jax.experimental import pallas as pl
from jax.experimental.pallas import tpu as pltpu
from jax.experimental.pallas import tpu_sc as plsc

MAX_PAIRS = 500000
NUM_CORES = 2
NUM_SUBCORES = 16
NUM_WORKERS = NUM_CORES * NUM_SUBCORES
LANES = 16
NCHUNK = 8

_IDX_CACHE = {}

_U32 = np.uint64(0xFFFFFFFF)


def _threefry2x32(k1, k2, x0, x1):
    k1 = np.uint64(k1)
    k2 = np.uint64(k2)
    x0 = np.asarray(x0, np.uint64)
    x1 = np.asarray(x1, np.uint64)
    ks = [k1 & _U32, k2 & _U32, (k1 ^ k2 ^ np.uint64(0x1BD11BDA)) & _U32]
    rot = ([13, 15, 26, 6], [17, 29, 16, 24])
    x0 = (x0 + ks[0]) & _U32
    x1 = (x1 + ks[1]) & _U32
    for i in range(5):
        for r in rot[i % 2]:
            x0 = (x0 + x1) & _U32
            x1 = ((x1 << np.uint64(r)) | (x1 >> np.uint64(32 - r))) & _U32
            x1 = x0 ^ x1
        x0 = (x0 + ks[(i + 1) % 3]) & _U32
        x1 = (x1 + ks[(i + 2) % 3] + np.uint64(i + 1)) & _U32
    return x0.astype(np.uint32), x1.astype(np.uint32)


def _randint_np(seed, shape, minval, maxval):
    k1 = np.uint32((seed >> 32) & 0xFFFFFFFF)
    k2 = np.uint32(seed & 0xFFFFFFFF)
    size = int(np.prod(shape))
    b1, b2 = _threefry2x32(k1, k2, np.zeros(2, np.uint64), np.arange(2, dtype=np.uint64))
    keys = np.stack([b1, b2], axis=1)
    cnt_hi = np.zeros(size, np.uint64)
    cnt_lo = np.arange(size, dtype=np.uint64)
    h1, h2 = _threefry2x32(keys[0][0], keys[0][1], cnt_hi, cnt_lo)
    higher = (h1 ^ h2).reshape(shape)
    h1, h2 = _threefry2x32(keys[1][0], keys[1][1], cnt_hi, cnt_lo)
    lower = (h1 ^ h2).reshape(shape)
    span = np.uint64(maxval - minval)
    mult = np.uint64(2**16) % span
    mult = (mult * mult) % span
    off = ((higher.astype(np.uint64) % span) * mult + lower.astype(np.uint64) % span) & _U32
    off = off % span
    return (np.int64(minval) + off.astype(np.int64)).astype(np.int32)


def _pair_indices(n):
    if n not in _IDX_CACHE:
        idx = _randint_np(42, (2, MAX_PAIRS), 0, n)
        order = np.argsort(idx[0], kind="stable")
        ii_s = idx[0][order]
        jj_s = idx[1][order]
        rows = n // NUM_WORKERS
        counts = np.bincount(ii_s // rows, minlength=NUM_WORKERS)
        quantum = NCHUNK * LANES
        per_worker = int(-(-counts.max() // quantum) * quantum)
        li = np.zeros((NUM_WORKERS, per_worker), np.int32)
        jj = np.zeros((NUM_WORKERS, per_worker), np.int32)
        starts = np.concatenate([[0], np.cumsum(counts)])
        for w in range(NUM_WORKERS):
            c = counts[w]
            li[w, :c] = ii_s[starts[w]:starts[w + 1]] - w * rows
            jj[w, :c] = jj_s[starts[w]:starts[w + 1]]
            jj[w, c:] = w * rows
        _IDX_CACHE[n] = (li.reshape(-1), jj.reshape(-1), per_worker)
    return _IDX_CACHE[n]


def _make_sc_kernel(n, per_worker):
    mesh = plsc.VectorSubcoreMesh(
        core_axis_name="c", subcore_axis_name="s", num_cores=NUM_CORES
    )
    B = per_worker
    C = B // NCHUNK
    CV = C // LANES
    rows = n // NUM_WORKERS

    @functools.partial(
        pl.kernel,
        mesh=mesh,
        out_type=jax.ShapeDtypeStruct((2 * NUM_WORKERS, LANES), jnp.float32),
        compiler_params=pltpu.CompilerParams(needs_layout_passes=False),
        scratch_types=[
            pltpu.VMEM((rows,), jnp.float32),
            pltpu.VMEM((rows,), jnp.float32),
            pltpu.VMEM((B,), jnp.int32),
            pltpu.VMEM((B,), jnp.int32),
            pltpu.VMEM((C,), jnp.float32),
            pltpu.VMEM((C,), jnp.float32),
            pltpu.VMEM((C,), jnp.float32),
            pltpu.VMEM((C,), jnp.float32),
            pltpu.VMEM((LANES,), jnp.float32),
            pltpu.VMEM((LANES,), jnp.float32),
            pltpu.SemaphoreType.DMA,
            pltpu.SemaphoreType.DMA,
            pltpu.SemaphoreType.DMA,
        ],
    )
    def ranking_loss_kernel(
        o_hbm, y_hbm, li_hbm, jj_hbm, out_hbm,
        or_v, yr_v, li_v, jj_v, oj0, yj0, oj1, yj1, nv, dv, semg0, semg1, seml,
    ):
        wid = lax.axis_index("s") * NUM_CORES + lax.axis_index("c")
        base = wid * B
        rbase = wid * rows
        zbufs = ((oj0, yj0), (oj1, yj1))
        sems = (semg0, semg1)
        pltpu.sync_copy(jj_hbm.at[pl.ds(base, B)], jj_v)

        def fire(c):
            idx = jj_v.at[pl.ds(c * C, C)]
            ob, yb = zbufs[c % 2]
            h1 = pltpu.async_copy(o_hbm.at[idx], ob, sems[c % 2])
            h2 = pltpu.async_copy(y_hbm.at[idx], yb, sems[c % 2])
            return (h1, h2)

        handles = [fire(0), fire(1)]
        c2 = pltpu.async_copy(o_hbm.at[pl.ds(rbase, rows)], or_v, seml)
        c3 = pltpu.async_copy(y_hbm.at[pl.ds(rbase, rows)], yr_v, seml)
        c4 = pltpu.async_copy(li_hbm.at[pl.ds(base, B)], li_v, seml)
        c2.wait()
        c3.wait()
        c4.wait()

        zeros = jnp.zeros((LANES,), jnp.float32)
        num = zeros
        den = zeros
        for c in range(NCHUNK):
            h1, h2 = handles[c]
            h1.wait()
            h2.wait()
            ob, yb = zbufs[c % 2]

            def body(k, carry, c=c, ob=ob, yb=yb):
                num, den = carry
                sl = pl.ds(c * C + k * LANES, LANES)
                cl = pl.ds(k * LANES, LANES)
                liv = li_v[sl]
                o_i = plsc.load_gather(or_v, [liv])
                y_i = plsc.load_gather(yr_v, [liv])
                d_o = o_i - ob[cl]
                d_y = y_i - yb[cl]
                t = jnp.sign(d_y)
                num = num + jnp.maximum(0.0, -t * d_o)
                den = den + jnp.where(d_y != 0.0, 1.0, 0.0)
                return num, den

            num, den = lax.fori_loop(0, CV, body, (num, den), unroll=4)
            if c + 2 < NCHUNK:
                handles.append(fire(c + 2))
        nv[...] = num
        dv[...] = den
        pltpu.sync_copy(nv, out_hbm.at[wid])
        pltpu.sync_copy(dv, out_hbm.at[NUM_WORKERS + wid])

    return ranking_loss_kernel


_KERNEL_CACHE = {}


def kernel(outputs, y):
    o = outputs.reshape(-1)
    yy = y.reshape(-1)
    n = o.shape[0]
    li_np, jj_np, per_worker = _pair_indices(n)
    if n not in _KERNEL_CACHE:
        _KERNEL_CACHE[n] = _make_sc_kernel(n, per_worker)
    li = jnp.asarray(li_np)
    jj = jnp.asarray(jj_np)
    partials = _KERNEL_CACHE[n](o, yy, li, jj)
    num = jnp.sum(partials[:NUM_WORKERS])
    den = jnp.sum(partials[NUM_WORKERS:])
    return num / den

# --- scband reference (transcript-rebuilt; emitter-appended) ---
"""Pipeline reference for scband-pure-ranking-loss-20426864459776 (READ-ONLY COPY).

The authoritative reference and input builder live on the scoring server;
editing this copy changes nothing except your own understanding.
"""

import jax, jax.numpy as jnp
import numpy as np

MARGIN = 0.0
MAX_PAIRS = 500000

def setup_inputs(seed: int = 0) -> dict:
    key = jax.random.key(seed)
    k1, k2 = jax.random.split(key)
    outputs = jax.random.normal(k1, (1048576,), dtype=jnp.float32)
    y = jax.random.normal(k2, (1048576,), dtype=jnp.float32)
    return {"outputs": outputs, "y": y}

def reference(outputs, y):
    o = outputs.reshape(-1)
    yy = y.reshape(-1)
    n = o.shape[0]
    # torch.randint(0, n, (2, max_pairs)) -> fixed-key jax equivalent
    idx = jax.random.randint(jax.random.key(42), (2, MAX_PAIRS), 0, n)
    idx_i, idx_j = idx[0], idx[1]
    pair_mask = (idx_i != idx_j)
    y_diff = yy[idx_i] - yy[idx_j]
    target = jnp.sign(y_diff)
    # combine i!=j mask with target!=0 validity as weights (equivalent to
    # boolean-index filtering followed by mean over the surviving pairs)
    valid = pair_mask.astype(jnp.float32) * (target != 0).astype(jnp.float32)
    hinge = jnp.maximum(0.0, -target * (o[idx_i] - o[idx_j]) + MARGIN)
    loss = jnp.sum(valid * hinge) / jnp.sum(valid)
    return loss

if __name__ == "__main__":
    import jax
    _d = setup_inputs()
    print(jax.jit(kernel)(*tuple(_d.values())))

</pallas_src>

<mosaic_0001>
#map = affine_map<(d0, d1) -> (0)>
#map1 = affine_map<(d0, d1) -> (0, 0)>
module attributes {stable_mosaic.version = 14 : i64} {
  func.func @ranking_loss_kernel(%arg0: i32, %arg1: i32, %arg2: memref<1048576xf32, #tpu.memory_space<hbm>>, %arg3: memref<1048576xf32, #tpu.memory_space<hbm>>, %arg4: memref<512000xi32, #tpu.memory_space<hbm>>, %arg5: memref<512000xi32, #tpu.memory_space<hbm>>, %arg6: memref<64x16xf32, #tpu.memory_space<hbm>>, %arg7: memref<32768xf32, #tpu.memory_space<vmem>>, %arg8: memref<32768xf32, #tpu.memory_space<vmem>>, %arg9: memref<16000xi32, #tpu.memory_space<vmem>>, %arg10: memref<16000xi32, #tpu.memory_space<vmem>>, %arg11: memref<2000xf32, #tpu.memory_space<vmem>>, %arg12: memref<2000xf32, #tpu.memory_space<vmem>>, %arg13: memref<2000xf32, #tpu.memory_space<vmem>>, %arg14: memref<2000xf32, #tpu.memory_space<vmem>>, %arg15: memref<16xf32, #tpu.memory_space<vmem>>, %arg16: memref<16xf32, #tpu.memory_space<vmem>>, %arg17: memref<!tpu.dma_semaphore, #tpu.memory_space<semaphore_mem>>, %arg18: memref<!tpu.dma_semaphore, #tpu.memory_space<semaphore_mem>>, %arg19: memref<!tpu.dma_semaphore, #tpu.memory_space<semaphore_mem>>) attributes {dimension_semantics = [#tpu.dimension_semantics<core_parallel>, #tpu.dimension_semantics<subcore_parallel>], iteration_bounds = array<i64: 2, 16>, scalar_prefetch = 0 : i64, scratch_operands = 13 : i64, tpu.core_type = #tpu.core_type<sc_vector_subcore>, window_params = [{transform_indices = #map}, {transform_indices = #map}, {transform_indices = #map}, {transform_indices = #map}, {transform_indices = #map1}]} {
    %mul3A = arith.constant 2 : i32
    %mul3A_0 = arith.muli %arg1, %mul3A : i32
    %add3A = arith.addi %mul3A_0, %arg0 : i32
    %mul3A_1 = arith.constant 16000 : i32
    %mul3A_2 = arith.muli %add3A, %mul3A_1 : i32
    %mul3A_3 = arith.constant 32768 : i32
    %mul3A_4 = arith.muli %add3A, %mul3A_3 : i32
    "tpu.region"() ({
      %run_scoped3A = tpu.sem_alloc : memref<!tpu.dma_semaphore, #tpu.memory_space<semaphore_mem>>
      %dma_start3A_571 = tpu.memref_slice %arg5[%mul3A_2] : memref<512000xi32, #tpu.memory_space<hbm>> -> memref<16000xi32, #tpu.memory_space<hbm>>
      %dma_start3A_572 = tpu.memref_slice %arg5[%mul3A_2] : memref<512000xi32, #tpu.memory_space<hbm>> -> memref<16000xi32, #tpu.memory_space<hbm>>
      tpu.enqueue_dma source(%dma_start3A_572 : memref<16000xi32, #tpu.memory_space<hbm>>) target(%arg10 : memref<16000xi32, #tpu.memory_space<vmem>>) target_semaphore(%run_scoped3A : memref<!tpu.dma_semaphore, #tpu.memory_space<semaphore_mem>>)
      %dma_wait3A_573 = tpu.memref_slice %arg5[%mul3A_2] : memref<512000xi32, #tpu.memory_space<hbm>> -> memref<16000xi32, #tpu.memory_space<hbm>>
      %dma_wait3A_574 = tpu.memref_slice %arg5[%mul3A_2] : memref<512000xi32, #tpu.memory_space<hbm>> -> memref<16000xi32, #tpu.memory_space<hbm>>
      tpu.wait_dma2 semaphore(%run_scoped3A : memref<!tpu.dma_semaphore, #tpu.memory_space<semaphore_mem>>) src(%dma_wait3A_574 : memref<16000xi32, #tpu.memory_space<hbm>>) dst(%arg10 : memref<16000xi32, #tpu.memory_space<vmem>>)
      tpu.yield
    }) : () -> ()
    %dma_start3A = arith.constant 0 : i32
    %dma_start3A_5 = tpu.memref_slice %arg10[%dma_start3A] : memref<16000xi32, #tpu.memory_space<vmem>> -> memref<2000xi32, #tpu.memory_space<vmem>>
    %dma_start3A_6 = arith.constant 0 : i32
    %dma_start3A_7 = tpu.memref_slice %arg2[%dma_start3A_6] : memref<1048576xf32, #tpu.memory_space<hbm>> -> memref<1048576xf32, #tpu.memory_space<hbm>>
    tpu.enqueue_indirect_dma source(%dma_start3A_7 : memref<1048576xf32, #tpu.memory_space<hbm>>) target(%arg11 : memref<2000xf32, #tpu.memory_space<vmem>>) offsets(%dma_start3A_5 : memref<2000xi32, #tpu.memory_space<vmem>>) semaphore(%arg17 : memref<!tpu.dma_semaphore, #tpu.memory_space<semaphore_mem>>)
    %dma_start3A_8 = arith.constant 0 : i32
    %dma_start3A_9 = tpu.memref_slice %arg10[%dma_start3A_8] : memref<16000xi32, #tpu.memory_space<vmem>> -> memref<2000xi32, #tpu.memory_space<vmem>>
    %dma_start3A_10 = arith.constant 0 : i32
    %dma_start3A_11 = tpu.memref_slice %arg3[%dma_start3A_10] : memref<1048576xf32, #tpu.memory_space<hbm>> -> memref<1048576xf32, #tpu.memory_space<hbm>>
    tpu.enqueue_indirect_dma source(%dma_start3A_11 : memref<1048576xf32, #tpu.memory_space<hbm>>) target(%arg12 : memref<2000xf32, #tpu.memory_space<vmem>>) offsets(%dma_start3A_9 : memref<2000xi32, #tpu.memory_space<vmem>>) semaphore(%arg17 : memref<!tpu.dma_semaphore, #tpu.memory_space<semaphore_mem>>)
    %dma_start3A_12 = arith.constant 2000 : i32
    %dma_start3A_13 = tpu.memref_slice %arg10[%dma_start3A_12] : memref<16000xi32, #tpu.memory_space<vmem>> -> memref<2000xi32, #tpu.memory_space<vmem>>
    %dma_start3A_14 = arith.constant 0 : i32
    %dma_start3A_15 = tpu.memref_slice %arg2[%dma_start3A_14] : memref<1048576xf32, #tpu.memory_space<hbm>> -> memref<1048576xf32, #tpu.memory_space<hbm>>
    tpu.enqueue_indirect_dma source(%dma_start3A_15 : memref<1048576xf32, #tpu.memory_space<hbm>>) target(%arg13 : memref<2000xf32, #tpu.memory_space<vmem>>) offsets(%dma_start3A_13 : memref<2000xi32, #tpu.memory_space<vmem>>) semaphore(%arg18 : memref<!tpu.dma_semaphore, #tpu.memory_space<semaphore_mem>>)
    %dma_start3A_16 = arith.constant 2000 : i32
    %dma_start3A_17 = tpu.memref_slice %arg10[%dma_start3A_16] : memref<16000xi32, #tpu.memory_space<vmem>> -> memref<2000xi32, #tpu.memory_space<vmem>>
    %dma_start3A_18 = arith.constant 0 : i32
    %dma_start3A_19 = tpu.memref_slice %arg3[%dma_start3A_18] : memref<1048576xf32, #tpu.memory_space<hbm>> -> memref<1048576xf32, #tpu.memory_space<hbm>>
    tpu.enqueue_indirect_dma source(%dma_start3A_19 : memref<1048576xf32, #tpu.memory_space<hbm>>) target(%arg14 : memref<2000xf32, #tpu.memory_space<vmem>>) offsets(%dma_start3A_17 : memref<2000xi32, #tpu.memory_space<vmem>>) semaphore(%arg18 : memref<!tpu.dma_semaphore, #tpu.memory_space<semaphore_mem>>)
    %dma_start3A_20 = tpu.memref_slice %arg2[%mul3A_4] : memref<1048576xf32, #tpu.memory_space<hbm>> -> memref<32768xf32, #tpu.memory_space<hbm>>
    %dma_start3A_21 = tpu.memref_slice %arg2[%mul3A_4] : memref<1048576xf32, #tpu.memory_space<hbm>> -> memref<32768xf32, #tpu.memory_space<hbm>>
    tpu.enqueue_dma source(%dma_start3A_21 : memref<32768xf32, #tpu.memory_space<hbm>>) target(%arg7 : memref<32768xf32, #tpu.memory_space<vmem>>) target_semaphore(%arg19 : memref<!tpu.dma_semaphore, #tpu.memory_space<semaphore_mem>>)
    %dma_start3A_22 = tpu.memref_slice %arg3[%mul3A_4] : memref<1048576xf32, #tpu.memory_space<hbm>> -> memref<32768xf32, #tpu.memory_space<hbm>>
    %dma_start3A_23 = tpu.memref_slice %arg3[%mul3A_4] : memref<1048576xf32, #tpu.memory_space<hbm>> -> memref<32768xf32, #tpu.memory_space<hbm>>
    tpu.enqueue_dma source(%dma_start3A_23 : memref<32768xf32, #tpu.memory_space<hbm>>) target(%arg8 : memref<32768xf32, #tpu.memory_space<vmem>>) target_semaphore(%arg19 : memref<!tpu.dma_semaphore, #tpu.memory_space<semaphore_mem>>)
    %dma_start3A_24 = tpu.memref_slice %arg4[%mul3A_2] : memref<512000xi32, #tpu.memory_space<hbm>> -> memref<16000xi32, #tpu.memory_space<hbm>>
    %dma_start3A_25 = tpu.memref_slice %arg4[%mul3A_2] : memref<512000xi32, #tpu.memory_space<hbm>> -> memref<16000xi32, #tpu.memory_space<hbm>>
    tpu.enqueue_dma source(%dma_start3A_25 : memref<16000xi32, #tpu.memory_space<hbm>>) target(%arg9 : memref<16000xi32, #tpu.memory_space<vmem>>) target_semaphore(%arg19 : memref<!tpu.dma_semaphore, #tpu.memory_space<semaphore_mem>>)
    %dma_wait3A = tpu.memref_slice %arg2[%mul3A_4] : memref<1048576xf32, #tpu.memory_space<hbm>> -> memref<32768xf32, #tpu.memory_space<hbm>>
    %dma_wait3A_26 = tpu.memref_slice %arg2[%mul3A_4] : memref<1048576xf32, #tpu.memory_space<hbm>> -> memref<32768xf32, #tpu.memory_space<hbm>>
    tpu.wait_dma2 semaphore(%arg19 : memref<!tpu.dma_semaphore, #tpu.memory_space<semaphore_mem>>) src(%dma_wait3A_26 : memref<32768xf32, #tpu.memory_space<hbm>>) dst(%arg7 : memref<32768xf32, #tpu.memory_space<vmem>>)
    %dma_wait3A_27 = tpu.memref_slice %arg3[%mul3A_4] : memref<1048576xf32, #tpu.memory_space<hbm>> -> memref<32768xf32, #tpu.memory_space<hbm>>
    %dma_wait3A_28 = tpu.memref_slice %arg3[%mul3A_4] : memref<1048576xf32, #tpu.memory_space<hbm>> -> memref<32768xf32, #tpu.memory_space<hbm>>
    tpu.wait_dma2 semaphore(%arg19 : memref<!tpu.dma_semaphore, #tpu.memory_space<semaphore_mem>>) src(%dma_wait3A_28 : memref<32768xf32, #tpu.memory_space<hbm>>) dst(%arg8 : memref<32768xf32, #tpu.memory_space<vmem>>)
    %dma_wait3A_29 = tpu.memref_slice %arg4[%mul3A_2] : memref<512000xi32, #tpu.memory_space<hbm>> -> memref<16000xi32, #tpu.memory_space<hbm>>
    %dma_wait3A_30 = tpu.memref_slice %arg4[%mul3A_2] : memref<512000xi32, #tpu.memory_space<hbm>> -> memref<16000xi32, #tpu.memory_space<hbm>>
    tpu.wait_dma2 semaphore(%arg19 : memref<!tpu.dma_semaphore, #tpu.memory_space<semaphore_mem>>) src(%dma_wait3A_30 : memref<16000xi32, #tpu.memory_space<hbm>>) dst(%arg9 : memref<16000xi32, #tpu.memory_space<vmem>>)
    %broadcast_in_dim3A = arith.constant 0.000000e+00 : f32
    %broadcast_in_dim3A_31 = vector.broadcast %broadcast_in_dim3A : f32 to vector<16xf32>
    %dma_wait3A_32 = arith.constant 0 : i32
    %dma_wait3A_33 = tpu.memref_slice %arg10[%dma_wait3A_32] : memref<16000xi32, #tpu.memory_space<vmem>> -> memref<2000xi32, #tpu.memory_space<vmem>>
    %dma_wait3A_34 = arith.constant 0 : i32
    %dma_wait3A_35 = tpu.memref_slice %arg2[%dma_wait3A_34] : memref<1048576xf32, #tpu.memory_space<hbm>> -> memref<1048576xf32, #tpu.memory_space<hbm>>
    tpu.wait_indirect_dma semaphore(%arg17 : memref<!tpu.dma_semaphore, #tpu.memory_space<semaphore_mem>>) src(%dma_wait3A_35 : memref<1048576xf32, #tpu.memory_space<hbm>>) dst(%arg11 : memref<2000xf32, #tpu.memory_space<vmem>>)
    %dma_wait3A_36 = arith.constant 0 : i32
    %dma_wait3A_37 = tpu.memref_slice %arg10[%dma_wait3A_36] : memref<16000xi32, #tpu.memory_space<vmem>> -> memref<2000xi32, #tpu.memory_space<vmem>>
    %dma_wait3A_38 = arith.constant 0 : i32
    %dma_wait3A_39 = tpu.memref_slice %arg3[%dma_wait3A_38] : memref<1048576xf32, #tpu.memory_space<hbm>> -> memref<1048576xf32, #tpu.memory_space<hbm>>
    tpu.wait_indirect_dma semaphore(%arg17 : memref<!tpu.dma_semaphore, #tpu.memory_space<semaphore_mem>>) src(%dma_wait3A_39 : memref<1048576xf32, #tpu.memory_space<hbm>>) dst(%arg12 : memref<2000xf32, #tpu.memory_space<vmem>>)
    %scan3A = arith.constant 0 : i32
    %scan3A_40 = arith.constant 124 : i32
    %scan3A_41 = arith.addi %scan3A, %scan3A_40 : i32
    %scan3A_42 = arith.constant 4 : i32
    %scan3A_43:2 = scf.for %scan3A_571 = %scan3A to %scan3A_41 step %scan3A_42 iter_args(%scan3A_572 = %broadcast_in_dim3A_31, %scan3A_573 = %broadcast_in_dim3A_31) -> (vector<16xf32>, vector<16xf32>)  : i32 {
      %mul3A_574 = arith.constant 16 : i32
      %mul3A_575 = arith.muli %scan3A_571, %mul3A_574 : i32
      %add3A_576 = arith.constant 0 : i32
      %add3A_577 = arith.addi %add3A_576, %mul3A_575 : i32
      %mul3A_578 = arith.constant 16 : i32
      %mul3A_579 = arith.muli %scan3A_571, %mul3A_578 : i32
      %get3A_580 = arith.index_cast %add3A_577 : i32 to index
      %get3A_581 = tpu.vector_load %arg9[%get3A_580] {strides = array<i32>} : memref<16000xi32, #tpu.memory_space<vmem>>, vector<16xi32>,
      %gather3A_582 = tpu.vector_load_idx %arg7[%get3A_581] : memref<32768xf32, #tpu.memory_space<vmem>>[vector<16xi32>], vector<16xf32>,
      %gather3A_583 = tpu.vector_load_idx %arg8[%get3A_581] : memref<32768xf32, #tpu.memory_space<vmem>>[vector<16xi32>], vector<16xf32>,
      %get3A_584 = arith.index_cast %mul3A_579 : i32 to index
      %get3A_585 = tpu.vector_load %arg11[%get3A_584] {strides = array<i32>} : memref<2000xf32, #tpu.memory_space<vmem>>, vector<16xf32>,
      %sub3A_586 = arith.subf %gather3A_582, %get3A_585 : vector<16xf32>
      %get3A_587 = arith.index_cast %mul3A_579 : i32 to index
      %get3A_588 = tpu.vector_load %arg12[%get3A_587] {strides = array<i32>} : memref<2000xf32, #tpu.memory_space<vmem>>, vector<16xf32>,
      %sub3A_589 = arith.subf %gather3A_583, %get3A_588 : vector<16xf32>
      %sign3A_590 = tpu.bitcast %sub3A_589 : vector<16xf32> -> vector<16xi32>
      %sign3A_591 = arith.constant -2147483648 : i32
      %sign3A_592 = vector.broadcast %sign3A_591 : i32 to vector<16xi32>
      %sign3A_593 = arith.andi %sign3A_590, %sign3A_592 : vector<16xi32>
      %sign3A_594 = arith.constant 1065353216 : i32
      %sign3A_595 = vector.broadcast %sign3A_594 : i32 to vector<16xi32>
      %sign3A_596 = arith.ori %sign3A_595, %sign3A_593 : vector<16xi32>
      %sign3A_597 = tpu.bitcast %sign3A_596 : vector<16xi32> -> vector<16xf32>
      %sign3A_598 = math.absf %sub3A_589 : vector<16xf32>
      %sign3A_599 = arith.constant 0.000000e+00 : f32
      %sign3A_600 = vector.broadcast %sign3A_599 : f32 to vector<16xf32>
      %sign3A_601 = arith.cmpf ogt, %sign3A_598, %sign3A_600 : vector<16xf32>
      %sign3A_602 = arith.select %sign3A_601, %sign3A_597, %sub3A_589 : vector<16xi1>, vector<16xf32>
      %neg3A_603 = arith.constant 0.000000e+00 : f32
      %neg3A_604 = vector.broadcast %neg3A_603 : f32 to vector<16xf32>
      %neg3A_605 = arith.subf %neg3A_604, %sign3A_602 : vector<16xf32>
      %mul3A_606 = arith.mulf %neg3A_605, %sub3A_586 : vector<16xf32>
      %max3A_607 = arith.constant 0.000000e+00 : f32
      %max3A_608 = vector.broadcast %max3A_607 : f32 to vector<16xf32>
      %max3A_609 = arith.maximumf %max3A_608, %mul3A_606 : vector<16xf32>
      %add3A_610 = arith.addf %scan3A_572, %max3A_609 : vector<16xf32>
      %ne3A_611 = arith.constant 0.000000e+00 : f32
      %ne3A_612 = vector.broadcast %ne3A_611 : f32 to vector<16xf32>
      %ne3A_613 = arith.cmpf one, %sub3A_589, %ne3A_612 : vector<16xf32>
      %jit3A_614 = arith.constant 1.000000e+00 : f32
      %jit3A_615 = arith.constant 0.000000e+00 : f32
      %broadcast_in_dim3A_616 = vector.broadcast %jit3A_614 : f32 to vector<16xf32>
      %broadcast_in_dim3A_617 = vector.broadcast %jit3A_615 : f32 to vector<16xf32>
      %select_n3A_618 = arith.select %ne3A_613, %broadcast_in_dim3A_616, %broadcast_in_dim3A_617 : vector<16xi1>, vector<16xf32>
      %add3A_619 = arith.addf %scan3A_573, %select_n3A_618 : vector<16xf32>
      %scan3A_620 = arith.constant 1 : i32
      %scan3A_621 = arith.addi %scan3A_571, %scan3A_620 : i32
      %mul3A_622 = arith.constant 16 : i32
      %mul3A_623 = arith.muli %scan3A_621, %mul3A_622 : i32
      %add3A_624 = arith.constant 0 : i32
      %add3A_625 = arith.addi %add3A_624, %mul3A_623 : i32
      %mul3A_626 = arith.constant 16 : i32
      %mul3A_627 = arith.muli %scan3A_621, %mul3A_626 : i32
      %get3A_628 = arith.index_cast %add3A_625 : i32 to index
      %get3A_629 = tpu.vector_load %arg9[%get3A_628] {strides = array<i32>} : memref<16000xi32, #tpu.memory_space<vmem>>, vector<16xi32>,
      %gather3A_630 = tpu.vector_load_idx %arg7[%get3A_629] : memref<32768xf32, #tpu.memory_space<vmem>>[vector<16xi32>], vector<16xf32>,
      %gather3A_631 = tpu.vector_load_idx %arg8[%get3A_629] : memref<32768xf32, #tpu.memory_space<vmem>>[vector<16xi32>], vector<16xf32>,
      %get3A_632 = arith.index_cast %mul3A_627 : i32 to index
      %get3A_633 = tpu.vector_load %arg11[%get3A_632] {strides = array<i32>} : memref<2000xf32, #tpu.memory_space<vmem>>, vector<16xf32>,
      %sub3A_634 = arith.subf %gather3A_630, %get3A_633 : vector<16xf32>
      %get3A_635 = arith.index_cast %mul3A_627 : i32 to index
      %get3A_636 = tpu.vector_load %arg12[%get3A_635] {strides = array<i32>} : memref<2000xf32, #tpu.memory_space<vmem>>, vector<16xf32>,
      %sub3A_637 = arith.subf %gather3A_631, %get3A_636 : vector<16xf32>
      %sign3A_638 = tpu.bitcast %sub3A_637 : vector<16xf32> -> vector<16xi32>
      %sign3A_639 = arith.constant -2147483648 : i32
      %sign3A_640 = vector.broadcast %sign3A_639 : i32 to vector<16xi32>
      %sign3A_641 = arith.andi %sign3A_638, %sign3A_640 : vector<16xi32>
      %sign3A_642 = arith.constant 1065353216 : i32
      %sign3A_643 = vector.broadcast %sign3A_642 : i32 to vector<16xi32>
      %sign3A_644 = arith.ori %sign3A_643, %sign3A_641 : vector<16xi32>
      %sign3A_645 = tpu.bitcast %sign3A_644 : vector<16xi32> -> vector<16xf32>
      %sign3A_646 = math.absf %sub3A_637 : vector<16xf32>
      %sign3A_647 = arith.constant 0.000000e+00 : f32
      %sign3A_648 = vector.broadcast %sign3A_647 : f32 to vector<16xf32>
      %sign3A_649 = arith.cmpf ogt, %sign3A_646, %sign3A_648 : vector<16xf32>
      %sign3A_650 = arith.select %sign3A_649, %sign3A_645, %sub3A_637 : vector<16xi1>, vector<16xf32>
      %neg3A_651 = arith.constant 0.000000e+00 : f32
      %neg3A_652 = vector.broadcast %neg3A_651 : f32 to vector<16xf32>
      %neg3A_653 = arith.subf %neg3A_652, %sign3A_650 : vector<16xf32>
      %mul3A_654 = arith.mulf %neg3A_653, %sub3A_634 : vector<16xf32>
      %max3A_655 = arith.constant 0.000000e+00 : f32
      %max3A_656 = vector.broadcast %max3A_655 : f32 to vector<16xf32>
      %max3A_657 = arith.maximumf %max3A_656, %mul3A_654 : vector<16xf32>
      %add3A_658 = arith.addf %add3A_610, %max3A_657 : vector<16xf32>
      %ne3A_659 = arith.constant 0.000000e+00 : f32
      %ne3A_660 = vector.broadcast %ne3A_659 : f32 to vector<16xf32>
      %ne3A_661 = arith.cmpf one, %sub3A_637, %ne3A_660 : vector<16xf32>
      %jit3A_662 = arith.constant 1.000000e+00 : f32
      %jit3A_663 = arith.constant 0.000000e+00 : f32
      %broadcast_in_dim3A_664 = vector.broadcast %jit3A_662 : f32 to vector<16xf32>
      %broadcast_in_dim3A_665 = vector.broadcast %jit3A_663 : f32 to vector<16xf32>
      %select_n3A_666 = arith.select %ne3A_661, %broadcast_in_dim3A_664, %broadcast_in_dim3A_665 : vector<16xi1>, vector<16xf32>
      %add3A_667 = arith.addf %add3A_619, %select_n3A_666 : vector<16xf32>
      %scan3A_668 = arith.constant 2 : i32
      %scan3A_669 = arith.addi %scan3A_571, %scan3A_668 : i32
      %mul3A_670 = arith.constant 16 : i32
      %mul3A_671 = arith.muli %scan3A_669, %mul3A_670 : i32
      %add3A_672 = arith.constant 0 : i32
      %add3A_673 = arith.addi %add3A_672, %mul3A_671 : i32
      %mul3A_674 = arith.constant 16 : i32
      %mul3A_675 = arith.muli %scan3A_669, %mul3A_674 : i32
      %get3A_676 = arith.index_cast %add3A_673 : i32 to index
      %get3A_677 = tpu.vector_load %arg9[%get3A_676] {strides = array<i32>} : memref<16000xi32, #tpu.memory_space<vmem>>, vector<16xi32>,
      %gather3A_678 = tpu.vector_load_idx %arg7[%get3A_677] : memref<32768xf32, #tpu.memory_space<vmem>>[vector<16xi32>], vector<16xf32>,
      %gather3A_679 = tpu.vector_load_idx %arg8[%get3A_677] : memref<32768xf32, #tpu.memory_space<vmem>>[vector<16xi32>], vector<16xf32>,
      %get3A_680 = arith.index_cast %mul3A_675 : i32 to index
      %get3A_681 = tpu.vector_load %arg11[%get3A_680] {strides = array<i32>} : memref<2000xf32, #tpu.memory_space<vmem>>, vector<16xf32>,
      %sub3A_682 = arith.subf %gather3A_678, %get3A_681 : vector<16xf32>
      %get3A_683 = arith.index_cast %mul3A_675 : i32 to index
      %get3A_684 = tpu.vector_load %arg12[%get3A_683] {strides = array<i32>} : memref<2000xf32, #tpu.memory_space<vmem>>, vector<16xf32>,
      %sub3A_685 = arith.subf %gather3A_679, %get3A_684 : vector<16xf32>
      %sign3A_686 = tpu.bitcast %sub3A_685 : vector<16xf32> -> vector<16xi32>
      %sign3A_687 = arith.constant -2147483648 : i32
      %sign3A_688 = vector.broadcast %sign3A_687 : i32 to vector<16xi32>
      %sign3A_689 = arith.andi %sign3A_686, %sign3A_688 : vector<16xi32>
      %sign3A_690 = arith.constant 1065353216 : i32
      %sign3A_691 = vector.broadcast %sign3A_690 : i32 to vector<16xi32>
      %sign3A_692 = arith.ori %sign3A_691, %sign3A_689 : vector<16xi32>
      %sign3A_693 = tpu.bitcast %sign3A_692 : vector<16xi32> -> vector<16xf32>
      %sign3A_694 = math.absf %sub3A_685 : vector<16xf32>
      %sign3A_695 = arith.constant 0.000000e+00 : f32
      %sign3A_696 = vector.broadcast %sign3A_695 : f32 to vector<16xf32>
      %sign3A_697 = arith.cmpf ogt, %sign3A_694, %sign3A_696 : vector<16xf32>
      %sign3A_698 = arith.select %sign3A_697, %sign3A_693, %sub3A_685 : vector<16xi1>, vector<16xf32>
      %neg3A_699 = arith.constant 0.000000e+00 : f32
      %neg3A_700 = vector.broadcast %neg3A_699 : f32 to vector<16xf32>
      %neg3A_701 = arith.subf %neg3A_700, %sign3A_698 : vector<16xf32>
      %mul3A_702 = arith.mulf %neg3A_701, %sub3A_682 : vector<16xf32>
      %max3A_703 = arith.constant 0.000000e+00 : f32
      %max3A_704 = vector.broadcast %max3A_703 : f32 to vector<16xf32>
      %max3A_705 = arith.maximumf %max3A_704, %mul3A_702 : vector<16xf32>
      %add3A_706 = arith.addf %add3A_658, %max3A_705 : vector<16xf32>
      %ne3A_707 = arith.constant 0.000000e+00 : f32
      %ne3A_708 = vector.broadcast %ne3A_707 : f32 to vector<16xf32>
      %ne3A_709 = arith.cmpf one, %sub3A_685, %ne3A_708 : vector<16xf32>
      %jit3A_710 = arith.constant 1.000000e+00 : f32
      %jit3A_711 = arith.constant 0.000000e+00 : f32
      %broadcast_in_dim3A_712 = vector.broadcast %jit3A_710 : f32 to vector<16xf32>
      %broadcast_in_dim3A_713 = vector.broadcast %jit3A_711 : f32 to vector<16xf32>
      %select_n3A_714 = arith.select %ne3A_709, %broadcast_in_dim3A_712, %broadcast_in_dim3A_713 : vector<16xi1>, vector<16xf32>
      %add3A_715 = arith.addf %add3A_667, %select_n3A_714 : vector<16xf32>
      %scan3A_716 = arith.constant 3 : i32
      %scan3A_717 = arith.addi %scan3A_571, %scan3A_716 : i32
      %mul3A_718 = arith.constant 16 : i32
      %mul3A_719 = arith.muli %scan3A_717, %mul3A_718 : i32
      %add3A_720 = arith.constant 0 : i32
      %add3A_721 = arith.addi %add3A_720, %mul3A_719 : i32
      %mul3A_722 = arith.constant 16 : i32
      %mul3A_723 = arith.muli %scan3A_717, %mul3A_722 : i32
      %get3A_724 = arith.index_cast %add3A_721 : i32 to index
      %get3A_725 = tpu.vector_load %arg9[%get3A_724] {strides = array<i32>} : memref<16000xi32, #tpu.memory_space<vmem>>, vector<16xi32>,
      %gather3A_726 = tpu.vector_load_idx %arg7[%get3A_725] : memref<32768xf32, #tpu.memory_space<vmem>>[vector<16xi32>], vector<16xf32>,
      %gather3A_727 = tpu.vector_load_idx %arg8[%get3A_725] : memref<32768xf32, #tpu.memory_space<vmem>>[vector<16xi32>], vector<16xf32>,
      %get3A_728 = arith.index_cast %mul3A_723 : i32 to index
      %get3A_729 = tpu.vector_load %arg11[%get3A_728] {strides = array<i32>} : memref<2000xf32, #tpu.memory_space<vmem>>, vector<16xf32>,
      %sub3A_730 = arith.subf %gather3A_726, %get3A_729 : vector<16xf32>
      %get3A_731 = arith.index_cast %mul3A_723 : i32 to index
      %get3A_732 = tpu.vector_load %arg12[%get3A_731] {strides = array<i32>} : memref<2000xf32, #tpu.memory_space<vmem>>, vector<16xf32>,
      %sub3A_733 = arith.subf %gather3A_727, %get3A_732 : vector<16xf32>
      %sign3A_734 = tpu.bitcast %sub3A_733 : vector<16xf32> -> vector<16xi32>
      %sign3A_735 = arith.constant -2147483648 : i32
      %sign3A_736 = vector.broadcast %sign3A_735 : i32 to vector<16xi32>
      %sign3A_737 = arith.andi %sign3A_734, %sign3A_736 : vector<16xi32>
      %sign3A_738 = arith.constant 1065353216 : i32
      %sign3A_739 = vector.broadcast %sign3A_738 : i32 to vector<16xi32>
      %sign3A_740 = arith.ori %sign3A_739, %sign3A_737 : vector<16xi32>
      %sign3A_741 = tpu.bitcast %sign3A_740 : vector<16xi32> -> vector<16xf32>
      %sign3A_742 = math.absf %sub3A_733 : vector<16xf32>
      %sign3A_743 = arith.constant 0.000000e+00 : f32
      %sign3A_744 = vector.broadcast %sign3A_743 : f32 to vector<16xf32>
      %sign3A_745 = arith.cmpf ogt, %sign3A_742, %sign3A_744 : vector<16xf32>
      %sign3A_746 = arith.select %sign3A_745, %sign3A_741, %sub3A_733 : vector<16xi1>, vector<16xf32>
      %neg3A_747 = arith.constant 0.000000e+00 : f32
      %neg3A_748 = vector.broadcast %neg3A_747 : f32 to vector<16xf32>
      %neg3A_749 = arith.subf %neg3A_748, %sign3A_746 : vector<16xf32>
      %mul3A_750 = arith.mulf %neg3A_749, %sub3A_730 : vector<16xf32>
      %max3A_751 = arith.constant 0.000000e+00 : f32
      %max3A_752 = vector.broadcast %max3A_751 : f32 to vector<16xf32>
      %max3A_753 = arith.maximumf %max3A_752, %mul3A_750 : vector<16xf32>
      %add3A_754 = arith.addf %add3A_706, %max3A_753 : vector<16xf32>
      %ne3A_755 = arith.constant 0.000000e+00 : f32
      %ne3A_756 = vector.broadcast %ne3A_755 : f32 to vector<16xf32>
      %ne3A_757 = arith.cmpf one, %sub3A_733, %ne3A_756 : vector<16xf32>
      %jit3A_758 = arith.constant 1.000000e+00 : f32
      %jit3A_759 = arith.constant 0.000000e+00 : f32
      %broadcast_in_dim3A_760 = vector.broadcast %jit3A_758 : f32 to vector<16xf32>
      %broadcast_in_dim3A_761 = vector.broadcast %jit3A_759 : f32 to vector<16xf32>
      %select_n3A_762 = arith.select %ne3A_757, %broadcast_in_dim3A_760, %broadcast_in_dim3A_761 : vector<16xi1>, vector<16xf32>
      %add3A_763 = arith.addf %add3A_715, %select_n3A_762 : vector<16xf32>
      scf.yield %add3A_754, %add3A_763 : vector<16xf32>, vector<16xf32>
    }
    %scan3A_44 = arith.constant 124 : i32
    %scan3A_45 = arith.addi %scan3A, %scan3A_44 : i32
    %mul3A_46 = arith.constant 16 : i32
    %mul3A_47 = arith.muli %scan3A_45, %mul3A_46 : i32
    %add3A_48 = arith.constant 0 : i32
    %add3A_49 = arith.addi %add3A_48, %mul3A_47 : i32
    %mul3A_50 = arith.constant 16 : i32
    %mul3A_51 = arith.muli %scan3A_45, %mul3A_50 : i32
    %get3A = arith.index_cast %add3A_49 : i32 to index
    %get3A_52 = tpu.vector_load %arg9[%get3A] {strides = array<i32>} : memref<16000xi32, #tpu.memory_space<vmem>>, vector<16xi32>,
    %gather3A = tpu.vector_load_idx %arg7[%get3A_52] : memref<32768xf32, #tpu.memory_space<vmem>>[vector<16xi32>], vector<16xf32>,
    %gather3A_53 = tpu.vector_load_idx %arg8[%get3A_52] : memref<32768xf32, #tpu.memory_space<vmem>>[vector<16xi32>], vector<16xf32>,
    %get3A_54 = arith.index_cast %mul3A_51 : i32 to index
    %get3A_55 = tpu.vector_load %arg11[%get3A_54] {strides = array<i32>} : memref<2000xf32, #tpu.memory_space<vmem>>, vector<16xf32>,
    %sub3A = arith.subf %gather3A, %get3A_55 : vector<16xf32>
    %get3A_56 = arith.index_cast %mul3A_51 : i32 to index
    %get3A_57 = tpu.vector_load %arg12[%get3A_56] {strides = array<i32>} : memref<2000xf32, #tpu.memory_space<vmem>>, vector<16xf32>,
    %sub3A_58 = arith.subf %gather3A_53, %get3A_57 : vector<16xf32>
    %sign3A = tpu.bitcast %sub3A_58 : vector<16xf32> -> vector<16xi32>
    %sign3A_59 = arith.constant -2147483648 : i32
    %sign3A_60 = vector.broadcast %sign3A_59 : i32 to vector<16xi32>
    %sign3A_61 = arith.andi %sign3A, %sign3A_60 : vector<16xi32>
    %sign3A_62 = arith.constant 1065353216 : i32
    %sign3A_63 = vector.broadcast %sign3A_62 : i32 to vector<16xi32>
    %sign3A_64 = arith.ori %sign3A_63, %sign3A_61 : vector<16xi32>
    %sign3A_65 = tpu.bitcast %sign3A_64 : vector<16xi32> -> vector<16xf32>
    %sign3A_66 = math.absf %sub3A_58 : vector<16xf32>
    %sign3A_67 = arith.constant 0.000000e+00 : f32
    %sign3A_68 = vector.broadcast %sign3A_67 : f32 to vector<16xf32>
    %sign3A_69 = arith.cmpf ogt, %sign3A_66, %sign3A_68 : vector<16xf32>
    %sign3A_70 = arith.select %sign3A_69, %sign3A_65, %sub3A_58 : vector<16xi1>, vector<16xf32>
    %neg3A = arith.constant 0.000000e+00 : f32
    %neg3A_71 = vector.broadcast %neg3A : f32 to vector<16xf32>
    %neg3A_72 = arith.subf %neg3A_71, %sign3A_70 : vector<16xf32>
    %mul3A_73 = arith.mulf %neg3A_72, %sub3A : vector<16xf32>
    %max3A = arith.constant 0.000000e+00 : f32
    %max3A_74 = vector.broadcast %max3A : f32 to vector<16xf32>
    %max3A_75 = arith.maximumf %max3A_74, %mul3A_73 : vector<16xf32>
    %add3A_76 = arith.addf %scan3A_43#0, %max3A_75 : vector<16xf32>
    %ne3A = arith.constant 0.000000e+00 : f32
    %ne3A_77 = vector.broadcast %ne3A : f32 to vector<16xf32>
    %ne3A_78 = arith.cmpf one, %sub3A_58, %ne3A_77 : vector<16xf32>
    %jit3A = arith.constant 1.000000e+00 : f32
    %jit3A_79 = arith.constant 0.000000e+00 : f32
    %broadcast_in_dim3A_80 = vector.broadcast %jit3A : f32 to vector<16xf32>
    %broadcast_in_dim3A_81 = vector.broadcast %jit3A_79 : f32 to vector<16xf32>
    %select_n3A = arith.select %ne3A_78, %broadcast_in_dim3A_80, %broadcast_in_dim3A_81 : vector<16xi1>, vector<16xf32>
    %add3A_82 = arith.addf %scan3A_43#1, %select_n3A : vector<16xf32>
    %scan3A_83 = arith.constant 125 : i32
    %dma_start3A_84 = arith.constant 4000 : i32
    %dma_start3A_85 = tpu.memref_slice %arg10[%dma_start3A_84] : memref<16000xi32, #tpu.memory_space<vmem>> -> memref<2000xi32, #tpu.memory_space<vmem>>
    %dma_start3A_86 = arith.constant 0 : i32
    %dma_start3A_87 = tpu.memref_slice %arg2[%dma_start3A_86] : memref<1048576xf32, #tpu.memory_space<hbm>> -> memref<1048576xf32, #tpu.memory_space<hbm>>
    tpu.enqueue_indirect_dma source(%dma_start3A_87 : memref<1048576xf32, #tpu.memory_space<hbm>>) target(%arg11 : memref<2000xf32, #tpu.memory_space<vmem>>) offsets(%dma_start3A_85 : memref<2000xi32, #tpu.memory_space<vmem>>) semaphore(%arg17 : memref<!tpu.dma_semaphore, #tpu.memory_space<semaphore_mem>>)
    %dma_start3A_88 = arith.constant 4000 : i32
    %dma_start3A_89 = tpu.memref_slice %arg10[%dma_start3A_88] : memref<16000xi32, #tpu.memory_space<vmem>> -> memref<2000xi32, #tpu.memory_space<vmem>>
    %dma_start3A_90 = arith.constant 0 : i32
    %dma_start3A_91 = tpu.memref_slice %arg3[%dma_start3A_90] : memref<1048576xf32, #tpu.memory_space<hbm>> -> memref<1048576xf32, #tpu.memory_space<hbm>>
    tpu.enqueue_indirect_dma source(%dma_start3A_91 : memref<1048576xf32, #tpu.memory_space<hbm>>) target(%arg12 : memref<2000xf32, #tpu.memory_space<vmem>>) offsets(%dma_start3A_89 : memref<2000xi32, #tpu.memory_space<vmem>>) semaphore(%arg17 : memref<!tpu.dma_semaphore, #tpu.memory_space<semaphore_mem>>)
    %dma_wait3A_92 = arith.constant 2000 : i32
    %dma_wait3A_93 = tpu.memref_slice %arg10[%dma_wait3A_92] : memref<16000xi32, #tpu.memory_space<vmem>> -> memref<2000xi32, #tpu.memory_space<vmem>>
    %dma_wait3A_94 = arith.constant 0 : i32
    %dma_wait3A_95 = tpu.memref_slice %arg2[%dma_wait3A_94] : memref<1048576xf32, #tpu.memory_space<hbm>> -> memref<1048576xf32, #tpu.memory_space<hbm>>
    tpu.wait_indirect_dma semaphore(%arg18 : memref<!tpu.dma_semaphore, #tpu.memory_space<semaphore_mem>>) src(%dma_wait3A_95 : memref<1048576xf32, #tpu.memory_space<hbm>>) dst(%arg13 : memref<2000xf32, #tpu.memory_space<vmem>>)
    %dma_wait3A_96 = arith.constant 2000 : i32
    %dma_wait3A_97 = tpu.memref_slice %arg10[%dma_wait3A_96] : memref<16000xi32, #tpu.memory_space<vmem>> -> memref<2000xi32, #tpu.memory_space<vmem>>
    %dma_wait3A_98 = arith.constant 0 : i32
    %dma_wait3A_99 = tpu.memref_slice %arg3[%dma_wait3A_98] : memref<1048576xf32, #tpu.memory_space<hbm>> -> memref<1048576xf32, #tpu.memory_space<hbm>>
    tpu.wait_indirect_dma semaphore(%arg18 : memref<!tpu.dma_semaphore, #tpu.memory_space<semaphore_mem>>) src(%dma_wait3A_99 : memref<1048576xf32, #tpu.memory_space<hbm>>) dst(%arg14 : memref<2000xf32, #tpu.memory_space<vmem>>)
    %scan3A_100 = arith.constant 0 : i32
    %scan3A_101 = arith.constant 124 : i32
    %scan3A_102 = arith.addi %scan3A_100, %scan3A_101 : i32
    %scan3A_103 = arith.constant 4 : i32
    %scan3A_104:2 = scf.for %scan3A_571 = %scan3A_100 to %scan3A_102 step %scan3A_103 iter_args(%scan3A_572 = %add3A_76, %scan3A_573 = %add3A_82) -> (vector<16xf32>, vector<16xf32>)  : i32 {
      %mul3A_574 = arith.constant 16 : i32
      %mul3A_575 = arith.muli %scan3A_571, %mul3A_574 : i32
      %add3A_576 = arith.constant 2000 : i32
      %add3A_577 = arith.addi %add3A_576, %mul3A_575 : i32
      %mul3A_578 = arith.constant 16 : i32
      %mul3A_579 = arith.muli %scan3A_571, %mul3A_578 : i32
      %get3A_580 = arith.index_cast %add3A_577 : i32 to index
      %get3A_581 = tpu.vector_load %arg9[%get3A_580] {strides = array<i32>} : memref<16000xi32, #tpu.memory_space<vmem>>, vector<16xi32>,
      %gather3A_582 = tpu.vector_load_idx %arg7[%get3A_581] : memref<32768xf32, #tpu.memory_space<vmem>>[vector<16xi32>], vector<16xf32>,
      %gather3A_583 = tpu.vector_load_idx %arg8[%get3A_581] : memref<32768xf32, #tpu.memory_space<vmem>>[vector<16xi32>], vector<16xf32>,
      %get3A_584 = arith.index_cast %mul3A_579 : i32 to index
      %get3A_585 = tpu.vector_load %arg13[%get3A_584] {strides = array<i32>} : memref<2000xf32, #tpu.memory_space<vmem>>, vector<16xf32>,
      %sub3A_586 = arith.subf %gather3A_582, %get3A_585 : vector<16xf32>
      %get3A_587 = arith.index_cast %mul3A_579 : i32 to index
      %get3A_588 = tpu.vector_load %arg14[%get3A_587] {strides = array<i32>} : memref<2000xf32, #tpu.memory_space<vmem>>, vector<16xf32>,
      %sub3A_589 = arith.subf %gather3A_583, %get3A_588 : vector<16xf32>
      %sign3A_590 = tpu.bitcast %sub3A_589 : vector<16xf32> -> vector<16xi32>
      %sign3A_591 = arith.constant -2147483648 : i32
      %sign3A_592 = vector.broadcast %sign3A_591 : i32 to vector<16xi32>
      %sign3A_593 = arith.andi %sign3A_590, %sign3A_592 : vector<16xi32>
      %sign3A_594 = arith.constant 1065353216 : i32
      %sign3A_595 = vector.broadcast %sign3A_594 : i32 to vector<16xi32>
      %sign3A_596 = arith.ori %sign3A_595, %sign3A_593 : vector<16xi32>
      %sign3A_597 = tpu.bitcast %sign3A_596 : vector<16xi32> -> vector<16xf32>
      %sign3A_598 = math.absf %sub3A_589 : vector<16xf32>
      %sign3A_599 = arith.constant 0.000000e+00 : f32
      %sign3A_600 = vector.broadcast %sign3A_599 : f32 to vector<16xf32>
      %sign3A_601 = arith.cmpf ogt, %sign3A_598, %sign3A_600 : vector<16xf32>
      %sign3A_602 = arith.select %sign3A_601, %sign3A_597, %sub3A_589 : vector<16xi1>, vector<16xf32>
      %neg3A_603 = arith.constant 0.000000e+00 : f32
      %neg3A_604 = vector.broadcast %neg3A_603 : f32 to vector<16xf32>
      %neg3A_605 = arith.subf %neg3A_604, %sign3A_602 : vector<16xf32>
      %mul3A_606 = arith.mulf %neg3A_605, %sub3A_586 : vector<16xf32>
      %max3A_607 = arith.constant 0.000000e+00 : f32
      %max3A_608 = vector.broadcast %max3A_607 : f32 to vector<16xf32>
      %max3A_609 = arith.maximumf %max3A_608, %mul3A_606 : vector<16xf32>
      %add3A_610 = arith.addf %scan3A_572, %max3A_609 : vector<16xf32>
      %ne3A_611 = arith.constant 0.000000e+00 : f32
      %ne3A_612 = vector.broadcast %ne3A_611 : f32 to vector<16xf32>
      %ne3A_613 = arith.cmpf one, %sub3A_589, %ne3A_612 : vector<16xf32>
      %jit3A_614 = arith.constant 1.000000e+00 : f32
      %jit3A_615 = arith.constant 0.000000e+00 : f32
      %broadcast_in_dim3A_616 = vector.broadcast %jit3A_614 : f32 to vector<16xf32>
      %broadcast_in_dim3A_617 = vector.broadcast %jit3A_615 : f32 to vector<16xf32>
      %select_n3A_618 = arith.select %ne3A_613, %broadcast_in_dim3A_616, %broadcast_in_dim3A_617 : vector<16xi1>, vector<16xf32>
      %add3A_619 = arith.addf %scan3A_573, %select_n3A_618 : vector<16xf32>
      %scan3A_620 = arith.constant 1 : i32
      %scan3A_621 = arith.addi %scan3A_571, %scan3A_620 : i32
      %mul3A_622 = arith.constant 16 : i32
      %mul3A_623 = arith.muli %scan3A_621, %mul3A_622 : i32
      %add3A_624 = arith.constant 2000 : i32
      %add3A_625 = arith.addi %add3A_624, %mul3A_623 : i32
      %mul3A_626 = arith.constant 16 : i32
      %mul3A_627 = arith.muli %scan3A_621, %mul3A_626 : i32
      %get3A_628 = arith.index_cast %add3A_625 : i32 to index
      %get3A_629 = tpu.vector_load %arg9[%get3A_628] {strides = array<i32>} : memref<16000xi32, #tpu.memory_space<vmem>>, vector<16xi32>,
      %gather3A_630 = tpu.vector_load_idx %arg7[%get3A_629] : memref<32768xf32, #tpu.memory_space<vmem>>[vector<16xi32>], vector<16xf32>,
      %gather3A_631 = tpu.vector_load_idx %arg8[%get3A_629] : memref<32768xf32, #tpu.memory_space<vmem>>[vector<16xi32>], vector<16xf32>,
      %get3A_632 = arith.index_cast %mul3A_627 : i32 to index
      %get3A_633 = tpu.vector_load %arg13[%get3A_632] {strides = array<i32>} : memref<2000xf32, #tpu.memory_space<vmem>>, vector<16xf32>,
      %sub3A_634 = arith.subf %gather3A_630, %get3A_633 : vector<16xf32>
      %get3A_635 = arith.index_cast %mul3A_627 : i32 to index
      %get3A_636 = tpu.vector_load %arg14[%get3A_635] {strides = array<i32>} : memref<2000xf32, #tpu.memory_space<vmem>>, vector<16xf32>,
      %sub3A_637 = arith.subf %gather3A_631, %get3A_636 : vector<16xf32>
      %sign3A_638 = tpu.bitcast %sub3A_637 : vector<16xf32> -> vector<16xi32>
      %sign3A_639 = arith.constant -2147483648 : i32
      %sign3A_640 = vector.broadcast %sign3A_639 : i32 to vector<16xi32>
      %sign3A_641 = arith.andi %sign3A_638, %sign3A_640 : vector<16xi32>
      %sign3A_642 = arith.constant 1065353216 : i32
      %sign3A_643 = vector.broadcast %sign3A_642 : i32 to vector<16xi32>
      %sign3A_644 = arith.ori %sign3A_643, %sign3A_641 : vector<16xi32>
      %sign3A_645 = tpu.bitcast %sign3A_644 : vector<16xi32> -> vector<16xf32>
      %sign3A_646 = math.absf %sub3A_637 : vector<16xf32>
      %sign3A_647 = arith.constant 0.000000e+00 : f32
      %sign3A_648 = vector.broadcast %sign3A_647 : f32 to vector<16xf32>
      %sign3A_649 = arith.cmpf ogt, %sign3A_646, %sign3A_648 : vector<16xf32>
      %sign3A_650 = arith.select %sign3A_649, %sign3A_645, %sub3A_637 : vector<16xi1>, vector<16xf32>
      %neg3A_651 = arith.constant 0.000000e+00 : f32
      %neg3A_652 = vector.broadcast %neg3A_651 : f32 to vector<16xf32>
      %neg3A_653 = arith.subf %neg3A_652, %sign3A_650 : vector<16xf32>
      %mul3A_654 = arith.mulf %neg3A_653, %sub3A_634 : vector<16xf32>
      %max3A_655 = arith.constant 0.000000e+00 : f32
      %max3A_656 = vector.broadcast %max3A_655 : f32 to vector<16xf32>
      %max3A_657 = arith.maximumf %max3A_656, %mul3A_654 : vector<16xf32>
      %add3A_658 = arith.addf %add3A_610, %max3A_657 : vector<16xf32>
      %ne3A_659 = arith.constant 0.000000e+00 : f32
      %ne3A_660 = vector.broadcast %ne3A_659 : f32 to vector<16xf32>
      %ne3A_661 = arith.cmpf one, %sub3A_637, %ne3A_660 : vector<16xf32>
      %jit3A_662 = arith.constant 1.000000e+00 : f32
      %jit3A_663 = arith.constant 0.000000e+00 : f32
      %broadcast_in_dim3A_664 = vector.broadcast %jit3A_662 : f32 to vector<16xf32>
      %broadcast_in_dim3A_665 = vector.broadcast %jit3A_663 : f32 to vector<16xf32>
      %select_n3A_666 = arith.select %ne3A_661, %broadcast_in_dim3A_664, %broadcast_in_dim3A_665 : vector<16xi1>, vector<16xf32>
      %add3A_667 = arith.addf %add3A_619, %select_n3A_666 : vector<16xf32>
      %scan3A_668 = arith.constant 2 : i32
      %scan3A_669 = arith.addi %scan3A_571, %scan3A_668 : i32
      %mul3A_670 = arith.constant 16 : i32
      %mul3A_671 = arith.muli %scan3A_669, %mul3A_670 : i32
      %add3A_672 = arith.constant 2000 : i32
      %add3A_673 = arith.addi %add3A_672, %mul3A_671 : i32
      %mul3A_674 = arith.constant 16 : i32
      %mul3A_675 = arith.muli %scan3A_669, %mul3A_674 : i32
      %get3A_676 = arith.index_cast %add3A_673 : i32 to index
      %get3A_677 = tpu.vector_load %arg9[%get3A_676] {strides = array<i32>} : memref<16000xi32, #tpu.memory_space<vmem>>, vector<16xi32>,
      %gather3A_678 = tpu.vector_load_idx %arg7[%get3A_677] : memref<32768xf32, #tpu.memory_space<vmem>>[vector<16xi32>], vector<16xf32>,
      %gather3A_679 = tpu.vector_load_idx %arg8[%get3A_677] : memref<32768xf32, #tpu.memory_space<vmem>>[vector<16xi32>], vector<16xf32>,
      %get3A_680 = arith.index_cast %mul3A_675 : i32 to index
      %get3A_681 = tpu.vector_load %arg13[%get3A_680] {strides = array<i32>} : memref<2000xf32, #tpu.memory_space<vmem>>, vector<16xf32>,
      %sub3A_682 = arith.subf %gather3A_678, %get3A_681 : vector<16xf32>
      %get3A_683 = arith.index_cast %mul3A_675 : i32 to index
      %get3A_684 = tpu.vector_load %arg14[%get3A_683] {strides = array<i32>} : memref<2000xf32, #tpu.memory_space<vmem>>, vector<16xf32>,
      %sub3A_685 = arith.subf %gather3A_679, %get3A_684 : vector<16xf32>
      %sign3A_686 = tpu.bitcast %sub3A_685 : vector<16xf32> -> vector<16xi32>
      %sign3A_687 = arith.constant -2147483648 : i32
      %sign3A_688 = vector.broadcast %sign3A_687 : i32 to vector<16xi32>
      %sign3A_689 = arith.andi %sign3A_686, %sign3A_688 : vector<16xi32>
      %sign3A_690 = arith.constant 1065353216 : i32
      %sign3A_691 = vector.broadcast %sign3A_690 : i32 to vector<16xi32>
      %sign3A_692 = arith.ori %sign3A_691, %sign3A_689 : vector<16xi32>
      %sign3A_693 = tpu.bitcast %sign3A_692 : vector<16xi32> -> vector<16xf32>
      %sign3A_694 = math.absf %sub3A_685 : vector<16xf32>
      %sign3A_695 = arith.constant 0.000000e+00 : f32
      %sign3A_696 = vector.broadcast %sign3A_695 : f32 to vector<16xf32>
      %sign3A_697 = arith.cmpf ogt, %sign3A_694, %sign3A_696 : vector<16xf32>
      %sign3A_698 = arith.select %sign3A_697, %sign3A_693, %sub3A_685 : vector<16xi1>, vector<16xf32>
      %neg3A_699 = arith.constant 0.000000e+00 : f32
      %neg3A_700 = vector.broadcast %neg3A_699 : f32 to vector<16xf32>
      %neg3A_701 = arith.subf %neg3A_700, %sign3A_698 : vector<16xf32>
      %mul3A_702 = arith.mulf %neg3A_701, %sub3A_682 : vector<16xf32>
      %max3A_703 = arith.constant 0.000000e+00 : f32
      %max3A_704 = vector.broadcast %max3A_703 : f32 to vector<16xf32>
      %max3A_705 = arith.maximumf %max3A_704, %mul3A_702 : vector<16xf32>
      %add3A_706 = arith.addf %add3A_658, %max3A_705 : vector<16xf32>
      %ne3A_707 = arith.constant 0.000000e+00 : f32
      %ne3A_708 = vector.broadcast %ne3A_707 : f32 to vector<16xf32>
      %ne3A_709 = arith.cmpf one, %sub3A_685, %ne3A_708 : vector<16xf32>
      %jit3A_710 = arith.constant 1.000000e+00 : f32
      %jit3A_711 = arith.constant 0.000000e+00 : f32
      %broadcast_in_dim3A_712 = vector.broadcast %jit3A_710 : f32 to vector<16xf32>
      %broadcast_in_dim3A_713 = vector.broadcast %jit3A_711 : f32 to vector<16xf32>
      %select_n3A_714 = arith.select %ne3A_709, %broadcast_in_dim3A_712, %broadcast_in_dim3A_713 : vector<16xi1>, vector<16xf32>
      %add3A_715 = arith.addf %add3A_667, %select_n3A_714 : vector<16xf32>
      %scan3A_716 = arith.constant 3 : i32
      %scan3A_717 = arith.addi %scan3A_571, %scan3A_716 : i32
      %mul3A_718 = arith.constant 16 : i32
      %mul3A_719 = arith.muli %scan3A_717, %mul3A_718 : i32
      %add3A_720 = arith.constant 2000 : i32
      %add3A_721 = arith.addi %add3A_720, %mul3A_719 : i32
      %mul3A_722 = arith.constant 16 : i32
      %mul3A_723 = arith.muli %scan3A_717, %mul3A_722 : i32
      %get3A_724 = arith.index_cast %add3A_721 : i32 to index
      %get3A_725 = tpu.vector_load %arg9[%get3A_724] {strides = array<i32>} : memref<16000xi32, #tpu.memory_space<vmem>>, vector<16xi32>,
      %gather3A_726 = tpu.vector_load_idx %arg7[%get3A_725] : memref<32768xf32, #tpu.memory_space<vmem>>[vector<16xi32>], vector<16xf32>,
      %gather3A_727 = tpu.vector_load_idx %arg8[%get3A_725] : memref<32768xf32, #tpu.memory_space<vmem>>[vector<16xi32>], vector<16xf32>,
      %get3A_728 = arith.index_cast %mul3A_723 : i32 to index
      %get3A_729 = tpu.vector_load %arg13[%get3A_728] {strides = array<i32>} : memref<2000xf32, #tpu.memory_space<vmem>>, vector<16xf32>,
      %sub3A_730 = arith.subf %gather3A_726, %get3A_729 : vector<16xf32>
      %get3A_731 = arith.index_cast %mul3A_723 : i32 to index
      %get3A_732 = tpu.vector_load %arg14[%get3A_731] {strides = array<i32>} : memref<2000xf32, #tpu.memory_space<vmem>>, vector<16xf32>,
      %sub3A_733 = arith.subf %gather3A_727, %get3A_732 : vector<16xf32>
      %sign3A_734 = tpu.bitcast %sub3A_733 : vector<16xf32> -> vector<16xi32>
      %sign3A_735 = arith.constant -2147483648 : i32
      %sign3A_736 = vector.broadcast %sign3A_735 : i32 to vector<16xi32>
      %sign3A_737 = arith.andi %sign3A_734, %sign3A_736 : vector<16xi32>
      %sign3A_738 = arith.constant 1065353216 : i32
      %sign3A_739 = vector.broadcast %sign3A_738 : i32 to vector<16xi32>
      %sign3A_740 = arith.ori %sign3A_739, %sign3A_737 : vector<16xi32>
      %sign3A_741 = tpu.bitcast %sign3A_740 : vector<16xi32> -> vector<16xf32>
      %sign3A_742 = math.absf %sub3A_733 : vector<16xf32>
      %sign3A_743 = arith.constant 0.000000e+00 : f32
      %sign3A_744 = vector.broadcast %sign3A_743 : f32 to vector<16xf32>
      %sign3A_745 = arith.cmpf ogt, %sign3A_742, %sign3A_744 : vector<16xf32>
      %sign3A_746 = arith.select %sign3A_745, %sign3A_741, %sub3A_733 : vector<16xi1>, vector<16xf32>
      %neg3A_747 = arith.constant 0.000000e+00 : f32
      %neg3A_748 = vector.broadcast %neg3A_747 : f32 to vector<16xf32>
      %neg3A_749 = arith.subf %neg3A_748, %sign3A_746 : vector<16xf32>
      %mul3A_750 = arith.mulf %neg3A_749, %sub3A_730 : vector<16xf32>
      %max3A_751 = arith.constant 0.000000e+00 : f32
      %max3A_752 = vector.broadcast %max3A_751 : f32 to vector<16xf32>
      %max3A_753 = arith.maximumf %max3A_752, %mul3A_750 : vector<16xf32>
      %add3A_754 = arith.addf %add3A_706, %max3A_753 : vector<16xf32>
      %ne3A_755 = arith.constant 0.000000e+00 : f32
      %ne3A_756 = vector.broadcast %ne3A_755 : f32 to vector<16xf32>
      %ne3A_757 = arith.cmpf one, %sub3A_733, %ne3A_756 : vector<16xf32>
      %jit3A_758 = arith.constant 1.000000e+00 : f32
      %jit3A_759 = arith.constant 0.000000e+00 : f32
      %broadcast_in_dim3A_760 = vector.broadcast %jit3A_758 : f32 to vector<16xf32>
      %broadcast_in_dim3A_761 = vector.broadcast %jit3A_759 : f32 to vector<16xf32>
      %select_n3A_762 = arith.select %ne3A_757, %broadcast_in_dim3A_760, %broadcast_in_dim3A_761 : vector<16xi1>, vector<16xf32>
      %add3A_763 = arith.addf %add3A_715, %select_n3A_762 : vector<16xf32>
      scf.yield %add3A_754, %add3A_763 : vector<16xf32>, vector<16xf32>
    }
    %scan3A_105 = arith.constant 124 : i32
    %scan3A_106 = arith.addi %scan3A_100, %scan3A_105 : i32
    %mul3A_107 = arith.constant 16 : i32
    %mul3A_108 = arith.muli %scan3A_106, %mul3A_107 : i32
    %add3A_109 = arith.constant 2000 : i32
    %add3A_110 = arith.addi %add3A_109, %mul3A_108 : i32
    %mul3A_111 = arith.constant 16 : i32
    %mul3A_112 = arith.muli %scan3A_106, %mul3A_111 : i32
    %get3A_113 = arith.index_cast %add3A_110 : i32 to index
    %get3A_114 = tpu.vector_load %arg9[%get3A_113] {strides = array<i32>} : memref<16000xi32, #tpu.memory_space<vmem>>, vector<16xi32>,
    %gather3A_115 = tpu.vector_load_idx %arg7[%get3A_114] : memref<32768xf32, #tpu.memory_space<vmem>>[vector<16xi32>], vector<16xf32>,
    %gather3A_116 = tpu.vector_load_idx %arg8[%get3A_114] : memref<32768xf32, #tpu.memory_space<vmem>>[vector<16xi32>], vector<16xf32>,
    %get3A_117 = arith.index_cast %mul3A_112 : i32 to index
    %get3A_118 = tpu.vector_load %arg13[%get3A_117] {strides = array<i32>} : memref<2000xf32, #tpu.memory_space<vmem>>, vector<16xf32>,
    %sub3A_119 = arith.subf %gather3A_115, %get3A_118 : vector<16xf32>
    %get3A_120 = arith.index_cast %mul3A_112 : i32 to index
    %get3A_121 = tpu.vector_load %arg14[%get3A_120] {strides = array<i32>} : memref<2000xf32, #tpu.memory_space<vmem>>, vector<16xf32>,
    %sub3A_122 = arith.subf %gather3A_116, %get3A_121 : vector<16xf32>
    %sign3A_123 = tpu.bitcast %sub3A_122 : vector<16xf32> -> vector<16xi32>
    %sign3A_124 = arith.constant -2147483648 : i32
    %sign3A_125 = vector.broadcast %sign3A_124 : i32 to vector<16xi32>
    %sign3A_126 = arith.andi %sign3A_123, %sign3A_125 : vector<16xi32>
    %sign3A_127 = arith.constant 1065353216 : i32
    %sign3A_128 = vector.broadcast %sign3A_127 : i32 to vector<16xi32>
    %sign3A_129 = arith.ori %sign3A_128, %sign3A_126 : vector<16xi32>
    %sign3A_130 = tpu.bitcast %sign3A_129 : vector<16xi32> -> vector<16xf32>
    %sign3A_131 = math.absf %sub3A_122 : vector<16xf32>
    %sign3A_132 = arith.constant 0.000000e+00 : f32
    %sign3A_133 = vector.broadcast %sign3A_132 : f32 to vector<16xf32>
    %sign3A_134 = arith.cmpf ogt, %sign3A_131, %sign3A_133 : vector<16xf32>
    %sign3A_135 = arith.select %sign3A_134, %sign3A_130, %sub3A_122 : vector<16xi1>, vector<16xf32>
    %neg3A_136 = arith.constant 0.000000e+00 : f32
    %neg3A_137 = vector.broadcast %neg3A_136 : f32 to vector<16xf32>
    %neg3A_138 = arith.subf %neg3A_137, %sign3A_135 : vector<16xf32>
    %mul3A_139 = arith.mulf %neg3A_138, %sub3A_119 : vector<16xf32>
    %max3A_140 = arith.constant 0.000000e+00 : f32
    %max3A_141 = vector.broadcast %max3A_140 : f32 to vector<16xf32>
    %max3A_142 = arith.maximumf %max3A_141, %mul3A_139 : vector<16xf32>
    %add3A_143 = arith.addf %scan3A_104#0, %max3A_142 : vector<16xf32>
    %ne3A_144 = arith.constant 0.000000e+00 : f32
    %ne3A_145 = vector.broadcast %ne3A_144 : f32 to vector<16xf32>
    %ne3A_146 = arith.cmpf one, %sub3A_122, %ne3A_145 : vector<16xf32>
    %jit3A_147 = arith.constant 1.000000e+00 : f32
    %jit3A_148 = arith.constant 0.000000e+00 : f32
    %broadcast_in_dim3A_149 = vector.broadcast %jit3A_147 : f32 to vector<16xf32>
    %broadcast_in_dim3A_150 = vector.broadcast %jit3A_148 : f32 to vector<16xf32>
    %select_n3A_151 = arith.select %ne3A_146, %broadcast_in_dim3A_149, %broadcast_in_dim3A_150 : vector<16xi1>, vector<16xf32>
    %add3A_152 = arith.addf %scan3A_104#1, %select_n3A_151 : vector<16xf32>
    %scan3A_153 = arith.constant 125 : i32
    %dma_start3A_154 = arith.constant 6000 : i32
    %dma_start3A_155 = tpu.memref_slice %arg10[%dma_start3A_154] : memref<16000xi32, #tpu.memory_space<vmem>> -> memref<2000xi32, #tpu.memory_space<vmem>>
    %dma_start3A_156 = arith.constant 0 : i32
    %dma_start3A_157 = tpu.memref_slice %arg2[%dma_start3A_156] : memref<1048576xf32, #tpu.memory_space<hbm>> -> memref<1048576xf32, #tpu.memory_space<hbm>>
    tpu.enqueue_indirect_dma source(%dma_start3A_157 : memref<1048576xf32, #tpu.memory_space<hbm>>) target(%arg13 : memref<2000xf32, #tpu.memory_space<vmem>>) offsets(%dma_start3A_155 : memref<2000xi32, #tpu.memory_space<vmem>>) semaphore(%arg18 : memref<!tpu.dma_semaphore, #tpu.memory_space<semaphore_mem>>)
    %dma_start3A_158 = arith.constant 6000 : i32
    %dma_start3A_159 = tpu.memref_slice %arg10[%dma_start3A_158] : memref<16000xi32, #tpu.memory_space<vmem>> -> memref<2000xi32, #tpu.memory_space<vmem>>
    %dma_start3A_160 = arith.constant 0 : i32
    %dma_start3A_161 = tpu.memref_slice %arg3[%dma_start3A_160] : memref<1048576xf32, #tpu.memory_space<hbm>> -> memref<1048576xf32, #tpu.memory_space<hbm>>
    tpu.enqueue_indirect_dma source(%dma_start3A_161 : memref<1048576xf32, #tpu.memory_space<hbm>>) target(%arg14 : memref<2000xf32, #tpu.memory_space<vmem>>) offsets(%dma_start3A_159 : memref<2000xi32, #tpu.memory_space<vmem>>) semaphore(%arg18 : memref<!tpu.dma_semaphore, #tpu.memory_space<semaphore_mem>>)
    %dma_wait3A_162 = arith.constant 4000 : i32
    %dma_wait3A_163 = tpu.memref_slice %arg10[%dma_wait3A_162] : memref<16000xi32, #tpu.memory_space<vmem>> -> memref<2000xi32, #tpu.memory_space<vmem>>
    %dma_wait3A_164 = arith.constant 0 : i32
    %dma_wait3A_165 = tpu.memref_slice %arg2[%dma_wait3A_164] : memref<1048576xf32, #tpu.memory_space<hbm>> -> memref<1048576xf32, #tpu.memory_space<hbm>>
    tpu.wait_indirect_dma semaphore(%arg17 : memref<!tpu.dma_semaphore, #tpu.memory_space<semaphore_mem>>) src(%dma_wait3A_165 : memref<1048576xf32, #tpu.memory_space<hbm>>) dst(%arg11 : memref<2000xf32, #tpu.memory_space<vmem>>)
    %dma_wait3A_166 = arith.constant 4000 : i32
    %dma_wait3A_167 = tpu.memref_slice %arg10[%dma_wait3A_166] : memref<16000xi32, #tpu.memory_space<vmem>> -> memref<2000xi32, #tpu.memory_space<vmem>>
    %dma_wait3A_168 = arith.constant 0 : i32
    %dma_wait3A_169 = tpu.memref_slice %arg3[%dma_wait3A_168] : memref<1048576xf32, #tpu.memory_space<hbm>> -> memref<1048576xf32, #tpu.memory_space<hbm>>
    tpu.wait_indirect_dma semaphore(%arg17 : memref<!tpu.dma_semaphore, #tpu.memory_space<semaphore_mem>>) src(%dma_wait3A_169 : memref<1048576xf32, #tpu.memory_space<hbm>>) dst(%arg12 : memref<2000xf32, #tpu.memory_space<vmem>>)
    %scan3A_170 = arith.constant 0 : i32
    %scan3A_171 = arith.constant 124 : i32
    %scan3A_172 = arith.addi %scan3A_170, %scan3A_171 : i32
    %scan3A_173 = arith.constant 4 : i32
    %scan3A_174:2 = scf.for %scan3A_571 = %scan3A_170 to %scan3A_172 step %scan3A_173 iter_args(%scan3A_572 = %add3A_143, %scan3A_573 = %add3A_152) -> (vector<16xf32>, vector<16xf32>)  : i32 {
      %mul3A_574 = arith.constant 16 : i32
      %mul3A_575 = arith.muli %scan3A_571, %mul3A_574 : i32
      %add3A_576 = arith.constant 4000 : i32
      %add3A_577 = arith.addi %add3A_576, %mul3A_575 : i32
      %mul3A_578 = arith.constant 16 : i32
      %mul3A_579 = arith.muli %scan3A_571, %mul3A_578 : i32
      %get3A_580 = arith.index_cast %add3A_577 : i32 to index
      %get3A_581 = tpu.vector_load %arg9[%get3A_580] {strides = array<i32>} : memref<16000xi32, #tpu.memory_space<vmem>>, vector<16xi32>,
      %gather3A_582 = tpu.vector_load_idx %arg7[%get3A_581] : memref<32768xf32, #tpu.memory_space<vmem>>[vector<16xi32>], vector<16xf32>,
      %gather3A_583 = tpu.vector_load_idx %arg8[%get3A_581] : memref<32768xf32, #tpu.memory_space<vmem>>[vector<16xi32>], vector<16xf32>,
      %get3A_584 = arith.index_cast %mul3A_579 : i32 to index
      %get3A_585 = tpu.vector_load %arg11[%get3A_584] {strides = array<i32>} : memref<2000xf32, #tpu.memory_space<vmem>>, vector<16xf32>,
      %sub3A_586 = arith.subf %gather3A_582, %get3A_585 : vector<16xf32>
      %get3A_587 = arith.index_cast %mul3A_579 : i32 to index
      %get3A_588 = tpu.vector_load %arg12[%get3A_587] {strides = array<i32>} : memref<2000xf32, #tpu.memory_space<vmem>>, vector<16xf32>,
      %sub3A_589 = arith.subf %gather3A_583, %get3A_588 : vector<16xf32>
      %sign3A_590 = tpu.bitcast %sub3A_589 : vector<16xf32> -> vector<16xi32>
      %sign3A_591 = arith.constant -2147483648 : i32
      %sign3A_592 = vector.broadcast %sign3A_591 : i32 to vector<16xi32>
      %sign3A_593 = arith.andi %sign3A_590, %sign3A_592 : vector<16xi32>
      %sign3A_594 = arith.constant 1065353216 : i32
      %sign3A_595 = vector.broadcast %sign3A_594 : i32 to vector<16xi32>
      %sign3A_596 = arith.ori %sign3A_595, %sign3A_593 : vector<16xi32>
      %sign3A_597 = tpu.bitcast %sign3A_596 : vector<16xi32> -> vector<16xf32>
      %sign3A_598 = math.absf %sub3A_589 : vector<16xf32>
      %sign3A_599 = arith.constant 0.000000e+00 : f32
      %sign3A_600 = vector.broadcast %sign3A_599 : f32 to vector<16xf32>
      %sign3A_601 = arith.cmpf ogt, %sign3A_598, %sign3A_600 : vector<16xf32>
      %sign3A_602 = arith.select %sign3A_601, %sign3A_597, %sub3A_589 : vector<16xi1>, vector<16xf32>
      %neg3A_603 = arith.constant 0.000000e+00 : f32
      %neg3A_604 = vector.broadcast %neg3A_603 : f32 to vector<16xf32>
      %neg3A_605 = arith.subf %neg3A_604, %sign3A_602 : vector<16xf32>
      %mul3A_606 = arith.mulf %neg3A_605, %sub3A_586 : vector<16xf32>
      %max3A_607 = arith.constant 0.000000e+00 : f32
      %max3A_608 = vector.broadcast %max3A_607 : f32 to vector<16xf32>
      %max3A_609 = arith.maximumf %max3A_608, %mul3A_606 : vector<16xf32>
      %add3A_610 = arith.addf %scan3A_572, %max3A_609 : vector<16xf32>
      %ne3A_611 = arith.constant 0.000000e+00 : f32
      %ne3A_612 = vector.broadcast %ne3A_611 : f32 to vector<16xf32>
      %ne3A_613 = arith.cmpf one, %sub3A_589, %ne3A_612 : vector<16xf32>
      %jit3A_614 = arith.constant 1.000000e+00 : f32
      %jit3A_615 = arith.constant 0.000000e+00 : f32
      %broadcast_in_dim3A_616 = vector.broadcast %jit3A_614 : f32 to vector<16xf32>
      %broadcast_in_dim3A_617 = vector.broadcast %jit3A_615 : f32 to vector<16xf32>
      %select_n3A_618 = arith.select %ne3A_613, %broadcast_in_dim3A_616, %broadcast_in_dim3A_617 : vector<16xi1>, vector<16xf32>
      %add3A_619 = arith.addf %scan3A_573, %select_n3A_618 : vector<16xf32>
      %scan3A_620 = arith.constant 1 : i32
      %scan3A_621 = arith.addi %scan3A_571, %scan3A_620 : i32
      %mul3A_622 = arith.constant 16 : i32
      %mul3A_623 = arith.muli %scan3A_621, %mul3A_622 : i32
      %add3A_624 = arith.constant 4000 : i32
      %add3A_625 = arith.addi %add3A_624, %mul3A_623 : i32
      %mul3A_626 = arith.constant 16 : i32
      %mul3A_627 = arith.muli %scan3A_621, %mul3A_626 : i32
      %get3A_628 = arith.index_cast %add3A_625 : i32 to index
      %get3A_629 = tpu.vector_load %arg9[%get3A_628] {strides = array<i32>} : memref<16000xi32, #tpu.memory_space<vmem>>, vector<16xi32>,
      %gather3A_630 = tpu.vector_load_idx %arg7[%get3A_629] : memref<32768xf32, #tpu.memory_space<vmem>>[vector<16xi32>], vector<16xf32>,
      %gather3A_631 = tpu.vector_load_idx %arg8[%get3A_629] : memref<32768xf32, #tpu.memory_space<vmem>>[vector<16xi32>], vector<16xf32>,
      %get3A_632 = arith.index_cast %mul3A_627 : i32 to index
      %get3A_633 = tpu.vector_load %arg11[%get3A_632] {strides = array<i32>} : memref<2000xf32, #tpu.memory_space<vmem>>, vector<16xf32>,
      %sub3A_634 = arith.subf %gather3A_630, %get3A_633 : vector<16xf32>
      %get3A_635 = arith.index_cast %mul3A_627 : i32 to index
      %get3A_636 = tpu.vector_load %arg12[%get3A_635] {strides = array<i32>} : memref<2000xf32, #tpu.memory_space<vmem>>, vector<16xf32>,
      %sub3A_637 = arith.subf %gather3A_631, %get3A_636 : vector<16xf32>
      %sign3A_638 = tpu.bitcast %sub3A_637 : vector<16xf32> -> vector<16xi32>
      %sign3A_639 = arith.constant -2147483648 : i32
      %sign3A_640 = vector.broadcast %sign3A_639 : i32 to vector<16xi32>
      %sign3A_641 = arith.andi %sign3A_638, %sign3A_640 : vector<16xi32>
      %sign3A_642 = arith.constant 1065353216 : i32
      %sign3A_643 = vector.broadcast %sign3A_642 : i32 to vector<16xi32>
      %sign3A_644 = arith.ori %sign3A_643, %sign3A_641 : vector<16xi32>
      %sign3A_645 = tpu.bitcast %sign3A_644 : vector<16xi32> -> vector<16xf32>
      %sign3A_646 = math.absf %sub3A_637 : vector<16xf32>
      %sign3A_647 = arith.constant 0.000000e+00 : f32
      %sign3A_648 = vector.broadcast %sign3A_647 : f32 to vector<16xf32>
      %sign3A_649 = arith.cmpf ogt, %sign3A_646, %sign3A_648 : vector<16xf32>
      %sign3A_650 = arith.select %sign3A_649, %sign3A_645, %sub3A_637 : vector<16xi1>, vector<16xf32>
      %neg3A_651 = arith.constant 0.000000e+00 : f32
      %neg3A_652 = vector.broadcast %neg3A_651 : f32 to vector<16xf32>
      %neg3A_653 = arith.subf %neg3A_652, %sign3A_650 : vector<16xf32>
      %mul3A_654 = arith.mulf %neg3A_653, %sub3A_634 : vector<16xf32>
      %max3A_655 = arith.constant 0.000000e+00 : f32
      %max3A_656 = vector.broadcast %max3A_655 : f32 to vector<16xf32>
      %max3A_657 = arith.maximumf %max3A_656, %mul3A_654 : vector<16xf32>
      %add3A_658 = arith.addf %add3A_610, %max3A_657 : vector<16xf32>
      %ne3A_659 = arith.constant 0.000000e+00 : f32
      %ne3A_660 = vector.broadcast %ne3A_659 : f32 to vector<16xf32>
      %ne3A_661 = arith.cmpf one, %sub3A_637, %ne3A_660 : vector<16xf32>
      %jit3A_662 = arith.constant 1.000000e+00 : f32
      %jit3A_663 = arith.constant 0.000000e+00 : f32
      %broadcast_in_dim3A_664 = vector.broadcast %jit3A_662 : f32 to vector<16xf32>
      %broadcast_in_dim3A_665 = vector.broadcast %jit3A_663 : f32 to vector<16xf32>
      %select_n3A_666 = arith.select %ne3A_661, %broadcast_in_dim3A_664, %broadcast_in_dim3A_665 : vector<16xi1>, vector<16xf32>
      %add3A_667 = arith.addf %add3A_619, %select_n3A_666 : vector<16xf32>
      %scan3A_668 = arith.constant 2 : i32
      %scan3A_669 = arith.addi %scan3A_571, %scan3A_668 : i32
      %mul3A_670 = arith.constant 16 : i32
      %mul3A_671 = arith.muli %scan3A_669, %mul3A_670 : i32
      %add3A_672 = arith.constant 4000 : i32
      %add3A_673 = arith.addi %add3A_672, %mul3A_671 : i32
      %mul3A_674 = arith.constant 16 : i32
      %mul3A_675 = arith.muli %scan3A_669, %mul3A_674 : i32
      %get3A_676 = arith.index_cast %add3A_673 : i32 to index
      %get3A_677 = tpu.vector_load %arg9[%get3A_676] {strides = array<i32>} : memref<16000xi32, #tpu.memory_space<vmem>>, vector<16xi32>,
      %gather3A_678 = tpu.vector_load_idx %arg7[%get3A_677] : memref<32768xf32, #tpu.memory_space<vmem>>[vector<16xi32>], vector<16xf32>,
      %gather3A_679 = tpu.vector_load_idx %arg8[%get3A_677] : memref<32768xf32, #tpu.memory_space<vmem>>[vector<16xi32>], vector<16xf32>,
      %get3A_680 = arith.index_cast %mul3A_675 : i32 to index
      %get3A_681 = tpu.vector_load %arg11[%get3A_680] {strides = array<i32>} : memref<2000xf32, #tpu.memory_space<vmem>>, vector<16xf32>,
      %sub3A_682 = arith.subf %gather3A_678, %get3A_681 : vector<16xf32>
      %get3A_683 = arith.index_cast %mul3A_675 : i32 to index
      %get3A_684 = tpu.vector_load %arg12[%get3A_683] {strides = array<i32>} : memref<2000xf32, #tpu.memory_space<vmem>>, vector<16xf32>,
      %sub3A_685 = arith.subf %gather3A_679, %get3A_684 : vector<16xf32>
      %sign3A_686 = tpu.bitcast %sub3A_685 : vector<16xf32> -> vector<16xi32>
      %sign3A_687 = arith.constant -2147483648 : i32
      %sign3A_688 = vector.broadcast %sign3A_687 : i32 to vector<16xi32>
      %sign3A_689 = arith.andi %sign3A_686, %sign3A_688 : vector<16xi32>
      %sign3A_690 = arith.constant 1065353216 : i32
      %sign3A_691 = vector.broadcast %sign3A_690 : i32 to vector<16xi32>
      %sign3A_692 = arith.ori %sign3A_691, %sign3A_689 : vector<16xi32>
      %sign3A_693 = tpu.bitcast %sign3A_692 : vector<16xi32> -> vector<16xf32>
      %sign3A_694 = math.absf %sub3A_685 : vector<16xf32>
      %sign3A_695 = arith.constant 0.000000e+00 : f32
      %sign3A_696 = vector.broadcast %sign3A_695 : f32 to vector<16xf32>
      %sign3A_697 = arith.cmpf ogt, %sign3A_694, %sign3A_696 : vector<16xf32>
      %sign3A_698 = arith.select %sign3A_697, %sign3A_693, %sub3A_685 : vector<16xi1>, vector<16xf32>
      %neg3A_699 = arith.constant 0.000000e+00 : f32
      %neg3A_700 = vector.broadcast %neg3A_699 : f32 to vector<16xf32>
      %neg3A_701 = arith.subf %neg3A_700, %sign3A_698 : vector<16xf32>
      %mul3A_702 = arith.mulf %neg3A_701, %sub3A_682 : vector<16xf32>
      %max3A_703 = arith.constant 0.000000e+00 : f32
      %max3A_704 = vector.broadcast %max3A_703 : f32 to vector<16xf32>
      %max3A_705 = arith.maximumf %max3A_704, %mul3A_702 : vector<16xf32>
      %add3A_706 = arith.addf %add3A_658, %max3A_705 : vector<16xf32>
      %ne3A_707 = arith.constant 0.000000e+00 : f32
      %ne3A_708 = vector.broadcast %ne3A_707 : f32 to vector<16xf32>
      %ne3A_709 = arith.cmpf one, %sub3A_685, %ne3A_708 : vector<16xf32>
      %jit3A_710 = arith.constant 1.000000e+00 : f32
      %jit3A_711 = arith.constant 0.000000e+00 : f32
      %broadcast_in_dim3A_712 = vector.broadcast %jit3A_710 : f32 to vector<16xf32>
      %broadcast_in_dim3A_713 = vector.broadcast %jit3A_711 : f32 to vector<16xf32>
      %select_n3A_714 = arith.select %ne3A_709, %broadcast_in_dim3A_712, %broadcast_in_dim3A_713 : vector<16xi1>, vector<16xf32>
      %add3A_715 = arith.addf %add3A_667, %select_n3A_714 : vector<16xf32>
      %scan3A_716 = arith.constant 3 : i32
      %scan3A_717 = arith.addi %scan3A_571, %scan3A_716 : i32
      %mul3A_718 = arith.constant 16 : i32
      %mul3A_719 = arith.muli %scan3A_717, %mul3A_718 : i32
      %add3A_720 = arith.constant 4000 : i32
      %add3A_721 = arith.addi %add3A_720, %mul3A_719 : i32
      %mul3A_722 = arith.constant 16 : i32
      %mul3A_723 = arith.muli %scan3A_717, %mul3A_722 : i32
      %get3A_724 = arith.index_cast %add3A_721 : i32 to index
      %get3A_725 = tpu.vector_load %arg9[%get3A_724] {strides = array<i32>} : memref<16000xi32, #tpu.memory_space<vmem>>, vector<16xi32>,
      %gather3A_726 = tpu.vector_load_idx %arg7[%get3A_725] : memref<32768xf32, #tpu.memory_space<vmem>>[vector<16xi32>], vector<16xf32>,
      %gather3A_727 = tpu.vector_load_idx %arg8[%get3A_725] : memref<32768xf32, #tpu.memory_space<vmem>>[vector<16xi32>], vector<16xf32>,
      %get3A_728 = arith.index_cast %mul3A_723 : i32 to index
      %get3A_729 = tpu.vector_load %arg11[%get3A_728] {strides = array<i32>} : memref<2000xf32, #tpu.memory_space<vmem>>, vector<16xf32>,
      %sub3A_730 = arith.subf %gather3A_726, %get3A_729 : vector<16xf32>
      %get3A_731 = arith.index_cast %mul3A_723 : i32 to index
      %get3A_732 = tpu.vector_load %arg12[%get3A_731] {strides = array<i32>} : memref<2000xf32, #tpu.memory_space<vmem>>, vector<16xf32>,
      %sub3A_733 = arith.subf %gather3A_727, %get3A_732 : vector<16xf32>
      %sign3A_734 = tpu.bitcast %sub3A_733 : vector<16xf32> -> vector<16xi32>
      %sign3A_735 = arith.constant -2147483648 : i32
      %sign3A_736 = vector.broadcast %sign3A_735 : i32 to vector<16xi32>
      %sign3A_737 = arith.andi %sign3A_734, %sign3A_736 : vector<16xi32>
      %sign3A_738 = arith.constant 1065353216 : i32
      %sign3A_739 = vector.broadcast %sign3A_738 : i32 to vector<16xi32>
      %sign3A_740 = arith.ori %sign3A_739, %sign3A_737 : vector<16xi32>
      %sign3A_741 = tpu.bitcast %sign3A_740 : vector<16xi32> -> vector<16xf32>
      %sign3A_742 = math.absf %sub3A_733 : vector<16xf32>
      %sign3A_743 = arith.constant 0.000000e+00 : f32
      %sign3A_744 = vector.broadcast %sign3A_743 : f32 to vector<16xf32>
      %sign3A_745 = arith.cmpf ogt, %sign3A_742, %sign3A_744 : vector<16xf32>
      %sign3A_746 = arith.select %sign3A_745, %sign3A_741, %sub3A_733 : vector<16xi1>, vector<16xf32>
      %neg3A_747 = arith.constant 0.000000e+00 : f32
      %neg3A_748 = vector.broadcast %neg3A_747 : f32 to vector<16xf32>
      %neg3A_749 = arith.subf %neg3A_748, %sign3A_746 : vector<16xf32>
      %mul3A_750 = arith.mulf %neg3A_749, %sub3A_730 : vector<16xf32>
      %max3A_751 = arith.constant 0.000000e+00 : f32
      %max3A_752 = vector.broadcast %max3A_751 : f32 to vector<16xf32>
      %max3A_753 = arith.maximumf %max3A_752, %mul3A_750 : vector<16xf32>
      %add3A_754 = arith.addf %add3A_706, %max3A_753 : vector<16xf32>
      %ne3A_755 = arith.constant 0.000000e+00 : f32
      %ne3A_756 = vector.broadcast %ne3A_755 : f32 to vector<16xf32>
      %ne3A_757 = arith.cmpf one, %sub3A_733, %ne3A_756 : vector<16xf32>
      %jit3A_758 = arith.constant 1.000000e+00 : f32
      %jit3A_759 = arith.constant 0.000000e+00 : f32
      %broadcast_in_dim3A_760 = vector.broadcast %jit3A_758 : f32 to vector<16xf32>
      %broadcast_in_dim3A_761 = vector.broadcast %jit3A_759 : f32 to vector<16xf32>
      %select_n3A_762 = arith.select %ne3A_757, %broadcast_in_dim3A_760, %broadcast_in_dim3A_761 : vector<16xi1>, vector<16xf32>
      %add3A_763 = arith.addf %add3A_715, %select_n3A_762 : vector<16xf32>
      scf.yield %add3A_754, %add3A_763 : vector<16xf32>, vector<16xf32>
    }
    %scan3A_175 = arith.constant 124 : i32
    %scan3A_176 = arith.addi %scan3A_170, %scan3A_175 : i32
    %mul3A_177 = arith.constant 16 : i32
    %mul3A_178 = arith.muli %scan3A_176, %mul3A_177 : i32
    %add3A_179 = arith.constant 4000 : i32
    %add3A_180 = arith.addi %add3A_179, %mul3A_178 : i32
    %mul3A_181 = arith.constant 16 : i32
    %mul3A_182 = arith.muli %scan3A_176, %mul3A_181 : i32
    %get3A_183 = arith.index_cast %add3A_180 : i32 to index
    %get3A_184 = tpu.vector_load %arg9[%get3A_183] {strides = array<i32>} : memref<16000xi32, #tpu.memory_space<vmem>>, vector<16xi32>,
    %gather3A_185 = tpu.vector_load_idx %arg7[%get3A_184] : memref<32768xf32, #tpu.memory_space<vmem>>[vector<16xi32>], vector<16xf32>,
    %gather3A_186 = tpu.vector_load_idx %arg8[%get3A_184] : memref<32768xf32, #tpu.memory_space<vmem>>[vector<16xi32>], vector<16xf32>,
    %get3A_187 = arith.index_cast %mul3A_182 : i32 to index
    %get3A_188 = tpu.vector_load %arg11[%get3A_187] {strides = array<i32>} : memref<2000xf32, #tpu.memory_space<vmem>>, vector<16xf32>,
    %sub3A_189 = arith.subf %gather3A_185, %get3A_188 : vector<16xf32>
    %get3A_190 = arith.index_cast %mul3A_182 : i32 to index
    %get3A_191 = tpu.vector_load %arg12[%get3A_190] {strides = array<i32>} : memref<2000xf32, #tpu.memory_space<vmem>>, vector<16xf32>,
    %sub3A_192 = arith.subf %gather3A_186, %get3A_191 : vector<16xf32>
    %sign3A_193 = tpu.bitcast %sub3A_192 : vector<16xf32> -> vector<16xi32>
    %sign3A_194 = arith.constant -2147483648 : i32
    %sign3A_195 = vector.broadcast %sign3A_194 : i32 to vector<16xi32>
    %sign3A_196 = arith.andi %sign3A_193, %sign3A_195 : vector<16xi32>
    %sign3A_197 = arith.constant 1065353216 : i32
    %sign3A_198 = vector.broadcast %sign3A_197 : i32 to vector<16xi32>
    %sign3A_199 = arith.ori %sign3A_198, %sign3A_196 : vector<16xi32>
    %sign3A_200 = tpu.bitcast %sign3A_199 : vector<16xi32> -> vector<16xf32>
    %sign3A_201 = math.absf %sub3A_192 : vector<16xf32>
    %sign3A_202 = arith.constant 0.000000e+00 : f32
    %sign3A_203 = vector.broadcast %sign3A_202 : f32 to vector<16xf32>
    %sign3A_204 = arith.cmpf ogt, %sign3A_201, %sign3A_203 : vector<16xf32>
    %sign3A_205 = arith.select %sign3A_204, %sign3A_200, %sub3A_192 : vector<16xi1>, vector<16xf32>
    %neg3A_206 = arith.constant 0.000000e+00 : f32
    %neg3A_207 = vector.broadcast %neg3A_206 : f32 to vector<16xf32>
    %neg3A_208 = arith.subf %neg3A_207, %sign3A_205 : vector<16xf32>
    %mul3A_209 = arith.mulf %neg3A_208, %sub3A_189 : vector<16xf32>
    %max3A_210 = arith.constant 0.000000e+00 : f32
    %max3A_211 = vector.broadcast %max3A_210 : f32 to vector<16xf32>
    %max3A_212 = arith.maximumf %max3A_211, %mul3A_209 : vector<16xf32>
    %add3A_213 = arith.addf %scan3A_174#0, %max3A_212 : vector<16xf32>
    %ne3A_214 = arith.constant 0.000000e+00 : f32
    %ne3A_215 = vector.broadcast %ne3A_214 : f32 to vector<16xf32>
    %ne3A_216 = arith.cmpf one, %sub3A_192, %ne3A_215 : vector<16xf32>
    %jit3A_217 = arith.constant 1.000000e+00 : f32
    %jit3A_218 = arith.constant 0.000000e+00 : f32
    %broadcast_in_dim3A_219 = vector.broadcast %jit3A_217 : f32 to vector<16xf32>
    %broadcast_in_dim3A_220 = vector.broadcast %jit3A_218 : f32 to vector<16xf32>
    %select_n3A_221 = arith.select %ne3A_216, %broadcast_in_dim3A_219, %broadcast_in_dim3A_220 : vector<16xi1>, vector<16xf32>
    %add3A_222 = arith.addf %scan3A_174#1, %select_n3A_221 : vector<16xf32>
    %scan3A_223 = arith.constant 125 : i32
    %dma_start3A_224 = arith.constant 8000 : i32
    %dma_start3A_225 = tpu.memref_slice %arg10[%dma_start3A_224] : memref<16000xi32, #tpu.memory_space<vmem>> -> memref<2000xi32, #tpu.memory_space<vmem>>
    %dma_start3A_226 = arith.constant 0 : i32
    %dma_start3A_227 = tpu.memref_slice %arg2[%dma_start3A_226] : memref<1048576xf32, #tpu.memory_space<hbm>> -> memref<1048576xf32, #tpu.memory_space<hbm>>
    tpu.enqueue_indirect_dma source(%dma_start3A_227 : memref<1048576xf32, #tpu.memory_space<hbm>>) target(%arg11 : memref<2000xf32, #tpu.memory_space<vmem>>) offsets(%dma_start3A_225 : memref<2000xi32, #tpu.memory_space<vmem>>) semaphore(%arg17 : memref<!tpu.dma_semaphore, #tpu.memory_space<semaphore_mem>>)
    %dma_start3A_228 = arith.constant 8000 : i32
    %dma_start3A_229 = tpu.memref_slice %arg10[%dma_start3A_228] : memref<16000xi32, #tpu.memory_space<vmem>> -> memref<2000xi32, #tpu.memory_space<vmem>>
    %dma_start3A_230 = arith.constant 0 : i32
    %dma_start3A_231 = tpu.memref_slice %arg3[%dma_start3A_230] : memref<1048576xf32, #tpu.memory_space<hbm>> -> memref<1048576xf32, #tpu.memory_space<hbm>>
    tpu.enqueue_indirect_dma source(%dma_start3A_231 : memref<1048576xf32, #tpu.memory_space<hbm>>) target(%arg12 : memref<2000xf32, #tpu.memory_space<vmem>>) offsets(%dma_start3A_229 : memref<2000xi32, #tpu.memory_space<vmem>>) semaphore(%arg17 : memref<!tpu.dma_semaphore, #tpu.memory_space<semaphore_mem>>)
    %dma_wait3A_232 = arith.constant 6000 : i32
    %dma_wait3A_233 = tpu.memref_slice %arg10[%dma_wait3A_232] : memref<16000xi32, #tpu.memory_space<vmem>> -> memref<2000xi32, #tpu.memory_space<vmem>>
    %dma_wait3A_234 = arith.constant 0 : i32
    %dma_wait3A_235 = tpu.memref_slice %arg2[%dma_wait3A_234] : memref<1048576xf32, #tpu.memory_space<hbm>> -> memref<1048576xf32, #tpu.memory_space<hbm>>
    tpu.wait_indirect_dma semaphore(%arg18 : memref<!tpu.dma_semaphore, #tpu.memory_space<semaphore_mem>>) src(%dma_wait3A_235 : memref<1048576xf32, #tpu.memory_space<hbm>>) dst(%arg13 : memref<2000xf32, #tpu.memory_space<vmem>>)
    %dma_wait3A_236 = arith.constant 6000 : i32
    %dma_wait3A_237 = tpu.memref_slice %arg10[%dma_wait3A_236] : memref<16000xi32, #tpu.memory_space<vmem>> -> memref<2000xi32, #tpu.memory_space<vmem>>
    %dma_wait3A_238 = arith.constant 0 : i32
    %dma_wait3A_239 = tpu.memref_slice %arg3[%dma_wait3A_238] : memref<1048576xf32, #tpu.memory_space<hbm>> -> memref<1048576xf32, #tpu.memory_space<hbm>>
    tpu.wait_indirect_dma semaphore(%arg18 : memref<!tpu.dma_semaphore, #tpu.memory_space<semaphore_mem>>) src(%dma_wait3A_239 : memref<1048576xf32, #tpu.memory_space<hbm>>) dst(%arg14 : memref<2000xf32, #tpu.memory_space<vmem>>)
    %scan3A_240 = arith.constant 0 : i32
    %scan3A_241 = arith.constant 124 : i32
    %scan3A_242 = arith.addi %scan3A_240, %scan3A_241 : i32
    %scan3A_243 = arith.constant 4 : i32
    %scan3A_244:2 = scf.for %scan3A_571 = %scan3A_240 to %scan3A_242 step %scan3A_243 iter_args(%scan3A_572 = %add3A_213, %scan3A_573 = %add3A_222) -> (vector<16xf32>, vector<16xf32>)  : i32 {
      %mul3A_574 = arith.constant 16 : i32
      %mul3A_575 = arith.muli %scan3A_571, %mul3A_574 : i32
      %add3A_576 = arith.constant 6000 : i32
      %add3A_577 = arith.addi %add3A_576, %mul3A_575 : i32
      %mul3A_578 = arith.constant 16 : i32
      %mul3A_579 = arith.muli %scan3A_571, %mul3A_578 : i32
      %get3A_580 = arith.index_cast %add3A_577 : i32 to index
      %get3A_581 = tpu.vector_load %arg9[%get3A_580] {strides = array<i32>} : memref<16000xi32, #tpu.memory_space<vmem>>, vector<16xi32>,
      %gather3A_582 = tpu.vector_load_idx %arg7[%get3A_581] : memref<32768xf32, #tpu.memory_space<vmem>>[vector<16xi32>], vector<16xf32>,
      %gather3A_583 = tpu.vector_load_idx %arg8[%get3A_581] : memref<32768xf32, #tpu.memory_space<vmem>>[vector<16xi32>], vector<16xf32>,
      %get3A_584 = arith.index_cast %mul3A_579 : i32 to index
      %get3A_585 = tpu.vector_load %arg13[%get3A_584] {strides = array<i32>} : memref<2000xf32, #tpu.memory_space<vmem>>, vector<16xf32>,
      %sub3A_586 = arith.subf %gather3A_582, %get3A_585 : vector<16xf32>
      %get3A_587 = arith.index_cast %mul3A_579 : i32 to index
      %get3A_588 = tpu.vector_load %arg14[%get3A_587] {strides = array<i32>} : memref<2000xf32, #tpu.memory_space<vmem>>, vector<16xf32>,
      %sub3A_589 = arith.subf %gather3A_583, %get3A_588 : vector<16xf32>
      %sign3A_590 = tpu.bitcast %sub3A_589 : vector<16xf32> -> vector<16xi32>
      %sign3A_591 = arith.constant -2147483648 : i32
      %sign3A_592 = vector.broadcast %sign3A_591 : i32 to vector<16xi32>
      %sign3A_593 = arith.andi %sign3A_590, %sign3A_592 : vector<16xi32>
      %sign3A_594 = arith.constant 1065353216 : i32
      %sign3A_595 = vector.broadcast %sign3A_594 : i32 to vector<16xi32>
      %sign3A_596 = arith.ori %sign3A_595, %sign3A_593 : vector<16xi32>
      %sign3A_597 = tpu.bitcast %sign3A_596 : vector<16xi32> -> vector<16xf32>
      %sign3A_598 = math.absf %sub3A_589 : vector<16xf32>
      %sign3A_599 = arith.constant 0.000000e+00 : f32
      %sign3A_600 = vector.broadcast %sign3A_599 : f32 to vector<16xf32>
      %sign3A_601 = arith.cmpf ogt, %sign3A_598, %sign3A_600 : vector<16xf32>
      %sign3A_602 = arith.select %sign3A_601, %sign3A_597, %sub3A_589 : vector<16xi1>, vector<16xf32>
      %neg3A_603 = arith.constant 0.000000e+00 : f32
      %neg3A_604 = vector.broadcast %neg3A_603 : f32 to vector<16xf32>
      %neg3A_605 = arith.subf %neg3A_604, %sign3A_602 : vector<16xf32>
      %mul3A_606 = arith.mulf %neg3A_605, %sub3A_586 : vector<16xf32>
      %max3A_607 = arith.constant 0.000000e+00 : f32
      %max3A_608 = vector.broadcast %max3A_607 : f32 to vector<16xf32>
      %max3A_609 = arith.maximumf %max3A_608, %mul3A_606 : vector<16xf32>
      %add3A_610 = arith.addf %scan3A_572, %max3A_609 : vector<16xf32>
      %ne3A_611 = arith.constant 0.000000e+00 : f32
      %ne3A_612 = vector.broadcast %ne3A_611 : f32 to vector<16xf32>
      %ne3A_613 = arith.cmpf one, %sub3A_589, %ne3A_612 : vector<16xf32>
      %jit3A_614 = arith.constant 1.000000e+00 : f32
      %jit3A_615 = arith.constant 0.000000e+00 : f32
      %broadcast_in_dim3A_616 = vector.broadcast %jit3A_614 : f32 to vector<16xf32>
      %broadcast_in_dim3A_617 = vector.broadcast %jit3A_615 : f32 to vector<16xf32>
      %select_n3A_618 = arith.select %ne3A_613, %broadcast_in_dim3A_616, %broadcast_in_dim3A_617 : vector<16xi1>, vector<16xf32>
      %add3A_619 = arith.addf %scan3A_573, %select_n3A_618 : vector<16xf32>
      %scan3A_620 = arith.constant 1 : i32
      %scan3A_621 = arith.addi %scan3A_571, %scan3A_620 : i32
      %mul3A_622 = arith.constant 16 : i32
      %mul3A_623 = arith.muli %scan3A_621, %mul3A_622 : i32
      %add3A_624 = arith.constant 6000 : i32
      %add3A_625 = arith.addi %add3A_624, %mul3A_623 : i32
      %mul3A_626 = arith.constant 16 : i32
      %mul3A_627 = arith.muli %scan3A_621, %mul3A_626 : i32
      %get3A_628 = arith.index_cast %add3A_625 : i32 to index
      %get3A_629 = tpu.vector_load %arg9[%get3A_628] {strides = array<i32>} : memref<16000xi32, #tpu.memory_space<vmem>>, vector<16xi32>,
      %gather3A_630 = tpu.vector_load_idx %arg7[%get3A_629] : memref<32768xf32, #tpu.memory_space<vmem>>[vector<16xi32>], vector<16xf32>,
      %gather3A_631 = tpu.vector_load_idx %arg8[%get3A_629] : memref<32768xf32, #tpu.memory_space<vmem>>[vector<16xi32>], vector<16xf32>,
      %get3A_632 = arith.index_cast %mul3A_627 : i32 to index
      %get3A_633 = tpu.vector_load %arg13[%get3A_632] {strides = array<i32>} : memref<2000xf32, #tpu.memory_space<vmem>>, vector<16xf32>,
      %sub3A_634 = arith.subf %gather3A_630, %get3A_633 : vector<16xf32>
      %get3A_635 = arith.index_cast %mul3A_627 : i32 to index
      %get3A_636 = tpu.vector_load %arg14[%get3A_635] {strides = array<i32>} : memref<2000xf32, #tpu.memory_space<vmem>>, vector<16xf32>,
      %sub3A_637 = arith.subf %gather3A_631, %get3A_636 : vector<16xf32>
      %sign3A_638 = tpu.bitcast %sub3A_637 : vector<16xf32> -> vector<16xi32>
      %sign3A_639 = arith.constant -2147483648 : i32
      %sign3A_640 = vector.broadcast %sign3A_639 : i32 to vector<16xi32>
      %sign3A_641 = arith.andi %sign3A_638, %sign3A_640 : vector<16xi32>
      %sign3A_642 = arith.constant 1065353216 : i32
      %sign3A_643 = vector.broadcast %sign3A_642 : i32 to vector<16xi32>
      %sign3A_644 = arith.ori %sign3A_643, %sign3A_641 : vector<16xi32>
      %sign3A_645 = tpu.bitcast %sign3A_644 : vector<16xi32> -> vector<16xf32>
      %sign3A_646 = math.absf %sub3A_637 : vector<16xf32>
      %sign3A_647 = arith.constant 0.000000e+00 : f32
      %sign3A_648 = vector.broadcast %sign3A_647 : f32 to vector<16xf32>
      %sign3A_649 = arith.cmpf ogt, %sign3A_646, %sign3A_648 : vector<16xf32>
      %sign3A_650 = arith.select %sign3A_649, %sign3A_645, %sub3A_637 : vector<16xi1>, vector<16xf32>
      %neg3A_651 = arith.constant 0.000000e+00 : f32
      %neg3A_652 = vector.broadcast %neg3A_651 : f32 to vector<16xf32>
      %neg3A_653 = arith.subf %neg3A_652, %sign3A_650 : vector<16xf32>
      %mul3A_654 = arith.mulf %neg3A_653, %sub3A_634 : vector<16xf32>
      %max3A_655 = arith.constant 0.000000e+00 : f32
      %max3A_656 = vector.broadcast %max3A_655 : f32 to vector<16xf32>
      %max3A_657 = arith.maximumf %max3A_656, %mul3A_654 : vector<16xf32>
      %add3A_658 = arith.addf %add3A_610, %max3A_657 : vector<16xf32>
      %ne3A_659 = arith.constant 0.000000e+00 : f32
      %ne3A_660 = vector.broadcast %ne3A_659 : f32 to vector<16xf32>
      %ne3A_661 = arith.cmpf one, %sub3A_637, %ne3A_660 : vector<16xf32>
      %jit3A_662 = arith.constant 1.000000e+00 : f32
      %jit3A_663 = arith.constant 0.000000e+00 : f32
      %broadcast_in_dim3A_664 = vector.broadcast %jit3A_662 : f32 to vector<16xf32>
      %broadcast_in_dim3A_665 = vector.broadcast %jit3A_663 : f32 to vector<16xf32>
      %select_n3A_666 = arith.select %ne3A_661, %broadcast_in_dim3A_664, %broadcast_in_dim3A_665 : vector<16xi1>, vector<16xf32>
      %add3A_667 = arith.addf %add3A_619, %select_n3A_666 : vector<16xf32>
      %scan3A_668 = arith.constant 2 : i32
      %scan3A_669 = arith.addi %scan3A_571, %scan3A_668 : i32
      %mul3A_670 = arith.constant 16 : i32
      %mul3A_671 = arith.muli %scan3A_669, %mul3A_670 : i32
      %add3A_672 = arith.constant 6000 : i32
      %add3A_673 = arith.addi %add3A_672, %mul3A_671 : i32
      %mul3A_674 = arith.constant 16 : i32
      %mul3A_675 = arith.muli %scan3A_669, %mul3A_674 : i32
      %get3A_676 = arith.index_cast %add3A_673 : i32 to index
      %get3A_677 = tpu.vector_load %arg9[%get3A_676] {strides = array<i32>} : memref<16000xi32, #tpu.memory_space<vmem>>, vector<16xi32>,
      %gather3A_678 = tpu.vector_load_idx %arg7[%get3A_677] : memref<32768xf32, #tpu.memory_space<vmem>>[vector<16xi32>], vector<16xf32>,
      %gather3A_679 = tpu.vector_load_idx %arg8[%get3A_677] : memref<32768xf32, #tpu.memory_space<vmem>>[vector<16xi32>], vector<16xf32>,
      %get3A_680 = arith.index_cast %mul3A_675 : i32 to index
      %get3A_681 = tpu.vector_load %arg13[%get3A_680] {strides = array<i32>} : memref<2000xf32, #tpu.memory_space<vmem>>, vector<16xf32>,
      %sub3A_682 = arith.subf %gather3A_678, %get3A_681 : vector<16xf32>
      %get3A_683 = arith.index_cast %mul3A_675 : i32 to index
      %get3A_684 = tpu.vector_load %arg14[%get3A_683] {strides = array<i32>} : memref<2000xf32, #tpu.memory_space<vmem>>, vector<16xf32>,
      %sub3A_685 = arith.subf %gather3A_679, %get3A_684 : vector<16xf32>
      %sign3A_686 = tpu.bitcast %sub3A_685 : vector<16xf32> -> vector<16xi32>
      %sign3A_687 = arith.constant -2147483648 : i32
      %sign3A_688 = vector.broadcast %sign3A_687 : i32 to vector<16xi32>
      %sign3A_689 = arith.andi %sign3A_686, %sign3A_688 : vector<16xi32>
      %sign3A_690 = arith.constant 1065353216 : i32
      %sign3A_691 = vector.broadcast %sign3A_690 : i32 to vector<16xi32>
      %sign3A_692 = arith.ori %sign3A_691, %sign3A_689 : vector<16xi32>
      %sign3A_693 = tpu.bitcast %sign3A_692 : vector<16xi32> -> vector<16xf32>
      %sign3A_694 = math.absf %sub3A_685 : vector<16xf32>
      %sign3A_695 = arith.constant 0.000000e+00 : f32
      %sign3A_696 = vector.broadcast %sign3A_695 : f32 to vector<16xf32>
      %sign3A_697 = arith.cmpf ogt, %sign3A_694, %sign3A_696 : vector<16xf32>
      %sign3A_698 = arith.select %sign3A_697, %sign3A_693, %sub3A_685 : vector<16xi1>, vector<16xf32>
      %neg3A_699 = arith.constant 0.000000e+00 : f32
      %neg3A_700 = vector.broadcast %neg3A_699 : f32 to vector<16xf32>
      %neg3A_701 = arith.subf %neg3A_700, %sign3A_698 : vector<16xf32>
      %mul3A_702 = arith.mulf %neg3A_701, %sub3A_682 : vector<16xf32>
      %max3A_703 = arith.constant 0.000000e+00 : f32
      %max3A_704 = vector.broadcast %max3A_703 : f32 to vector<16xf32>
      %max3A_705 = arith.maximumf %max3A_704, %mul3A_702 : vector<16xf32>
      %add3A_706 = arith.addf %add3A_658, %max3A_705 : vector<16xf32>
      %ne3A_707 = arith.constant 0.000000e+00 : f32
      %ne3A_708 = vector.broadcast %ne3A_707 : f32 to vector<16xf32>
      %ne3A_709 = arith.cmpf one, %sub3A_685, %ne3A_708 : vector<16xf32>
      %jit3A_710 = arith.constant 1.000000e+00 : f32
      %jit3A_711 = arith.constant 0.000000e+00 : f32
      %broadcast_in_dim3A_712 = vector.broadcast %jit3A_710 : f32 to vector<16xf32>
      %broadcast_in_dim3A_713 = vector.broadcast %jit3A_711 : f32 to vector<16xf32>
      %select_n3A_714 = arith.select %ne3A_709, %broadcast_in_dim3A_712, %broadcast_in_dim3A_713 : vector<16xi1>, vector<16xf32>
      %add3A_715 = arith.addf %add3A_667, %select_n3A_714 : vector<16xf32>
      %scan3A_716 = arith.constant 3 : i32
      %scan3A_717 = arith.addi %scan3A_571, %scan3A_716 : i32
      %mul3A_718 = arith.constant 16 : i32
      %mul3A_719 = arith.muli %scan3A_717, %mul3A_718 : i32
      %add3A_720 = arith.constant 6000 : i32
      %add3A_721 = arith.addi %add3A_720, %mul3A_719 : i32
      %mul3A_722 = arith.constant 16 : i32
      %mul3A_723 = arith.muli %scan3A_717, %mul3A_722 : i32
      %get3A_724 = arith.index_cast %add3A_721 : i32 to index
      %get3A_725 = tpu.vector_load %arg9[%get3A_724] {strides = array<i32>} : memref<16000xi32, #tpu.memory_space<vmem>>, vector<16xi32>,
      %gather3A_726 = tpu.vector_load_idx %arg7[%get3A_725] : memref<32768xf32, #tpu.memory_space<vmem>>[vector<16xi32>], vector<16xf32>,
      %gather3A_727 = tpu.vector_load_idx %arg8[%get3A_725] : memref<32768xf32, #tpu.memory_space<vmem>>[vector<16xi32>], vector<16xf32>,
      %get3A_728 = arith.index_cast %mul3A_723 : i32 to index
      %get3A_729 = tpu.vector_load %arg13[%get3A_728] {strides = array<i32>} : memref<2000xf32, #tpu.memory_space<vmem>>, vector<16xf32>,
      %sub3A_730 = arith.subf %gather3A_726, %get3A_729 : vector<16xf32>
      %get3A_731 = arith.index_cast %mul3A_723 : i32 to index
      %get3A_732 = tpu.vector_load %arg14[%get3A_731] {strides = array<i32>} : memref<2000xf32, #tpu.memory_space<vmem>>, vector<16xf32>,
      %sub3A_733 = arith.subf %gather3A_727, %get3A_732 : vector<16xf32>
      %sign3A_734 = tpu.bitcast %sub3A_733 : vector<16xf32> -> vector<16xi32>
      %sign3A_735 = arith.constant -2147483648 : i32
      %sign3A_736 = vector.broadcast %sign3A_735 : i32 to vector<16xi32>
      %sign3A_737 = arith.andi %sign3A_734, %sign3A_736 : vector<16xi32>
      %sign3A_738 = arith.constant 1065353216 : i32
      %sign3A_739 = vector.broadcast %sign3A_738 : i32 to vector<16xi32>
      %sign3A_740 = arith.ori %sign3A_739, %sign3A_737 : vector<16xi32>
      %sign3A_741 = tpu.bitcast %sign3A_740 : vector<16xi32> -> vector<16xf32>
      %sign3A_742 = math.absf %sub3A_733 : vector<16xf32>
      %sign3A_743 = arith.constant 0.000000e+00 : f32
      %sign3A_744 = vector.broadcast %sign3A_743 : f32 to vector<16xf32>
      %sign3A_745 = arith.cmpf ogt, %sign3A_742, %sign3A_744 : vector<16xf32>
      %sign3A_746 = arith.select %sign3A_745, %sign3A_741, %sub3A_733 : vector<16xi1>, vector<16xf32>
      %neg3A_747 = arith.constant 0.000000e+00 : f32
      %neg3A_748 = vector.broadcast %neg3A_747 : f32 to vector<16xf32>
      %neg3A_749 = arith.subf %neg3A_748, %sign3A_746 : vector<16xf32>
      %mul3A_750 = arith.mulf %neg3A_749, %sub3A_730 : vector<16xf32>
      %max3A_751 = arith.constant 0.000000e+00 : f32
      %max3A_752 = vector.broadcast %max3A_751 : f32 to vector<16xf32>
      %max3A_753 = arith.maximumf %max3A_752, %mul3A_750 : vector<16xf32>
      %add3A_754 = arith.addf %add3A_706, %max3A_753 : vector<16xf32>
      %ne3A_755 = arith.constant 0.000000e+00 : f32
      %ne3A_756 = vector.broadcast %ne3A_755 : f32 to vector<16xf32>
      %ne3A_757 = arith.cmpf one, %sub3A_733, %ne3A_756 : vector<16xf32>
      %jit3A_758 = arith.constant 1.000000e+00 : f32
      %jit3A_759 = arith.constant 0.000000e+00 : f32
      %broadcast_in_dim3A_760 = vector.broadcast %jit3A_758 : f32 to vector<16xf32>
      %broadcast_in_dim3A_761 = vector.broadcast %jit3A_759 : f32 to vector<16xf32>
      %select_n3A_762 = arith.select %ne3A_757, %broadcast_in_dim3A_760, %broadcast_in_dim3A_761 : vector<16xi1>, vector<16xf32>
      %add3A_763 = arith.addf %add3A_715, %select_n3A_762 : vector<16xf32>
      scf.yield %add3A_754, %add3A_763 : vector<16xf32>, vector<16xf32>
    }
    %scan3A_245 = arith.constant 124 : i32
    %scan3A_246 = arith.addi %scan3A_240, %scan3A_245 : i32
    %mul3A_247 = arith.constant 16 : i32
    %mul3A_248 = arith.muli %scan3A_246, %mul3A_247 : i32
    %add3A_249 = arith.constant 6000 : i32
    %add3A_250 = arith.addi %add3A_249, %mul3A_248 : i32
    %mul3A_251 = arith.constant 16 : i32
    %mul3A_252 = arith.muli %scan3A_246, %mul3A_251 : i32
    %get3A_253 = arith.index_cast %add3A_250 : i32 to index
    %get3A_254 = tpu.vector_load %arg9[%get3A_253] {strides = array<i32>} : memref<16000xi32, #tpu.memory_space<vmem>>, vector<16xi32>,
    %gather3A_255 = tpu.vector_load_idx %arg7[%get3A_254] : memref<32768xf32, #tpu.memory_space<vmem>>[vector<16xi32>], vector<16xf32>,
    %gather3A_256 = tpu.vector_load_idx %arg8[%get3A_254] : memref<32768xf32, #tpu.memory_space<vmem>>[vector<16xi32>], vector<16xf32>,
    %get3A_257 = arith.index_cast %mul3A_252 : i32 to index
    %get3A_258 = tpu.vector_load %arg13[%get3A_257] {strides = array<i32>} : memref<2000xf32, #tpu.memory_space<vmem>>, vector<16xf32>,
    %sub3A_259 = arith.subf %gather3A_255, %get3A_258 : vector<16xf32>
    %get3A_260 = arith.index_cast %mul3A_252 : i32 to index
    %get3A_261 = tpu.vector_load %arg14[%get3A_260] {strides = array<i32>} : memref<2000xf32, #tpu.memory_space<vmem>>, vector<16xf32>,
    %sub3A_262 = arith.subf %gather3A_256, %get3A_261 : vector<16xf32>
    %sign3A_263 = tpu.bitcast %sub3A_262 : vector<16xf32> -> vector<16xi32>
    %sign3A_264 = arith.constant -2147483648 : i32
    %sign3A_265 = vector.broadcast %sign3A_264 : i32 to vector<16xi32>
    %sign3A_266 = arith.andi %sign3A_263, %sign3A_265 : vector<16xi32>
    %sign3A_267 = arith.constant 1065353216 : i32
    %sign3A_268 = vector.broadcast %sign3A_267 : i32 to vector<16xi32>
    %sign3A_269 = arith.ori %sign3A_268, %sign3A_266 : vector<16xi32>
    %sign3A_270 = tpu.bitcast %sign3A_269 : vector<16xi32> -> vector<16xf32>
    %sign3A_271 = math.absf %sub3A_262 : vector<16xf32>
    %sign3A_272 = arith.constant 0.000000e+00 : f32
    %sign3A_273 = vector.broadcast %sign3A_272 : f32 to vector<16xf32>
    %sign3A_274 = arith.cmpf ogt, %sign3A_271, %sign3A_273 : vector<16xf32>
    %sign3A_275 = arith.select %sign3A_274, %sign3A_270, %sub3A_262 : vector<16xi1>, vector<16xf32>
    %neg3A_276 = arith.constant 0.000000e+00 : f32
    %neg3A_277 = vector.broadcast %neg3A_276 : f32 to vector<16xf32>
    %neg3A_278 = arith.subf %neg3A_277, %sign3A_275 : vector<16xf32>
    %mul3A_279 = arith.mulf %neg3A_278, %sub3A_259 : vector<16xf32>
    %max3A_280 = arith.constant 0.000000e+00 : f32
    %max3A_281 = vector.broadcast %max3A_280 : f32 to vector<16xf32>
    %max3A_282 = arith.maximumf %max3A_281, %mul3A_279 : vector<16xf32>
    %add3A_283 = arith.addf %scan3A_244#0, %max3A_282 : vector<16xf32>
    %ne3A_284 = arith.constant 0.000000e+00 : f32
    %ne3A_285 = vector.broadcast %ne3A_284 : f32 to vector<16xf32>
    %ne3A_286 = arith.cmpf one, %sub3A_262, %ne3A_285 : vector<16xf32>
    %jit3A_287 = arith.constant 1.000000e+00 : f32
    %jit3A_288 = arith.constant 0.000000e+00 : f32
    %broadcast_in_dim3A_289 = vector.broadcast %jit3A_287 : f32 to vector<16xf32>
    %broadcast_in_dim3A_290 = vector.broadcast %jit3A_288 : f32 to vector<16xf32>
    %select_n3A_291 = arith.select %ne3A_286, %broadcast_in_dim3A_289, %broadcast_in_dim3A_290 : vector<16xi1>, vector<16xf32>
    %add3A_292 = arith.addf %scan3A_244#1, %select_n3A_291 : vector<16xf32>
    %scan3A_293 = arith.constant 125 : i32
    %dma_start3A_294 = arith.constant 10000 : i32
    %dma_start3A_295 = tpu.memref_slice %arg10[%dma_start3A_294] : memref<16000xi32, #tpu.memory_space<vmem>> -> memref<2000xi32, #tpu.memory_space<vmem>>
    %dma_start3A_296 = arith.constant 0 : i32
    %dma_start3A_297 = tpu.memref_slice %arg2[%dma_start3A_296] : memref<1048576xf32, #tpu.memory_space<hbm>> -> memref<1048576xf32, #tpu.memory_space<hbm>>
    tpu.enqueue_indirect_dma source(%dma_start3A_297 : memref<1048576xf32, #tpu.memory_space<hbm>>) target(%arg13 : memref<2000xf32, #tpu.memory_space<vmem>>) offsets(%dma_start3A_295 : memref<2000xi32, #tpu.memory_space<vmem>>) semaphore(%arg18 : memref<!tpu.dma_semaphore, #tpu.memory_space<semaphore_mem>>)
    %dma_start3A_298 = arith.constant 10000 : i32
    %dma_start3A_299 = tpu.memref_slice %arg10[%dma_start3A_298] : memref<16000xi32, #tpu.memory_space<vmem>> -> memref<2000xi32, #tpu.memory_space<vmem>>
    %dma_start3A_300 = arith.constant 0 : i32
    %dma_start3A_301 = tpu.memref_slice %arg3[%dma_start3A_300] : memref<1048576xf32, #tpu.memory_space<hbm>> -> memref<1048576xf32, #tpu.memory_space<hbm>>
    tpu.enqueue_indirect_dma source(%dma_start3A_301 : memref<1048576xf32, #tpu.memory_space<hbm>>) target(%arg14 : memref<2000xf32, #tpu.memory_space<vmem>>) offsets(%dma_start3A_299 : memref<2000xi32, #tpu.memory_space<vmem>>) semaphore(%arg18 : memref<!tpu.dma_semaphore, #tpu.memory_space<semaphore_mem>>)
    %dma_wait3A_302 = arith.constant 8000 : i32
    %dma_wait3A_303 = tpu.memref_slice %arg10[%dma_wait3A_302] : memref<16000xi32, #tpu.memory_space<vmem>> -> memref<2000xi32, #tpu.memory_space<vmem>>
    %dma_wait3A_304 = arith.constant 0 : i32
    %dma_wait3A_305 = tpu.memref_slice %arg2[%dma_wait3A_304] : memref<1048576xf32, #tpu.memory_space<hbm>> -> memref<1048576xf32, #tpu.memory_space<hbm>>
    tpu.wait_indirect_dma semaphore(%arg17 : memref<!tpu.dma_semaphore, #tpu.memory_space<semaphore_mem>>) src(%dma_wait3A_305 : memref<1048576xf32, #tpu.memory_space<hbm>>) dst(%arg11 : memref<2000xf32, #tpu.memory_space<vmem>>)
    %dma_wait3A_306 = arith.constant 8000 : i32
    %dma_wait3A_307 = tpu.memref_slice %arg10[%dma_wait3A_306] : memref<16000xi32, #tpu.memory_space<vmem>> -> memref<2000xi32, #tpu.memory_space<vmem>>
    %dma_wait3A_308 = arith.constant 0 : i32
    %dma_wait3A_309 = tpu.memref_slice %arg3[%dma_wait3A_308] : memref<1048576xf32, #tpu.memory_space<hbm>> -> memref<1048576xf32, #tpu.memory_space<hbm>>
    tpu.wait_indirect_dma semaphore(%arg17 : memref<!tpu.dma_semaphore, #tpu.memory_space<semaphore_mem>>) src(%dma_wait3A_309 : memref<1048576xf32, #tpu.memory_space<hbm>>) dst(%arg12 : memref<2000xf32, #tpu.memory_space<vmem>>)
    %scan3A_310 = arith.constant 0 : i32
    %scan3A_311 = arith.constant 124 : i32
    %scan3A_312 = arith.addi %scan3A_310, %scan3A_311 : i32
    %scan3A_313 = arith.constant 4 : i32
    %scan3A_314:2 = scf.for %scan3A_571 = %scan3A_310 to %scan3A_312 step %scan3A_313 iter_args(%scan3A_572 = %add3A_283, %scan3A_573 = %add3A_292) -> (vector<16xf32>, vector<16xf32>)  : i32 {
      %mul3A_574 = arith.constant 16 : i32
      %mul3A_575 = arith.muli %scan3A_571, %mul3A_574 : i32
      %add3A_576 = arith.constant 8000 : i32
      %add3A_577 = arith.addi %add3A_576, %mul3A_575 : i32
      %mul3A_578 = arith.constant 16 : i32
      %mul3A_579 = arith.muli %scan3A_571, %mul3A_578 : i32
      %get3A_580 = arith.index_cast %add3A_577 : i32 to index
      %get3A_581 = tpu.vector_load %arg9[%get3A_580] {strides = array<i32>} : memref<16000xi32, #tpu.memory_space<vmem>>, vector<16xi32>,
      %gather3A_582 = tpu.vector_load_idx %arg7[%get3A_581] : memref<32768xf32, #tpu.memory_space<vmem>>[vector<16xi32>], vector<16xf32>,
      %gather3A_583 = tpu.vector_load_idx %arg8[%get3A_581] : memref<32768xf32, #tpu.memory_space<vmem>>[vector<16xi32>], vector<16xf32>,
      %get3A_584 = arith.index_cast %mul3A_579 : i32 to index
      %get3A_585 = tpu.vector_load %arg11[%get3A_584] {strides = array<i32>} : memref<2000xf32, #tpu.memory_space<vmem>>, vector<16xf32>,
      %sub3A_586 = arith.subf %gather3A_582, %get3A_585 : vector<16xf32>
      %get3A_587 = arith.index_cast %mul3A_579 : i32 to index
      %get3A_588 = tpu.vector_load %arg12[%get3A_587] {strides = array<i32>} : memref<2000xf32, #tpu.memory_space<vmem>>, vector<16xf32>,
      %sub3A_589 = arith.subf %gather3A_583, %get3A_588 : vector<16xf32>
      %sign3A_590 = tpu.bitcast %sub3A_589 : vector<16xf32> -> vector<16xi32>
      %sign3A_591 = arith.constant -2147483648 : i32
      %sign3A_592 = vector.broadcast %sign3A_591 : i32 to vector<16xi32>
      %sign3A_593 = arith.andi %sign3A_590, %sign3A_592 : vector<16xi32>
      %sign3A_594 = arith.constant 1065353216 : i32
      %sign3A_595 = vector.broadcast %sign3A_594 : i32 to vector<16xi32>
      %sign3A_596 = arith.ori %sign3A_595, %sign3A_593 : vector<16xi32>
      %sign3A_597 = tpu.bitcast %sign3A_596 : vector<16xi32> -> vector<16xf32>
      %sign3A_598 = math.absf %sub3A_589 : vector<16xf32>
      %sign3A_599 = arith.constant 0.000000e+00 : f32
      %sign3A_600 = vector.broadcast %sign3A_599 : f32 to vector<16xf32>
      %sign3A_601 = arith.cmpf ogt, %sign3A_598, %sign3A_600 : vector<16xf32>
      %sign3A_602 = arith.select %sign3A_601, %sign3A_597, %sub3A_589 : vector<16xi1>, vector<16xf32>
      %neg3A_603 = arith.constant 0.000000e+00 : f32
      %neg3A_604 = vector.broadcast %neg3A_603 : f32 to vector<16xf32>
      %neg3A_605 = arith.subf %neg3A_604, %sign3A_602 : vector<16xf32>
      %mul3A_606 = arith.mulf %neg3A_605, %sub3A_586 : vector<16xf32>
      %max3A_607 = arith.constant 0.000000e+00 : f32
      %max3A_608 = vector.broadcast %max3A_607 : f32 to vector<16xf32>
      %max3A_609 = arith.maximumf %max3A_608, %mul3A_606 : vector<16xf32>
      %add3A_610 = arith.addf %scan3A_572, %max3A_609 : vector<16xf32>
      %ne3A_611 = arith.constant 0.000000e+00 : f32
      %ne3A_612 = vector.broadcast %ne3A_611 : f32 to vector<16xf32>
      %ne3A_613 = arith.cmpf one, %sub3A_589, %ne3A_612 : vector<16xf32>
      %jit3A_614 = arith.constant 1.000000e+00 : f32
      %jit3A_615 = arith.constant 0.000000e+00 : f32
      %broadcast_in_dim3A_616 = vector.broadcast %jit3A_614 : f32 to vector<16xf32>
      %broadcast_in_dim3A_617 = vector.broadcast %jit3A_615 : f32 to vector<16xf32>
      %select_n3A_618 = arith.select %ne3A_613, %broadcast_in_dim3A_616, %broadcast_in_dim3A_617 : vector<16xi1>, vector<16xf32>
      %add3A_619 = arith.addf %scan3A_573, %select_n3A_618 : vector<16xf32>
      %scan3A_620 = arith.constant 1 : i32
      %scan3A_621 = arith.addi %scan3A_571, %scan3A_620 : i32
      %mul3A_622 = arith.constant 16 : i32
      %mul3A_623 = arith.muli %scan3A_621, %mul3A_622 : i32
      %add3A_624 = arith.constant 8000 : i32
      %add3A_625 = arith.addi %add3A_624, %mul3A_623 : i32
      %mul3A_626 = arith.constant 16 : i32
      %mul3A_627 = arith.muli %scan3A_621, %mul3A_626 : i32
      %get3A_628 = arith.index_cast %add3A_625 : i32 to index
      %get3A_629 = tpu.vector_load %arg9[%get3A_628] {strides = array<i32>} : memref<16000xi32, #tpu.memory_space<vmem>>, vector<16xi32>,
      %gather3A_630 = tpu.vector_load_idx %arg7[%get3A_629] : memref<32768xf32, #tpu.memory_space<vmem>>[vector<16xi32>], vector<16xf32>,
      %gather3A_631 = tpu.vector_load_idx %arg8[%get3A_629] : memref<32768xf32, #tpu.memory_space<vmem>>[vector<16xi32>], vector<16xf32>,
      %get3A_632 = arith.index_cast %mul3A_627 : i32 to index
      %get3A_633 = tpu.vector_load %arg11[%get3A_632] {strides = array<i32>} : memref<2000xf32, #tpu.memory_space<vmem>>, vector<16xf32>,
      %sub3A_634 = arith.subf %gather3A_630, %get3A_633 : vector<16xf32>
      %get3A_635 = arith.index_cast %mul3A_627 : i32 to index
      %get3A_636 = tpu.vector_load %arg12[%get3A_635] {strides = array<i32>} : memref<2000xf32, #tpu.memory_space<vmem>>, vector<16xf32>,
      %sub3A_637 = arith.subf %gather3A_631, %get3A_636 : vector<16xf32>
      %sign3A_638 = tpu.bitcast %sub3A_637 : vector<16xf32> -> vector<16xi32>
      %sign3A_639 = arith.constant -2147483648 : i32
      %sign3A_640 = vector.broadcast %sign3A_639 : i32 to vector<16xi32>
      %sign3A_641 = arith.andi %sign3A_638, %sign3A_640 : vector<16xi32>
      %sign3A_642 = arith.constant 1065353216 : i32
      %sign3A_643 = vector.broadcast %sign3A_642 : i32 to vector<16xi32>
      %sign3A_644 = arith.ori %sign3A_643, %sign3A_641 : vector<16xi32>
      %sign3A_645 = tpu.bitcast %sign3A_644 : vector<16xi32> -> vector<16xf32>
      %sign3A_646 = math.absf %sub3A_637 : vector<16xf32>
      %sign3A_647 = arith.constant 0.000000e+00 : f32
      %sign3A_648 = vector.broadcast %sign3A_647 : f32 to vector<16xf32>
      %sign3A_649 = arith.cmpf ogt, %sign3A_646, %sign3A_648 : vector<16xf32>
      %sign3A_650 = arith.select %sign3A_649, %sign3A_645, %sub3A_637 : vector<16xi1>, vector<16xf32>
      %neg3A_651 = arith.constant 0.000000e+00 : f32
      %neg3A_652 = vector.broadcast %neg3A_651 : f32 to vector<16xf32>
      %neg3A_653 = arith.subf %neg3A_652, %sign3A_650 : vector<16xf32>
      %mul3A_654 = arith.mulf %neg3A_653, %sub3A_634 : vector<16xf32>
      %max3A_655 = arith.constant 0.000000e+00 : f32
      %max3A_656 = vector.broadcast %max3A_655 : f32 to vector<16xf32>
      %max3A_657 = arith.maximumf %max3A_656, %mul3A_654 : vector<16xf32>
      %add3A_658 = arith.addf %add3A_610, %max3A_657 : vector<16xf32>
      %ne3A_659 = arith.constant 0.000000e+00 : f32
      %ne3A_660 = vector.broadcast %ne3A_659 : f32 to vector<16xf32>
      %ne3A_661 = arith.cmpf one, %sub3A_637, %ne3A_660 : vector<16xf32>
      %jit3A_662 = arith.constant 1.000000e+00 : f32
      %jit3A_663 = arith.constant 0.000000e+00 : f32
      %broadcast_in_dim3A_664 = vector.broadcast %jit3A_662 : f32 to vector<16xf32>
      %broadcast_in_dim3A_665 = vector.broadcast %jit3A_663 : f32 to vector<16xf32>
      %select_n3A_666 = arith.select %ne3A_661, %broadcast_in_dim3A_664, %broadcast_in_dim3A_665 : vector<16xi1>, vector<16xf32>
      %add3A_667 = arith.addf %add3A_619, %select_n3A_666 : vector<16xf32>
      %scan3A_668 = arith.constant 2 : i32
      %scan3A_669 = arith.addi %scan3A_571, %scan3A_668 : i32
      %mul3A_670 = arith.constant 16 : i32
      %mul3A_671 = arith.muli %scan3A_669, %mul3A_670 : i32
      %add3A_672 = arith.constant 8000 : i32
      %add3A_673 = arith.addi %add3A_672, %mul3A_671 : i32
      %mul3A_674 = arith.constant 16 : i32
      %mul3A_675 = arith.muli %scan3A_669, %mul3A_674 : i32
      %get3A_676 = arith.index_cast %add3A_673 : i32 to index
      %get3A_677 = tpu.vector_load %arg9[%get3A_676] {strides = array<i32>} : memref<16000xi32, #tpu.memory_space<vmem>>, vector<16xi32>,
      %gather3A_678 = tpu.vector_load_idx %arg7[%get3A_677] : memref<32768xf32, #tpu.memory_space<vmem>>[vector<16xi32>], vector<16xf32>,
      %gather3A_679 = tpu.vector_load_idx %arg8[%get3A_677] : memref<32768xf32, #tpu.memory_space<vmem>>[vector<16xi32>], vector<16xf32>,
      %get3A_680 = arith.index_cast %mul3A_675 : i32 to index
      %get3A_681 = tpu.vector_load %arg11[%get3A_680] {strides = array<i32>} : memref<2000xf32, #tpu.memory_space<vmem>>, vector<16xf32>,
      %sub3A_682 = arith.subf %gather3A_678, %get3A_681 : vector<16xf32>
      %get3A_683 = arith.index_cast %mul3A_675 : i32 to index
      %get3A_684 = tpu.vector_load %arg12[%get3A_683] {strides = array<i32>} : memref<2000xf32, #tpu.memory_space<vmem>>, vector<16xf32>,
      %sub3A_685 = arith.subf %gather3A_679, %get3A_684 : vector<16xf32>
      %sign3A_686 = tpu.bitcast %sub3A_685 : vector<16xf32> -> vector<16xi32>
      %sign3A_687 = arith.constant -2147483648 : i32
      %sign3A_688 = vector.broadcast %sign3A_687 : i32 to vector<16xi32>
      %sign3A_689 = arith.andi %sign3A_686, %sign3A_688 : vector<16xi32>
      %sign3A_690 = arith.constant 1065353216 : i32
      %sign3A_691 = vector.broadcast %sign3A_690 : i32 to vector<16xi32>
      %sign3A_692 = arith.ori %sign3A_691, %sign3A_689 : vector<16xi32>
      %sign3A_693 = tpu.bitcast %sign3A_692 : vector<16xi32> -> vector<16xf32>
      %sign3A_694 = math.absf %sub3A_685 : vector<16xf32>
      %sign3A_695 = arith.constant 0.000000e+00 : f32
      %sign3A_696 = vector.broadcast %sign3A_695 : f32 to vector<16xf32>
      %sign3A_697 = arith.cmpf ogt, %sign3A_694, %sign3A_696 : vector<16xf32>
      %sign3A_698 = arith.select %sign3A_697, %sign3A_693, %sub3A_685 : vector<16xi1>, vector<16xf32>
      %neg3A_699 = arith.constant 0.000000e+00 : f32
      %neg3A_700 = vector.broadcast %neg3A_699 : f32 to vector<16xf32>
      %neg3A_701 = arith.subf %neg3A_700, %sign3A_698 : vector<16xf32>
      %mul3A_702 = arith.mulf %neg3A_701, %sub3A_682 : vector<16xf32>
      %max3A_703 = arith.constant 0.000000e+00 : f32
      %max3A_704 = vector.broadcast %max3A_703 : f32 to vector<16xf32>
      %max3A_705 = arith.maximumf %max3A_704, %mul3A_702 : vector<16xf32>
      %add3A_706 = arith.addf %add3A_658, %max3A_705 : vector<16xf32>
      %ne3A_707 = arith.constant 0.000000e+00 : f32
      %ne3A_708 = vector.broadcast %ne3A_707 : f32 to vector<16xf32>
      %ne3A_709 = arith.cmpf one, %sub3A_685, %ne3A_708 : vector<16xf32>
      %jit3A_710 = arith.constant 1.000000e+00 : f32
      %jit3A_711 = arith.constant 0.000000e+00 : f32
      %broadcast_in_dim3A_712 = vector.broadcast %jit3A_710 : f32 to vector<16xf32>
      %broadcast_in_dim3A_713 = vector.broadcast %jit3A_711 : f32 to vector<16xf32>
      %select_n3A_714 = arith.select %ne3A_709, %broadcast_in_dim3A_712, %broadcast_in_dim3A_713 : vector<16xi1>, vector<16xf32>
      %add3A_715 = arith.addf %add3A_667, %select_n3A_714 : vector<16xf32>
      %scan3A_716 = arith.constant 3 : i32
      %scan3A_717 = arith.addi %scan3A_571, %scan3A_716 : i32
      %mul3A_718 = arith.constant 16 : i32
      %mul3A_719 = arith.muli %scan3A_717, %mul3A_718 : i32
      %add3A_720 = arith.constant 8000 : i32
      %add3A_721 = arith.addi %add3A_720, %mul3A_719 : i32
      %mul3A_722 = arith.constant 16 : i32
      %mul3A_723 = arith.muli %scan3A_717, %mul3A_722 : i32
      %get3A_724 = arith.index_cast %add3A_721 : i32 to index
      %get3A_725 = tpu.vector_load %arg9[%get3A_724] {strides = array<i32>} : memref<16000xi32, #tpu.memory_space<vmem>>, vector<16xi32>,
      %gather3A_726 = tpu.vector_load_idx %arg7[%get3A_725] : memref<32768xf32, #tpu.memory_space<vmem>>[vector<16xi32>], vector<16xf32>,
      %gather3A_727 = tpu.vector_load_idx %arg8[%get3A_725] : memref<32768xf32, #tpu.memory_space<vmem>>[vector<16xi32>], vector<16xf32>,
      %get3A_728 = arith.index_cast %mul3A_723 : i32 to index
      %get3A_729 = tpu.vector_load %arg11[%get3A_728] {strides = array<i32>} : memref<2000xf32, #tpu.memory_space<vmem>>, vector<16xf32>,
      %sub3A_730 = arith.subf %gather3A_726, %get3A_729 : vector<16xf32>
      %get3A_731 = arith.index_cast %mul3A_723 : i32 to index
      %get3A_732 = tpu.vector_load %arg12[%get3A_731] {strides = array<i32>} : memref<2000xf32, #tpu.memory_space<vmem>>, vector<16xf32>,
      %sub3A_733 = arith.subf %gather3A_727, %get3A_732 : vector<16xf32>
      %sign3A_734 = tpu.bitcast %sub3A_733 : vector<16xf32> -> vector<16xi32>
      %sign3A_735 = arith.constant -2147483648 : i32
      %sign3A_736 = vector.broadcast %sign3A_735 : i32 to vector<16xi32>
      %sign3A_737 = arith.andi %sign3A_734, %sign3A_736 : vector<16xi32>
      %sign3A_738 = arith.constant 1065353216 : i32
      %sign3A_739 = vector.broadcast %sign3A_738 : i32 to vector<16xi32>
      %sign3A_740 = arith.ori %sign3A_739, %sign3A_737 : vector<16xi32>
      %sign3A_741 = tpu.bitcast %sign3A_740 : vector<16xi32> -> vector<16xf32>
      %sign3A_742 = math.absf %sub3A_733 : vector<16xf32>
      %sign3A_743 = arith.constant 0.000000e+00 : f32
      %sign3A_744 = vector.broadcast %sign3A_743 : f32 to vector<16xf32>
      %sign3A_745 = arith.cmpf ogt, %sign3A_742, %sign3A_744 : vector<16xf32>
      %sign3A_746 = arith.select %sign3A_745, %sign3A_741, %sub3A_733 : vector<16xi1>, vector<16xf32>
      %neg3A_747 = arith.constant 0.000000e+00 : f32
      %neg3A_748 = vector.broadcast %neg3A_747 : f32 to vector<16xf32>
      %neg3A_749 = arith.subf %neg3A_748, %sign3A_746 : vector<16xf32>
      %mul3A_750 = arith.mulf %neg3A_749, %sub3A_730 : vector<16xf32>
      %max3A_751 = arith.constant 0.000000e+00 : f32
      %max3A_752 = vector.broadcast %max3A_751 : f32 to vector<16xf32>
      %max3A_753 = arith.maximumf %max3A_752, %mul3A_750 : vector<16xf32>
      %add3A_754 = arith.addf %add3A_706, %max3A_753 : vector<16xf32>
      %ne3A_755 = arith.constant 0.000000e+00 : f32
      %ne3A_756 = vector.broadcast %ne3A_755 : f32 to vector<16xf32>
      %ne3A_757 = arith.cmpf one, %sub3A_733, %ne3A_756 : vector<16xf32>
      %jit3A_758 = arith.constant 1.000000e+00 : f32
      %jit3A_759 = arith.constant 0.000000e+00 : f32
      %broadcast_in_dim3A_760 = vector.broadcast %jit3A_758 : f32 to vector<16xf32>
      %broadcast_in_dim3A_761 = vector.broadcast %jit3A_759 : f32 to vector<16xf32>
      %select_n3A_762 = arith.select %ne3A_757, %broadcast_in_dim3A_760, %broadcast_in_dim3A_761 : vector<16xi1>, vector<16xf32>
      %add3A_763 = arith.addf %add3A_715, %select_n3A_762 : vector<16xf32>
      scf.yield %add3A_754, %add3A_763 : vector<16xf32>, vector<16xf32>
    }
    %scan3A_315 = arith.constant 124 : i32
    %scan3A_316 = arith.addi %scan3A_310, %scan3A_315 : i32
    %mul3A_317 = arith.constant 16 : i32
    %mul3A_318 = arith.muli %scan3A_316, %mul3A_317 : i32
    %add3A_319 = arith.constant 8000 : i32
    %add3A_320 = arith.addi %add3A_319, %mul3A_318 : i32
    %mul3A_321 = arith.constant 16 : i32
    %mul3A_322 = arith.muli %scan3A_316, %mul3A_321 : i32
    %get3A_323 = arith.index_cast %add3A_320 : i32 to index
    %get3A_324 = tpu.vector_load %arg9[%get3A_323] {strides = array<i32>} : memref<16000xi32, #tpu.memory_space<vmem>>, vector<16xi32>,
    %gather3A_325 = tpu.vector_load_idx %arg7[%get3A_324] : memref<32768xf32, #tpu.memory_space<vmem>>[vector<16xi32>], vector<16xf32>,
    %gather3A_326 = tpu.vector_load_idx %arg8[%get3A_324] : memref<32768xf32, #tpu.memory_space<vmem>>[vector<16xi32>], vector<16xf32>,
    %get3A_327 = arith.index_cast %mul3A_322 : i32 to index
    %get3A_328 = tpu.vector_load %arg11[%get3A_327] {strides = array<i32>} : memref<2000xf32, #tpu.memory_space<vmem>>, vector<16xf32>,
    %sub3A_329 = arith.subf %gather3A_325, %get3A_328 : vector<16xf32>
    %get3A_330 = arith.index_cast %mul3A_322 : i32 to index
    %get3A_331 = tpu.vector_load %arg12[%get3A_330] {strides = array<i32>} : memref<2000xf32, #tpu.memory_space<vmem>>, vector<16xf32>,
    %sub3A_332 = arith.subf %gather3A_326, %get3A_331 : vector<16xf32>
    %sign3A_333 = tpu.bitcast %sub3A_332 : vector<16xf32> -> vector<16xi32>
    %sign3A_334 = arith.constant -2147483648 : i32
    %sign3A_335 = vector.broadcast %sign3A_334 : i32 to vector<16xi32>
    %sign3A_336 = arith.andi %sign3A_333, %sign3A_335 : vector<16xi32>
    %sign3A_337 = arith.constant 1065353216 : i32
    %sign3A_338 = vector.broadcast %sign3A_337 : i32 to vector<16xi32>
    %sign3A_339 = arith.ori %sign3A_338, %sign3A_336 : vector<16xi32>
    %sign3A_340 = tpu.bitcast %sign3A_339 : vector<16xi32> -> vector<16xf32>
    %sign3A_341 = math.absf %sub3A_332 : vector<16xf32>
    %sign3A_342 = arith.constant 0.000000e+00 : f32
    %sign3A_343 = vector.broadcast %sign3A_342 : f32 to vector<16xf32>
    %sign3A_344 = arith.cmpf ogt, %sign3A_341, %sign3A_343 : vector<16xf32>
    %sign3A_345 = arith.select %sign3A_344, %sign3A_340, %sub3A_332 : vector<16xi1>, vector<16xf32>
    %neg3A_346 = arith.constant 0.000000e+00 : f32
    %neg3A_347 = vector.broadcast %neg3A_346 : f32 to vector<16xf32>
    %neg3A_348 = arith.subf %neg3A_347, %sign3A_345 : vector<16xf32>
    %mul3A_349 = arith.mulf %neg3A_348, %sub3A_329 : vector<16xf32>
    %max3A_350 = arith.constant 0.000000e+00 : f32
    %max3A_351 = vector.broadcast %max3A_350 : f32 to vector<16xf32>
    %max3A_352 = arith.maximumf %max3A_351, %mul3A_349 : vector<16xf32>
    %add3A_353 = arith.addf %scan3A_314#0, %max3A_352 : vector<16xf32>
    %ne3A_354 = arith.constant 0.000000e+00 : f32
    %ne3A_355 = vector.broadcast %ne3A_354 : f32 to vector<16xf32>
    %ne3A_356 = arith.cmpf one, %sub3A_332, %ne3A_355 : vector<16xf32>
    %jit3A_357 = arith.constant 1.000000e+00 : f32
    %jit3A_358 = arith.constant 0.000000e+00 : f32
    %broadcast_in_dim3A_359 = vector.broadcast %jit3A_357 : f32 to vector<16xf32>
    %broadcast_in_dim3A_360 = vector.broadcast %jit3A_358 : f32 to vector<16xf32>
    %select_n3A_361 = arith.select %ne3A_356, %broadcast_in_dim3A_359, %broadcast_in_dim3A_360 : vector<16xi1>, vector<16xf32>
    %add3A_362 = arith.addf %scan3A_314#1, %select_n3A_361 : vector<16xf32>
    %scan3A_363 = arith.constant 125 : i32
    %dma_start3A_364 = arith.constant 12000 : i32
    %dma_start3A_365 = tpu.memref_slice %arg10[%dma_start3A_364] : memref<16000xi32, #tpu.memory_space<vmem>> -> memref<2000xi32, #tpu.memory_space<vmem>>
    %dma_start3A_366 = arith.constant 0 : i32
    %dma_start3A_367 = tpu.memref_slice %arg2[%dma_start3A_366] : memref<1048576xf32, #tpu.memory_space<hbm>> -> memref<1048576xf32, #tpu.memory_space<hbm>>
    tpu.enqueue_indirect_dma source(%dma_start3A_367 : memref<1048576xf32, #tpu.memory_space<hbm>>) target(%arg11 : memref<2000xf32, #tpu.memory_space<vmem>>) offsets(%dma_start3A_365 : memref<2000xi32, #tpu.memory_space<vmem>>) semaphore(%arg17 : memref<!tpu.dma_semaphore, #tpu.memory_space<semaphore_mem>>)
    %dma_start3A_368 = arith.constant 12000 : i32
    %dma_start3A_369 = tpu.memref_slice %arg10[%dma_start3A_368] : memref<16000xi32, #tpu.memory_space<vmem>> -> memref<2000xi32, #tpu.memory_space<vmem>>
    %dma_start3A_370 = arith.constant 0 : i32
    %dma_start3A_371 = tpu.memref_slice %arg3[%dma_start3A_370] : memref<1048576xf32, #tpu.memory_space<hbm>> -> memref<1048576xf32, #tpu.memory_space<hbm>>
    tpu.enqueue_indirect_dma source(%dma_start3A_371 : memref<1048576xf32, #tpu.memory_space<hbm>>) target(%arg12 : memref<2000xf32, #tpu.memory_space<vmem>>) offsets(%dma_start3A_369 : memref<2000xi32, #tpu.memory_space<vmem>>) semaphore(%arg17 : memref<!tpu.dma_semaphore, #tpu.memory_space<semaphore_mem>>)
    %dma_wait3A_372 = arith.constant 10000 : i32
    %dma_wait3A_373 = tpu.memref_slice %arg10[%dma_wait3A_372] : memref<16000xi32, #tpu.memory_space<vmem>> -> memref<2000xi32, #tpu.memory_space<vmem>>
    %dma_wait3A_374 = arith.constant 0 : i32
    %dma_wait3A_375 = tpu.memref_slice %arg2[%dma_wait3A_374] : memref<1048576xf32, #tpu.memory_space<hbm>> -> memref<1048576xf32, #tpu.memory_space<hbm>>
    tpu.wait_indirect_dma semaphore(%arg18 : memref<!tpu.dma_semaphore, #tpu.memory_space<semaphore_mem>>) src(%dma_wait3A_375 : memref<1048576xf32, #tpu.memory_space<hbm>>) dst(%arg13 : memref<2000xf32, #tpu.memory_space<vmem>>)
    %dma_wait3A_376 = arith.constant 10000 : i32
    %dma_wait3A_377 = tpu.memref_slice %arg10[%dma_wait3A_376] : memref<16000xi32, #tpu.memory_space<vmem>> -> memref<2000xi32, #tpu.memory_space<vmem>>
    %dma_wait3A_378 = arith.constant 0 : i32
    %dma_wait3A_379 = tpu.memref_slice %arg3[%dma_wait3A_378] : memref<1048576xf32, #tpu.memory_space<hbm>> -> memref<1048576xf32, #tpu.memory_space<hbm>>
    tpu.wait_indirect_dma semaphore(%arg18 : memref<!tpu.dma_semaphore, #tpu.memory_space<semaphore_mem>>) src(%dma_wait3A_379 : memref<1048576xf32, #tpu.memory_space<hbm>>) dst(%arg14 : memref<2000xf32, #tpu.memory_space<vmem>>)
    %scan3A_380 = arith.constant 0 : i32
    %scan3A_381 = arith.constant 124 : i32
    %scan3A_382 = arith.addi %scan3A_380, %scan3A_381 : i32
    %scan3A_383 = arith.constant 4 : i32
    %scan3A_384:2 = scf.for %scan3A_571 = %scan3A_380 to %scan3A_382 step %scan3A_383 iter_args(%scan3A_572 = %add3A_353, %scan3A_573 = %add3A_362) -> (vector<16xf32>, vector<16xf32>)  : i32 {
      %mul3A_574 = arith.constant 16 : i32
      %mul3A_575 = arith.muli %scan3A_571, %mul3A_574 : i32
      %add3A_576 = arith.constant 10000 : i32
      %add3A_577 = arith.addi %add3A_576, %mul3A_575 : i32
      %mul3A_578 = arith.constant 16 : i32
      %mul3A_579 = arith.muli %scan3A_571, %mul3A_578 : i32
      %get3A_580 = arith.index_cast %add3A_577 : i32 to index
      %get3A_581 = tpu.vector_load %arg9[%get3A_580] {strides = array<i32>} : memref<16000xi32, #tpu.memory_space<vmem>>, vector<16xi32>,
      %gather3A_582 = tpu.vector_load_idx %arg7[%get3A_581] : memref<32768xf32, #tpu.memory_space<vmem>>[vector<16xi32>], vector<16xf32>,
      %gather3A_583 = tpu.vector_load_idx %arg8[%get3A_581] : memref<32768xf32, #tpu.memory_space<vmem>>[vector<16xi32>], vector<16xf32>,
      %get3A_584 = arith.index_cast %mul3A_579 : i32 to index
      %get3A_585 = tpu.vector_load %arg13[%get3A_584] {strides = array<i32>} : memref<2000xf32, #tpu.memory_space<vmem>>, vector<16xf32>,
      %sub3A_586 = arith.subf %gather3A_582, %get3A_585 : vector<16xf32>
      %get3A_587 = arith.index_cast %mul3A_579 : i32 to index
      %get3A_588 = tpu.vector_load %arg14[%get3A_587] {strides = array<i32>} : memref<2000xf32, #tpu.memory_space<vmem>>, vector<16xf32>,
      %sub3A_589 = arith.subf %gather3A_583, %get3A_588 : vector<16xf32>
      %sign3A_590 = tpu.bitcast %sub3A_589 : vector<16xf32> -> vector<16xi32>
      %sign3A_591 = arith.constant -2147483648 : i32
      %sign3A_592 = vector.broadcast %sign3A_591 : i32 to vector<16xi32>
      %sign3A_593 = arith.andi %sign3A_590, %sign3A_592 : vector<16xi32>
      %sign3A_594 = arith.constant 1065353216 : i32
      %sign3A_595 = vector.broadcast %sign3A_594 : i32 to vector<16xi32>
      %sign3A_596 = arith.ori %sign3A_595, %sign3A_593 : vector<16xi32>
      %sign3A_597 = tpu.bitcast %sign3A_596 : vector<16xi32> -> vector<16xf32>
      %sign3A_598 = math.absf %sub3A_589 : vector<16xf32>
      %sign3A_599 = arith.constant 0.000000e+00 : f32
      %sign3A_600 = vector.broadcast %sign3A_599 : f32 to vector<16xf32>
      %sign3A_601 = arith.cmpf ogt, %sign3A_598, %sign3A_600 : vector<16xf32>
      %sign3A_602 = arith.select %sign3A_601, %sign3A_597, %sub3A_589 : vector<16xi1>, vector<16xf32>
      %neg3A_603 = arith.constant 0.000000e+00 : f32
      %neg3A_604 = vector.broadcast %neg3A_603 : f32 to vector<16xf32>
      %neg3A_605 = arith.subf %neg3A_604, %sign3A_602 : vector<16xf32>
      %mul3A_606 = arith.mulf %neg3A_605, %sub3A_586 : vector<16xf32>
      %max3A_607 = arith.constant 0.000000e+00 : f32
      %max3A_608 = vector.broadcast %max3A_607 : f32 to vector<16xf32>
      %max3A_609 = arith.maximumf %max3A_608, %mul3A_606 : vector<16xf32>
      %add3A_610 = arith.addf %scan3A_572, %max3A_609 : vector<16xf32>
      %ne3A_611 = arith.constant 0.000000e+00 : f32
      %ne3A_612 = vector.broadcast %ne3A_611 : f32 to vector<16xf32>
      %ne3A_613 = arith.cmpf one, %sub3A_589, %ne3A_612 : vector<16xf32>
      %jit3A_614 = arith.constant 1.000000e+00 : f32
      %jit3A_615 = arith.constant 0.000000e+00 : f32
      %broadcast_in_dim3A_616 = vector.broadcast %jit3A_614 : f32 to vector<16xf32>
      %broadcast_in_dim3A_617 = vector.broadcast %jit3A_615 : f32 to vector<16xf32>
      %select_n3A_618 = arith.select %ne3A_613, %broadcast_in_dim3A_616, %broadcast_in_dim3A_617 : vector<16xi1>, vector<16xf32>
      %add3A_619 = arith.addf %scan3A_573, %select_n3A_618 : vector<16xf32>
      %scan3A_620 = arith.constant 1 : i32
      %scan3A_621 = arith.addi %scan3A_571, %scan3A_620 : i32
      %mul3A_622 = arith.constant 16 : i32
      %mul3A_623 = arith.muli %scan3A_621, %mul3A_622 : i32
      %add3A_624 = arith.constant 10000 : i32
      %add3A_625 = arith.addi %add3A_624, %mul3A_623 : i32
      %mul3A_626 = arith.constant 16 : i32
      %mul3A_627 = arith.muli %scan3A_621, %mul3A_626 : i32
      %get3A_628 = arith.index_cast %add3A_625 : i32 to index
      %get3A_629 = tpu.vector_load %arg9[%get3A_628] {strides = array<i32>} : memref<16000xi32, #tpu.memory_space<vmem>>, vector<16xi32>,
      %gather3A_630 = tpu.vector_load_idx %arg7[%get3A_629] : memref<32768xf32, #tpu.memory_space<vmem>>[vector<16xi32>], vector<16xf32>,
      %gather3A_631 = tpu.vector_load_idx %arg8[%get3A_629] : memref<32768xf32, #tpu.memory_space<vmem>>[vector<16xi32>], vector<16xf32>,
      %get3A_632 = arith.index_cast %mul3A_627 : i32 to index
      %get3A_633 = tpu.vector_load %arg13[%get3A_632] {strides = array<i32>} : memref<2000xf32, #tpu.memory_space<vmem>>, vector<16xf32>,
      %sub3A_634 = arith.subf %gather3A_630, %get3A_633 : vector<16xf32>
      %get3A_635 = arith.index_cast %mul3A_627 : i32 to index
      %get3A_636 = tpu.vector_load %arg14[%get3A_635] {strides = array<i32>} : memref<2000xf32, #tpu.memory_space<vmem>>, vector<16xf32>,
      %sub3A_637 = arith.subf %gather3A_631, %get3A_636 : vector<16xf32>
      %sign3A_638 = tpu.bitcast %sub3A_637 : vector<16xf32> -> vector<16xi32>
      %sign3A_639 = arith.constant -2147483648 : i32
      %sign3A_640 = vector.broadcast %sign3A_639 : i32 to vector<16xi32>
      %sign3A_641 = arith.andi %sign3A_638, %sign3A_640 : vector<16xi32>
      %sign3A_642 = arith.constant 1065353216 : i32
      %sign3A_643 = vector.broadcast %sign3A_642 : i32 to vector<16xi32>
      %sign3A_644 = arith.ori %sign3A_643, %sign3A_641 : vector<16xi32>
      %sign3A_645 = tpu.bitcast %sign3A_644 : vector<16xi32> -> vector<16xf32>
      %sign3A_646 = math.absf %sub3A_637 : vector<16xf32>
      %sign3A_647 = arith.constant 0.000000e+00 : f32
      %sign3A_648 = vector.broadcast %sign3A_647 : f32 to vector<16xf32>
      %sign3A_649 = arith.cmpf ogt, %sign3A_646, %sign3A_648 : vector<16xf32>
      %sign3A_650 = arith.select %sign3A_649, %sign3A_645, %sub3A_637 : vector<16xi1>, vector<16xf32>
      %neg3A_651 = arith.constant 0.000000e+00 : f32
      %neg3A_652 = vector.broadcast %neg3A_651 : f32 to vector<16xf32>
      %neg3A_653 = arith.subf %neg3A_652, %sign3A_650 : vector<16xf32>
      %mul3A_654 = arith.mulf %neg3A_653, %sub3A_634 : vector<16xf32>
      %max3A_655 = arith.constant 0.000000e+00 : f32
      %max3A_656 = vector.broadcast %max3A_655 : f32 to vector<16xf32>
      %max3A_657 = arith.maximumf %max3A_656, %mul3A_654 : vector<16xf32>
      %add3A_658 = arith.addf %add3A_610, %max3A_657 : vector<16xf32>
      %ne3A_659 = arith.constant 0.000000e+00 : f32
      %ne3A_660 = vector.broadcast %ne3A_659 : f32 to vector<16xf32>
      %ne3A_661 = arith.cmpf one, %sub3A_637, %ne3A_660 : vector<16xf32>
      %jit3A_662 = arith.constant 1.000000e+00 : f32
      %jit3A_663 = arith.constant 0.000000e+00 : f32
      %broadcast_in_dim3A_664 = vector.broadcast %jit3A_662 : f32 to vector<16xf32>
      %broadcast_in_dim3A_665 = vector.broadcast %jit3A_663 : f32 to vector<16xf32>
      %select_n3A_666 = arith.select %ne3A_661, %broadcast_in_dim3A_664, %broadcast_in_dim3A_665 : vector<16xi1>, vector<16xf32>
      %add3A_667 = arith.addf %add3A_619, %select_n3A_666 : vector<16xf32>
      %scan3A_668 = arith.constant 2 : i32
      %scan3A_669 = arith.addi %scan3A_571, %scan3A_668 : i32
      %mul3A_670 = arith.constant 16 : i32
      %mul3A_671 = arith.muli %scan3A_669, %mul3A_670 : i32
      %add3A_672 = arith.constant 10000 : i32
      %add3A_673 = arith.addi %add3A_672, %mul3A_671 : i32
      %mul3A_674 = arith.constant 16 : i32
      %mul3A_675 = arith.muli %scan3A_669, %mul3A_674 : i32
      %get3A_676 = arith.index_cast %add3A_673 : i32 to index
      %get3A_677 = tpu.vector_load %arg9[%get3A_676] {strides = array<i32>} : memref<16000xi32, #tpu.memory_space<vmem>>, vector<16xi32>,
      %gather3A_678 = tpu.vector_load_idx %arg7[%get3A_677] : memref<32768xf32, #tpu.memory_space<vmem>>[vector<16xi32>], vector<16xf32>,
      %gather3A_679 = tpu.vector_load_idx %arg8[%get3A_677] : memref<32768xf32, #tpu.memory_space<vmem>>[vector<16xi32>], vector<16xf32>,
      %get3A_680 = arith.index_cast %mul3A_675 : i32 to index
      %get3A_681 = tpu.vector_load %arg13[%get3A_680] {strides = array<i32>} : memref<2000xf32, #tpu.memory_space<vmem>>, vector<16xf32>,
      %sub3A_682 = arith.subf %gather3A_678, %get3A_681 : vector<16xf32>
      %get3A_683 = arith.index_cast %mul3A_675 : i32 to index
      %get3A_684 = tpu.vector_load %arg14[%get3A_683] {strides = array<i32>} : memref<2000xf32, #tpu.memory_space<vmem>>, vector<16xf32>,
      %sub3A_685 = arith.subf %gather3A_679, %get3A_684 : vector<16xf32>
      %sign3A_686 = tpu.bitcast %sub3A_685 : vector<16xf32> -> vector<16xi32>
      %sign3A_687 = arith.constant -2147483648 : i32
      %sign3A_688 = vector.broadcast %sign3A_687 : i32 to vector<16xi32>
      %sign3A_689 = arith.andi %sign3A_686, %sign3A_688 : vector<16xi32>
      %sign3A_690 = arith.constant 1065353216 : i32
      %sign3A_691 = vector.broadcast %sign3A_690 : i32 to vector<16xi32>
      %sign3A_692 = arith.ori %sign3A_691, %sign3A_689 : vector<16xi32>
      %sign3A_693 = tpu.bitcast %sign3A_692 : vector<16xi32> -> vector<16xf32>
      %sign3A_694 = math.absf %sub3A_685 : vector<16xf32>
      %sign3A_695 = arith.constant 0.000000e+00 : f32
      %sign3A_696 = vector.broadcast %sign3A_695 : f32 to vector<16xf32>
      %sign3A_697 = arith.cmpf ogt, %sign3A_694, %sign3A_696 : vector<16xf32>
      %sign3A_698 = arith.select %sign3A_697, %sign3A_693, %sub3A_685 : vector<16xi1>, vector<16xf32>
      %neg3A_699 = arith.constant 0.000000e+00 : f32
      %neg3A_700 = vector.broadcast %neg3A_699 : f32 to vector<16xf32>
      %neg3A_701 = arith.subf %neg3A_700, %sign3A_698 : vector<16xf32>
      %mul3A_702 = arith.mulf %neg3A_701, %sub3A_682 : vector<16xf32>
      %max3A_703 = arith.constant 0.000000e+00 : f32
      %max3A_704 = vector.broadcast %max3A_703 : f32 to vector<16xf32>
      %max3A_705 = arith.maximumf %max3A_704, %mul3A_702 : vector<16xf32>
      %add3A_706 = arith.addf %add3A_658, %max3A_705 : vector<16xf32>
      %ne3A_707 = arith.constant 0.000000e+00 : f32
      %ne3A_708 = vector.broadcast %ne3A_707 : f32 to vector<16xf32>
      %ne3A_709 = arith.cmpf one, %sub3A_685, %ne3A_708 : vector<16xf32>
      %jit3A_710 = arith.constant 1.000000e+00 : f32
      %jit3A_711 = arith.constant 0.000000e+00 : f32
      %broadcast_in_dim3A_712 = vector.broadcast %jit3A_710 : f32 to vector<16xf32>
      %broadcast_in_dim3A_713 = vector.broadcast %jit3A_711 : f32 to vector<16xf32>
      %select_n3A_714 = arith.select %ne3A_709, %broadcast_in_dim3A_712, %broadcast_in_dim3A_713 : vector<16xi1>, vector<16xf32>
      %add3A_715 = arith.addf %add3A_667, %select_n3A_714 : vector<16xf32>
      %scan3A_716 = arith.constant 3 : i32
      %scan3A_717 = arith.addi %scan3A_571, %scan3A_716 : i32
      %mul3A_718 = arith.constant 16 : i32
      %mul3A_719 = arith.muli %scan3A_717, %mul3A_718 : i32
      %add3A_720 = arith.constant 10000 : i32
      %add3A_721 = arith.addi %add3A_720, %mul3A_719 : i32
      %mul3A_722 = arith.constant 16 : i32
      %mul3A_723 = arith.muli %scan3A_717, %mul3A_722 : i32
      %get3A_724 = arith.index_cast %add3A_721 : i32 to index
      %get3A_725 = tpu.vector_load %arg9[%get3A_724] {strides = array<i32>} : memref<16000xi32, #tpu.memory_space<vmem>>, vector<16xi32>,
      %gather3A_726 = tpu.vector_load_idx %arg7[%get3A_725] : memref<32768xf32, #tpu.memory_space<vmem>>[vector<16xi32>], vector<16xf32>,
      %gather3A_727 = tpu.vector_load_idx %arg8[%get3A_725] : memref<32768xf32, #tpu.memory_space<vmem>>[vector<16xi32>], vector<16xf32>,
      %get3A_728 = arith.index_cast %mul3A_723 : i32 to index
      %get3A_729 = tpu.vector_load %arg13[%get3A_728] {strides = array<i32>} : memref<2000xf32, #tpu.memory_space<vmem>>, vector<16xf32>,
      %sub3A_730 = arith.subf %gather3A_726, %get3A_729 : vector<16xf32>
      %get3A_731 = arith.index_cast %mul3A_723 : i32 to index
      %get3A_732 = tpu.vector_load %arg14[%get3A_731] {strides = array<i32>} : memref<2000xf32, #tpu.memory_space<vmem>>, vector<16xf32>,
      %sub3A_733 = arith.subf %gather3A_727, %get3A_732 : vector<16xf32>
      %sign3A_734 = tpu.bitcast %sub3A_733 : vector<16xf32> -> vector<16xi32>
      %sign3A_735 = arith.constant -2147483648 : i32
      %sign3A_736 = vector.broadcast %sign3A_735 : i32 to vector<16xi32>
      %sign3A_737 = arith.andi %sign3A_734, %sign3A_736 : vector<16xi32>
      %sign3A_738 = arith.constant 1065353216 : i32
      %sign3A_739 = vector.broadcast %sign3A_738 : i32 to vector<16xi32>
      %sign3A_740 = arith.ori %sign3A_739, %sign3A_737 : vector<16xi32>
      %sign3A_741 = tpu.bitcast %sign3A_740 : vector<16xi32> -> vector<16xf32>
      %sign3A_742 = math.absf %sub3A_733 : vector<16xf32>
      %sign3A_743 = arith.constant 0.000000e+00 : f32
      %sign3A_744 = vector.broadcast %sign3A_743 : f32 to vector<16xf32>
      %sign3A_745 = arith.cmpf ogt, %sign3A_742, %sign3A_744 : vector<16xf32>
      %sign3A_746 = arith.select %sign3A_745, %sign3A_741, %sub3A_733 : vector<16xi1>, vector<16xf32>
      %neg3A_747 = arith.constant 0.000000e+00 : f32
      %neg3A_748 = vector.broadcast %neg3A_747 : f32 to vector<16xf32>
      %neg3A_749 = arith.subf %neg3A_748, %sign3A_746 : vector<16xf32>
      %mul3A_750 = arith.mulf %neg3A_749, %sub3A_730 : vector<16xf32>
      %max3A_751 = arith.constant 0.000000e+00 : f32
      %max3A_752 = vector.broadcast %max3A_751 : f32 to vector<16xf32>
      %max3A_753 = arith.maximumf %max3A_752, %mul3A_750 : vector<16xf32>
      %add3A_754 = arith.addf %add3A_706, %max3A_753 : vector<16xf32>
      %ne3A_755 = arith.constant 0.000000e+00 : f32
      %ne3A_756 = vector.broadcast %ne3A_755 : f32 to vector<16xf32>
      %ne3A_757 = arith.cmpf one, %sub3A_733, %ne3A_756 : vector<16xf32>
      %jit3A_758 = arith.constant 1.000000e+00 : f32
      %jit3A_759 = arith.constant 0.000000e+00 : f32
      %broadcast_in_dim3A_760 = vector.broadcast %jit3A_758 : f32 to vector<16xf32>
      %broadcast_in_dim3A_761 = vector.broadcast %jit3A_759 : f32 to vector<16xf32>
      %select_n3A_762 = arith.select %ne3A_757, %broadcast_in_dim3A_760, %broadcast_in_dim3A_761 : vector<16xi1>, vector<16xf32>
      %add3A_763 = arith.addf %add3A_715, %select_n3A_762 : vector<16xf32>
      scf.yield %add3A_754, %add3A_763 : vector<16xf32>, vector<16xf32>
    }
    %scan3A_385 = arith.constant 124 : i32
    %scan3A_386 = arith.addi %scan3A_380, %scan3A_385 : i32
    %mul3A_387 = arith.constant 16 : i32
    %mul3A_388 = arith.muli %scan3A_386, %mul3A_387 : i32
    %add3A_389 = arith.constant 10000 : i32
    %add3A_390 = arith.addi %add3A_389, %mul3A_388 : i32
    %mul3A_391 = arith.constant 16 : i32
    %mul3A_392 = arith.muli %scan3A_386, %mul3A_391 : i32
    %get3A_393 = arith.index_cast %add3A_390 : i32 to index
    %get3A_394 = tpu.vector_load %arg9[%get3A_393] {strides = array<i32>} : memref<16000xi32, #tpu.memory_space<vmem>>, vector<16xi32>,
    %gather3A_395 = tpu.vector_load_idx %arg7[%get3A_394] : memref<32768xf32, #tpu.memory_space<vmem>>[vector<16xi32>], vector<16xf32>,
    %gather3A_396 = tpu.vector_load_idx %arg8[%get3A_394] : memref<32768xf32, #tpu.memory_space<vmem>>[vector<16xi32>], vector<16xf32>,
    %get3A_397 = arith.index_cast %mul3A_392 : i32 to index
    %get3A_398 = tpu.vector_load %arg13[%get3A_397] {strides = array<i32>} : memref<2000xf32, #tpu.memory_space<vmem>>, vector<16xf32>,
    %sub3A_399 = arith.subf %gather3A_395, %get3A_398 : vector<16xf32>
    %get3A_400 = arith.index_cast %mul3A_392 : i32 to index
    %get3A_401 = tpu.vector_load %arg14[%get3A_400] {strides = array<i32>} : memref<2000xf32, #tpu.memory_space<vmem>>, vector<16xf32>,
    %sub3A_402 = arith.subf %gather3A_396, %get3A_401 : vector<16xf32>
    %sign3A_403 = tpu.bitcast %sub3A_402 : vector<16xf32> -> vector<16xi32>
    %sign3A_404 = arith.constant -2147483648 : i32
    %sign3A_405 = vector.broadcast %sign3A_404 : i32 to vector<16xi32>
    %sign3A_406 = arith.andi %sign3A_403, %sign3A_405 : vector<16xi32>
    %sign3A_407 = arith.constant 1065353216 : i32
    %sign3A_408 = vector.broadcast %sign3A_407 : i32 to vector<16xi32>
    %sign3A_409 = arith.ori %sign3A_408, %sign3A_406 : vector<16xi32>
    %sign3A_410 = tpu.bitcast %sign3A_409 : vector<16xi32> -> vector<16xf32>
    %sign3A_411 = math.absf %sub3A_402 : vector<16xf32>
    %sign3A_412 = arith.constant 0.000000e+00 : f32
    %sign3A_413 = vector.broadcast %sign3A_412 : f32 to vector<16xf32>
    %sign3A_414 = arith.cmpf ogt, %sign3A_411, %sign3A_413 : vector<16xf32>
    %sign3A_415 = arith.select %sign3A_414, %sign3A_410, %sub3A_402 : vector<16xi1>, vector<16xf32>
    %neg3A_416 = arith.constant 0.000000e+00 : f32
    %neg3A_417 = vector.broadcast %neg3A_416 : f32 to vector<16xf32>
    %neg3A_418 = arith.subf %neg3A_417, %sign3A_415 : vector<16xf32>
    %mul3A_419 = arith.mulf %neg3A_418, %sub3A_399 : vector<16xf32>
    %max3A_420 = arith.constant 0.000000e+00 : f32
    %max3A_421 = vector.broadcast %max3A_420 : f32 to vector<16xf32>
    %max3A_422 = arith.maximumf %max3A_421, %mul3A_419 : vector<16xf32>
    %add3A_423 = arith.addf %scan3A_384#0, %max3A_422 : vector<16xf32>
    %ne3A_424 = arith.constant 0.000000e+00 : f32
    %ne3A_425 = vector.broadcast %ne3A_424 : f32 to vector<16xf32>
    %ne3A_426 = arith.cmpf one, %sub3A_402, %ne3A_425 : vector<16xf32>
    %jit3A_427 = arith.constant 1.000000e+00 : f32
    %jit3A_428 = arith.constant 0.000000e+00 : f32
    %broadcast_in_dim3A_429 = vector.broadcast %jit3A_427 : f32 to vector<16xf32>
    %broadcast_in_dim3A_430 = vector.broadcast %jit3A_428 : f32 to vector<16xf32>
    %select_n3A_431 = arith.select %ne3A_426, %broadcast_in_dim3A_429, %broadcast_in_dim3A_430 : vector<16xi1>, vector<16xf32>
    %add3A_432 = arith.addf %scan3A_384#1, %select_n3A_431 : vector<16xf32>
    %scan3A_433 = arith.constant 125 : i32
    %dma_start3A_434 = arith.constant 14000 : i32
    %dma_start3A_435 = tpu.memref_slice %arg10[%dma_start3A_434] : memref<16000xi32, #tpu.memory_space<vmem>> -> memref<2000xi32, #tpu.memory_space<vmem>>
    %dma_start3A_436 = arith.constant 0 : i32
    %dma_start3A_437 = tpu.memref_slice %arg2[%dma_start3A_436] : memref<1048576xf32, #tpu.memory_space<hbm>> -> memref<1048576xf32, #tpu.memory_space<hbm>>
    tpu.enqueue_indirect_dma source(%dma_start3A_437 : memref<1048576xf32, #tpu.memory_space<hbm>>) target(%arg13 : memref<2000xf32, #tpu.memory_space<vmem>>) offsets(%dma_start3A_435 : memref<2000xi32, #tpu.memory_space<vmem>>) semaphore(%arg18 : memref<!tpu.dma_semaphore, #tpu.memory_space<semaphore_mem>>)
    %dma_start3A_438 = arith.constant 14000 : i32
    %dma_start3A_439 = tpu.memref_slice %arg10[%dma_start3A_438] : memref<16000xi32, #tpu.memory_space<vmem>> -> memref<2000xi32, #tpu.memory_space<vmem>>
    %dma_start3A_440 = arith.constant 0 : i32
    %dma_start3A_441 = tpu.memref_slice %arg3[%dma_start3A_440] : memref<1048576xf32, #tpu.memory_space<hbm>> -> memref<1048576xf32, #tpu.memory_space<hbm>>
    tpu.enqueue_indirect_dma source(%dma_start3A_441 : memref<1048576xf32, #tpu.memory_space<hbm>>) target(%arg14 : memref<2000xf32, #tpu.memory_space<vmem>>) offsets(%dma_start3A_439 : memref<2000xi32, #tpu.memory_space<vmem>>) semaphore(%arg18 : memref<!tpu.dma_semaphore, #tpu.memory_space<semaphore_mem>>)
    %dma_wait3A_442 = arith.constant 12000 : i32
    %dma_wait3A_443 = tpu.memref_slice %arg10[%dma_wait3A_442] : memref<16000xi32, #tpu.memory_space<vmem>> -> memref<2000xi32, #tpu.memory_space<vmem>>
    %dma_wait3A_444 = arith.constant 0 : i32
    %dma_wait3A_445 = tpu.memref_slice %arg2[%dma_wait3A_444] : memref<1048576xf32, #tpu.memory_space<hbm>> -> memref<1048576xf32, #tpu.memory_space<hbm>>
    tpu.wait_indirect_dma semaphore(%arg17 : memref<!tpu.dma_semaphore, #tpu.memory_space<semaphore_mem>>) src(%dma_wait3A_445 : memref<1048576xf32, #tpu.memory_space<hbm>>) dst(%arg11 : memref<2000xf32, #tpu.memory_space<vmem>>)
    %dma_wait3A_446 = arith.constant 12000 : i32
    %dma_wait3A_447 = tpu.memref_slice %arg10[%dma_wait3A_446] : memref<16000xi32, #tpu.memory_space<vmem>> -> memref<2000xi32, #tpu.memory_space<vmem>>
    %dma_wait3A_448 = arith.constant 0 : i32
    %dma_wait3A_449 = tpu.memref_slice %arg3[%dma_wait3A_448] : memref<1048576xf32, #tpu.memory_space<hbm>> -> memref<1048576xf32, #tpu.memory_space<hbm>>
    tpu.wait_indirect_dma semaphore(%arg17 : memref<!tpu.dma_semaphore, #tpu.memory_space<semaphore_mem>>) src(%dma_wait3A_449 : memref<1048576xf32, #tpu.memory_space<hbm>>) dst(%arg12 : memref<2000xf32, #tpu.memory_space<vmem>>)
    %scan3A_450 = arith.constant 0 : i32
    %scan3A_451 = arith.constant 124 : i32
    %scan3A_452 = arith.addi %scan3A_450, %scan3A_451 : i32
    %scan3A_453 = arith.constant 4 : i32
    %scan3A_454:2 = scf.for %scan3A_571 = %scan3A_450 to %scan3A_452 step %scan3A_453 iter_args(%scan3A_572 = %add3A_423, %scan3A_573 = %add3A_432) -> (vector<16xf32>, vector<16xf32>)  : i32 {
      %mul3A_574 = arith.constant 16 : i32
      %mul3A_575 = arith.muli %scan3A_571, %mul3A_574 : i32
      %add3A_576 = arith.constant 12000 : i32
      %add3A_577 = arith.addi %add3A_576, %mul3A_575 : i32
      %mul3A_578 = arith.constant 16 : i32
      %mul3A_579 = arith.muli %scan3A_571, %mul3A_578 : i32
      %get3A_580 = arith.index_cast %add3A_577 : i32 to index
      %get3A_581 = tpu.vector_load %arg9[%get3A_580] {strides = array<i32>} : memref<16000xi32, #tpu.memory_space<vmem>>, vector<16xi32>,
      %gather3A_582 = tpu.vector_load_idx %arg7[%get3A_581] : memref<32768xf32, #tpu.memory_space<vmem>>[vector<16xi32>], vector<16xf32>,
      %gather3A_583 = tpu.vector_load_idx %arg8[%get3A_581] : memref<32768xf32, #tpu.memory_space<vmem>>[vector<16xi32>], vector<16xf32>,
      %get3A_584 = arith.index_cast %mul3A_579 : i32 to index
      %get3A_585 = tpu.vector_load %arg11[%get3A_584] {strides = array<i32>} : memref<2000xf32, #tpu.memory_space<vmem>>, vector<16xf32>,
      %sub3A_586 = arith.subf %gather3A_582, %get3A_585 : vector<16xf32>
      %get3A_587 = arith.index_cast %mul3A_579 : i32 to index
      %get3A_588 = tpu.vector_load %arg12[%get3A_587] {strides = array<i32>} : memref<2000xf32, #tpu.memory_space<vmem>>, vector<16xf32>,
      %sub3A_589 = arith.subf %gather3A_583, %get3A_588 : vector<16xf32>
      %sign3A_590 = tpu.bitcast %sub3A_589 : vector<16xf32> -> vector<16xi32>
      %sign3A_591 = arith.constant -2147483648 : i32
      %sign3A_592 = vector.broadcast %sign3A_591 : i32 to vector<16xi32>
      %sign3A_593 = arith.andi %sign3A_590, %sign3A_592 : vector<16xi32>
      %sign3A_594 = arith.constant 1065353216 : i32
      %sign3A_595 = vector.broadcast %sign3A_594 : i32 to vector<16xi32>
      %sign3A_596 = arith.ori %sign3A_595, %sign3A_593 : vector<16xi32>
      %sign3A_597 = tpu.bitcast %sign3A_596 : vector<16xi32> -> vector<16xf32>
      %sign3A_598 = math.absf %sub3A_589 : vector<16xf32>
      %sign3A_599 = arith.constant 0.000000e+00 : f32
      %sign3A_600 = vector.broadcast %sign3A_599 : f32 to vector<16xf32>
      %sign3A_601 = arith.cmpf ogt, %sign3A_598, %sign3A_600 : vector<16xf32>
      %sign3A_602 = arith.select %sign3A_601, %sign3A_597, %sub3A_589 : vector<16xi1>, vector<16xf32>
      %neg3A_603 = arith.constant 0.000000e+00 : f32
      %neg3A_604 = vector.broadcast %neg3A_603 : f32 to vector<16xf32>
      %neg3A_605 = arith.subf %neg3A_604, %sign3A_602 : vector<16xf32>
      %mul3A_606 = arith.mulf %neg3A_605, %sub3A_586 : vector<16xf32>
      %max3A_607 = arith.constant 0.000000e+00 : f32
      %max3A_608 = vector.broadcast %max3A_607 : f32 to vector<16xf32>
      %max3A_609 = arith.maximumf %max3A_608, %mul3A_606 : vector<16xf32>
      %add3A_610 = arith.addf %scan3A_572, %max3A_609 : vector<16xf32>
      %ne3A_611 = arith.constant 0.000000e+00 : f32
      %ne3A_612 = vector.broadcast %ne3A_611 : f32 to vector<16xf32>
      %ne3A_613 = arith.cmpf one, %sub3A_589, %ne3A_612 : vector<16xf32>
      %jit3A_614 = arith.constant 1.000000e+00 : f32
      %jit3A_615 = arith.constant 0.000000e+00 : f32
      %broadcast_in_dim3A_616 = vector.broadcast %jit3A_614 : f32 to vector<16xf32>
      %broadcast_in_dim3A_617 = vector.broadcast %jit3A_615 : f32 to vector<16xf32>
      %select_n3A_618 = arith.select %ne3A_613, %broadcast_in_dim3A_616, %broadcast_in_dim3A_617 : vector<16xi1>, vector<16xf32>
      %add3A_619 = arith.addf %scan3A_573, %select_n3A_618 : vector<16xf32>
      %scan3A_620 = arith.constant 1 : i32
      %scan3A_621 = arith.addi %scan3A_571, %scan3A_620 : i32
      %mul3A_622 = arith.constant 16 : i32
      %mul3A_623 = arith.muli %scan3A_621, %mul3A_622 : i32
      %add3A_624 = arith.constant 12000 : i32
      %add3A_625 = arith.addi %add3A_624, %mul3A_623 : i32
      %mul3A_626 = arith.constant 16 : i32
      %mul3A_627 = arith.muli %scan3A_621, %mul3A_626 : i32
      %get3A_628 = arith.index_cast %add3A_625 : i32 to index
      %get3A_629 = tpu.vector_load %arg9[%get3A_628] {strides = array<i32>} : memref<16000xi32, #tpu.memory_space<vmem>>, vector<16xi32>,
      %gather3A_630 = tpu.vector_load_idx %arg7[%get3A_629] : memref<32768xf32, #tpu.memory_space<vmem>>[vector<16xi32>], vector<16xf32>,
      %gather3A_631 = tpu.vector_load_idx %arg8[%get3A_629] : memref<32768xf32, #tpu.memory_space<vmem>>[vector<16xi32>], vector<16xf32>,
      %get3A_632 = arith.index_cast %mul3A_627 : i32 to index
      %get3A_633 = tpu.vector_load %arg11[%get3A_632] {strides = array<i32>} : memref<2000xf32, #tpu.memory_space<vmem>>, vector<16xf32>,
      %sub3A_634 = arith.subf %gather3A_630, %get3A_633 : vector<16xf32>
      %get3A_635 = arith.index_cast %mul3A_627 : i32 to index
      %get3A_636 = tpu.vector_load %arg12[%get3A_635] {strides = array<i32>} : memref<2000xf32, #tpu.memory_space<vmem>>, vector<16xf32>,
      %sub3A_637 = arith.subf %gather3A_631, %get3A_636 : vector<16xf32>
      %sign3A_638 = tpu.bitcast %sub3A_637 : vector<16xf32> -> vector<16xi32>
      %sign3A_639 = arith.constant -2147483648 : i32
      %sign3A_640 = vector.broadcast %sign3A_639 : i32 to vector<16xi32>
      %sign3A_641 = arith.andi %sign3A_638, %sign3A_640 : vector<16xi32>
      %sign3A_642 = arith.constant 1065353216 : i32
      %sign3A_643 = vector.broadcast %sign3A_642 : i32 to vector<16xi32>
      %sign3A_644 = arith.ori %sign3A_643, %sign3A_641 : vector<16xi32>
      %sign3A_645 = tpu.bitcast %sign3A_644 : vector<16xi32> -> vector<16xf32>
      %sign3A_646 = math.absf %sub3A_637 : vector<16xf32>
      %sign3A_647 = arith.constant 0.000000e+00 : f32
      %sign3A_648 = vector.broadcast %sign3A_647 : f32 to vector<16xf32>
      %sign3A_649 = arith.cmpf ogt, %sign3A_646, %sign3A_648 : vector<16xf32>
      %sign3A_650 = arith.select %sign3A_649, %sign3A_645, %sub3A_637 : vector<16xi1>, vector<16xf32>
      %neg3A_651 = arith.constant 0.000000e+00 : f32
      %neg3A_652 = vector.broadcast %neg3A_651 : f32 to vector<16xf32>
      %neg3A_653 = arith.subf %neg3A_652, %sign3A_650 : vector<16xf32>
      %mul3A_654 = arith.mulf %neg3A_653, %sub3A_634 : vector<16xf32>
      %max3A_655 = arith.constant 0.000000e+00 : f32
      %max3A_656 = vector.broadcast %max3A_655 : f32 to vector<16xf32>
      %max3A_657 = arith.maximumf %max3A_656, %mul3A_654 : vector<16xf32>
      %add3A_658 = arith.addf %add3A_610, %max3A_657 : vector<16xf32>
      %ne3A_659 = arith.constant 0.000000e+00 : f32
      %ne3A_660 = vector.broadcast %ne3A_659 : f32 to vector<16xf32>
      %ne3A_661 = arith.cmpf one, %sub3A_637, %ne3A_660 : vector<16xf32>
      %jit3A_662 = arith.constant 1.000000e+00 : f32
      %jit3A_663 = arith.constant 0.000000e+00 : f32
      %broadcast_in_dim3A_664 = vector.broadcast %jit3A_662 : f32 to vector<16xf32>
      %broadcast_in_dim3A_665 = vector.broadcast %jit3A_663 : f32 to vector<16xf32>
      %select_n3A_666 = arith.select %ne3A_661, %broadcast_in_dim3A_664, %broadcast_in_dim3A_665 : vector<16xi1>, vector<16xf32>
      %add3A_667 = arith.addf %add3A_619, %select_n3A_666 : vector<16xf32>
      %scan3A_668 = arith.constant 2 : i32
      %scan3A_669 = arith.addi %scan3A_571, %scan3A_668 : i32
      %mul3A_670 = arith.constant 16 : i32
      %mul3A_671 = arith.muli %scan3A_669, %mul3A_670 : i32
      %add3A_672 = arith.constant 12000 : i32
      %add3A_673 = arith.addi %add3A_672, %mul3A_671 : i32
      %mul3A_674 = arith.constant 16 : i32
      %mul3A_675 = arith.muli %scan3A_669, %mul3A_674 : i32
      %get3A_676 = arith.index_cast %add3A_673 : i32 to index
      %get3A_677 = tpu.vector_load %arg9[%get3A_676] {strides = array<i32>} : memref<16000xi32, #tpu.memory_space<vmem>>, vector<16xi32>,
      %gather3A_678 = tpu.vector_load_idx %arg7[%get3A_677] : memref<32768xf32, #tpu.memory_space<vmem>>[vector<16xi32>], vector<16xf32>,
      %gather3A_679 = tpu.vector_load_idx %arg8[%get3A_677] : memref<32768xf32, #tpu.memory_space<vmem>>[vector<16xi32>], vector<16xf32>,
      %get3A_680 = arith.index_cast %mul3A_675 : i32 to index
      %get3A_681 = tpu.vector_load %arg11[%get3A_680] {strides = array<i32>} : memref<2000xf32, #tpu.memory_space<vmem>>, vector<16xf32>,
      %sub3A_682 = arith.subf %gather3A_678, %get3A_681 : vector<16xf32>
      %get3A_683 = arith.index_cast %mul3A_675 : i32 to index
      %get3A_684 = tpu.vector_load %arg12[%get3A_683] {strides = array<i32>} : memref<2000xf32, #tpu.memory_space<vmem>>, vector<16xf32>,
      %sub3A_685 = arith.subf %gather3A_679, %get3A_684 : vector<16xf32>
      %sign3A_686 = tpu.bitcast %sub3A_685 : vector<16xf32> -> vector<16xi32>
      %sign3A_687 = arith.constant -2147483648 : i32
      %sign3A_688 = vector.broadcast %sign3A_687 : i32 to vector<16xi32>
      %sign3A_689 = arith.andi %sign3A_686, %sign3A_688 : vector<16xi32>
      %sign3A_690 = arith.constant 1065353216 : i32
      %sign3A_691 = vector.broadcast %sign3A_690 : i32 to vector<16xi32>
      %sign3A_692 = arith.ori %sign3A_691, %sign3A_689 : vector<16xi32>
      %sign3A_693 = tpu.bitcast %sign3A_692 : vector<16xi32> -> vector<16xf32>
      %sign3A_694 = math.absf %sub3A_685 : vector<16xf32>
      %sign3A_695 = arith.constant 0.000000e+00 : f32
      %sign3A_696 = vector.broadcast %sign3A_695 : f32 to vector<16xf32>
      %sign3A_697 = arith.cmpf ogt, %sign3A_694, %sign3A_696 : vector<16xf32>
      %sign3A_698 = arith.select %sign3A_697, %sign3A_693, %sub3A_685 : vector<16xi1>, vector<16xf32>
      %neg3A_699 = arith.constant 0.000000e+00 : f32
      %neg3A_700 = vector.broadcast %neg3A_699 : f32 to vector<16xf32>
      %neg3A_701 = arith.subf %neg3A_700, %sign3A_698 : vector<16xf32>
      %mul3A_702 = arith.mulf %neg3A_701, %sub3A_682 : vector<16xf32>
      %max3A_703 = arith.constant 0.000000e+00 : f32
      %max3A_704 = vector.broadcast %max3A_703 : f32 to vector<16xf32>
      %max3A_705 = arith.maximumf %max3A_704, %mul3A_702 : vector<16xf32>
      %add3A_706 = arith.addf %add3A_658, %max3A_705 : vector<16xf32>
      %ne3A_707 = arith.constant 0.000000e+00 : f32
      %ne3A_708 = vector.broadcast %ne3A_707 : f32 to vector<16xf32>
      %ne3A_709 = arith.cmpf one, %sub3A_685, %ne3A_708 : vector<16xf32>
      %jit3A_710 = arith.constant 1.000000e+00 : f32
      %jit3A_711 = arith.constant 0.000000e+00 : f32
      %broadcast_in_dim3A_712 = vector.broadcast %jit3A_710 : f32 to vector<16xf32>
      %broadcast_in_dim3A_713 = vector.broadcast %jit3A_711 : f32 to vector<16xf32>
      %select_n3A_714 = arith.select %ne3A_709, %broadcast_in_dim3A_712, %broadcast_in_dim3A_713 : vector<16xi1>, vector<16xf32>
      %add3A_715 = arith.addf %add3A_667, %select_n3A_714 : vector<16xf32>
      %scan3A_716 = arith.constant 3 : i32
      %scan3A_717 = arith.addi %scan3A_571, %scan3A_716 : i32
      %mul3A_718 = arith.constant 16 : i32
      %mul3A_719 = arith.muli %scan3A_717, %mul3A_718 : i32
      %add3A_720 = arith.constant 12000 : i32
      %add3A_721 = arith.addi %add3A_720, %mul3A_719 : i32
      %mul3A_722 = arith.constant 16 : i32
      %mul3A_723 = arith.muli %scan3A_717, %mul3A_722 : i32
      %get3A_724 = arith.index_cast %add3A_721 : i32 to index
      %get3A_725 = tpu.vector_load %arg9[%get3A_724] {strides = array<i32>} : memref<16000xi32, #tpu.memory_space<vmem>>, vector<16xi32>,
      %gather3A_726 = tpu.vector_load_idx %arg7[%get3A_725] : memref<32768xf32, #tpu.memory_space<vmem>>[vector<16xi32>], vector<16xf32>,
      %gather3A_727 = tpu.vector_load_idx %arg8[%get3A_725] : memref<32768xf32, #tpu.memory_space<vmem>>[vector<16xi32>], vector<16xf32>,
      %get3A_728 = arith.index_cast %mul3A_723 : i32 to index
      %get3A_729 = tpu.vector_load %arg11[%get3A_728] {strides = array<i32>} : memref<2000xf32, #tpu.memory_space<vmem>>, vector<16xf32>,
      %sub3A_730 = arith.subf %gather3A_726, %get3A_729 : vector<16xf32>
      %get3A_731 = arith.index_cast %mul3A_723 : i32 to index
      %get3A_732 = tpu.vector_load %arg12[%get3A_731] {strides = array<i32>} : memref<2000xf32, #tpu.memory_space<vmem>>, vector<16xf32>,
      %sub3A_733 = arith.subf %gather3A_727, %get3A_732 : vector<16xf32>
      %sign3A_734 = tpu.bitcast %sub3A_733 : vector<16xf32> -> vector<16xi32>
      %sign3A_735 = arith.constant -2147483648 : i32
      %sign3A_736 = vector.broadcast %sign3A_735 : i32 to vector<16xi32>
      %sign3A_737 = arith.andi %sign3A_734, %sign3A_736 : vector<16xi32>
      %sign3A_738 = arith.constant 1065353216 : i32
      %sign3A_739 = vector.broadcast %sign3A_738 : i32 to vector<16xi32>
      %sign3A_740 = arith.ori %sign3A_739, %sign3A_737 : vector<16xi32>
      %sign3A_741 = tpu.bitcast %sign3A_740 : vector<16xi32> -> vector<16xf32>
      %sign3A_742 = math.absf %sub3A_733 : vector<16xf32>
      %sign3A_743 = arith.constant 0.000000e+00 : f32
      %sign3A_744 = vector.broadcast %sign3A_743 : f32 to vector<16xf32>
      %sign3A_745 = arith.cmpf ogt, %sign3A_742, %sign3A_744 : vector<16xf32>
      %sign3A_746 = arith.select %sign3A_745, %sign3A_741, %sub3A_733 : vector<16xi1>, vector<16xf32>
      %neg3A_747 = arith.constant 0.000000e+00 : f32
      %neg3A_748 = vector.broadcast %neg3A_747 : f32 to vector<16xf32>
      %neg3A_749 = arith.subf %neg3A_748, %sign3A_746 : vector<16xf32>
      %mul3A_750 = arith.mulf %neg3A_749, %sub3A_730 : vector<16xf32>
      %max3A_751 = arith.constant 0.000000e+00 : f32
      %max3A_752 = vector.broadcast %max3A_751 : f32 to vector<16xf32>
      %max3A_753 = arith.maximumf %max3A_752, %mul3A_750 : vector<16xf32>
      %add3A_754 = arith.addf %add3A_706, %max3A_753 : vector<16xf32>
      %ne3A_755 = arith.constant 0.000000e+00 : f32
      %ne3A_756 = vector.broadcast %ne3A_755 : f32 to vector<16xf32>
      %ne3A_757 = arith.cmpf one, %sub3A_733, %ne3A_756 : vector<16xf32>
      %jit3A_758 = arith.constant 1.000000e+00 : f32
      %jit3A_759 = arith.constant 0.000000e+00 : f32
      %broadcast_in_dim3A_760 = vector.broadcast %jit3A_758 : f32 to vector<16xf32>
      %broadcast_in_dim3A_761 = vector.broadcast %jit3A_759 : f32 to vector<16xf32>
      %select_n3A_762 = arith.select %ne3A_757, %broadcast_in_dim3A_760, %broadcast_in_dim3A_761 : vector<16xi1>, vector<16xf32>
      %add3A_763 = arith.addf %add3A_715, %select_n3A_762 : vector<16xf32>
      scf.yield %add3A_754, %add3A_763 : vector<16xf32>, vector<16xf32>
    }
    %scan3A_455 = arith.constant 124 : i32
    %scan3A_456 = arith.addi %scan3A_450, %scan3A_455 : i32
    %mul3A_457 = arith.constant 16 : i32
    %mul3A_458 = arith.muli %scan3A_456, %mul3A_457 : i32
    %add3A_459 = arith.constant 12000 : i32
    %add3A_460 = arith.addi %add3A_459, %mul3A_458 : i32
    %mul3A_461 = arith.constant 16 : i32
    %mul3A_462 = arith.muli %scan3A_456, %mul3A_461 : i32
    %get3A_463 = arith.index_cast %add3A_460 : i32 to index
    %get3A_464 = tpu.vector_load %arg9[%get3A_463] {strides = array<i32>} : memref<16000xi32, #tpu.memory_space<vmem>>, vector<16xi32>,
    %gather3A_465 = tpu.vector_load_idx %arg7[%get3A_464] : memref<32768xf32, #tpu.memory_space<vmem>>[vector<16xi32>], vector<16xf32>,
    %gather3A_466 = tpu.vector_load_idx %arg8[%get3A_464] : memref<32768xf32, #tpu.memory_space<vmem>>[vector<16xi32>], vector<16xf32>,
    %get3A_467 = arith.index_cast %mul3A_462 : i32 to index
    %get3A_468 = tpu.vector_load %arg11[%get3A_467] {strides = array<i32>} : memref<2000xf32, #tpu.memory_space<vmem>>, vector<16xf32>,
    %sub3A_469 = arith.subf %gather3A_465, %get3A_468 : vector<16xf32>
    %get3A_470 = arith.index_cast %mul3A_462 : i32 to index
    %get3A_471 = tpu.vector_load %arg12[%get3A_470] {strides = array<i32>} : memref<2000xf32, #tpu.memory_space<vmem>>, vector<16xf32>,
    %sub3A_472 = arith.subf %gather3A_466, %get3A_471 : vector<16xf32>
    %sign3A_473 = tpu.bitcast %sub3A_472 : vector<16xf32> -> vector<16xi32>
    %sign3A_474 = arith.constant -2147483648 : i32
    %sign3A_475 = vector.broadcast %sign3A_474 : i32 to vector<16xi32>
    %sign3A_476 = arith.andi %sign3A_473, %sign3A_475 : vector<16xi32>
    %sign3A_477 = arith.constant 1065353216 : i32
    %sign3A_478 = vector.broadcast %sign3A_477 : i32 to vector<16xi32>
    %sign3A_479 = arith.ori %sign3A_478, %sign3A_476 : vector<16xi32>
    %sign3A_480 = tpu.bitcast %sign3A_479 : vector<16xi32> -> vector<16xf32>
    %sign3A_481 = math.absf %sub3A_472 : vector<16xf32>
    %sign3A_482 = arith.constant 0.000000e+00 : f32
    %sign3A_483 = vector.broadcast %sign3A_482 : f32 to vector<16xf32>
    %sign3A_484 = arith.cmpf ogt, %sign3A_481, %sign3A_483 : vector<16xf32>
    %sign3A_485 = arith.select %sign3A_484, %sign3A_480, %sub3A_472 : vector<16xi1>, vector<16xf32>
    %neg3A_486 = arith.constant 0.000000e+00 : f32
    %neg3A_487 = vector.broadcast %neg3A_486 : f32 to vector<16xf32>
    %neg3A_488 = arith.subf %neg3A_487, %sign3A_485 : vector<16xf32>
    %mul3A_489 = arith.mulf %neg3A_488, %sub3A_469 : vector<16xf32>
    %max3A_490 = arith.constant 0.000000e+00 : f32
    %max3A_491 = vector.broadcast %max3A_490 : f32 to vector<16xf32>
    %max3A_492 = arith.maximumf %max3A_491, %mul3A_489 : vector<16xf32>
    %add3A_493 = arith.addf %scan3A_454#0, %max3A_492 : vector<16xf32>
    %ne3A_494 = arith.constant 0.000000e+00 : f32
    %ne3A_495 = vector.broadcast %ne3A_494 : f32 to vector<16xf32>
    %ne3A_496 = arith.cmpf one, %sub3A_472, %ne3A_495 : vector<16xf32>
    %jit3A_497 = arith.constant 1.000000e+00 : f32
    %jit3A_498 = arith.constant 0.000000e+00 : f32
    %broadcast_in_dim3A_499 = vector.broadcast %jit3A_497 : f32 to vector<16xf32>
    %broadcast_in_dim3A_500 = vector.broadcast %jit3A_498 : f32 to vector<16xf32>
    %select_n3A_501 = arith.select %ne3A_496, %broadcast_in_dim3A_499, %broadcast_in_dim3A_500 : vector<16xi1>, vector<16xf32>
    %add3A_502 = arith.addf %scan3A_454#1, %select_n3A_501 : vector<16xf32>
    %scan3A_503 = arith.constant 125 : i32
    %dma_wait3A_504 = arith.constant 14000 : i32
    %dma_wait3A_505 = tpu.memref_slice %arg10[%dma_wait3A_504] : memref<16000xi32, #tpu.memory_space<vmem>> -> memref<2000xi32, #tpu.memory_space<vmem>>
    %dma_wait3A_506 = arith.constant 0 : i32
    %dma_wait3A_507 = tpu.memref_slice %arg2[%dma_wait3A_506] : memref<1048576xf32, #tpu.memory_space<hbm>> -> memref<1048576xf32, #tpu.memory_space<hbm>>
    tpu.wait_indirect_dma semaphore(%arg18 : memref<!tpu.dma_semaphore, #tpu.memory_space<semaphore_mem>>) src(%dma_wait3A_507 : memref<1048576xf32, #tpu.memory_space<hbm>>) dst(%arg13 : memref<2000xf32, #tpu.memory_space<vmem>>)
    %dma_wait3A_508 = arith.constant 14000 : i32
    %dma_wait3A_509 = tpu.memref_slice %arg10[%dma_wait3A_508] : memref<16000xi32, #tpu.memory_space<vmem>> -> memref<2000xi32, #tpu.memory_space<vmem>>
    %dma_wait3A_510 = arith.constant 0 : i32
    %dma_wait3A_511 = tpu.memref_slice %arg3[%dma_wait3A_510] : memref<1048576xf32, #tpu.memory_space<hbm>> -> memref<1048576xf32, #tpu.memory_space<hbm>>
    tpu.wait_indirect_dma semaphore(%arg18 : memref<!tpu.dma_semaphore, #tpu.memory_space<semaphore_mem>>) src(%dma_wait3A_511 : memref<1048576xf32, #tpu.memory_space<hbm>>) dst(%arg14 : memref<2000xf32, #tpu.memory_space<vmem>>)
    %scan3A_512 = arith.constant 0 : i32
    %scan3A_513 = arith.constant 124 : i32
    %scan3A_514 = arith.addi %scan3A_512, %scan3A_513 : i32
    %scan3A_515 = arith.constant 4 : i32
    %scan3A_516:2 = scf.for %scan3A_571 = %scan3A_512 to %scan3A_514 step %scan3A_515 iter_args(%scan3A_572 = %add3A_493, %scan3A_573 = %add3A_502) -> (vector<16xf32>, vector<16xf32>)  : i32 {
      %mul3A_574 = arith.constant 16 : i32
      %mul3A_575 = arith.muli %scan3A_571, %mul3A_574 : i32
      %add3A_576 = arith.constant 14000 : i32
      %add3A_577 = arith.addi %add3A_576, %mul3A_575 : i32
      %mul3A_578 = arith.constant 16 : i32
      %mul3A_579 = arith.muli %scan3A_571, %mul3A_578 : i32
      %get3A_580 = arith.index_cast %add3A_577 : i32 to index
      %get3A_581 = tpu.vector_load %arg9[%get3A_580] {strides = array<i32>} : memref<16000xi32, #tpu.memory_space<vmem>>, vector<16xi32>,
      %gather3A_582 = tpu.vector_load_idx %arg7[%get3A_581] : memref<32768xf32, #tpu.memory_space<vmem>>[vector<16xi32>], vector<16xf32>,
      %gather3A_583 = tpu.vector_load_idx %arg8[%get3A_581] : memref<32768xf32, #tpu.memory_space<vmem>>[vector<16xi32>], vector<16xf32>,
      %get3A_584 = arith.index_cast %mul3A_579 : i32 to index
      %get3A_585 = tpu.vector_load %arg13[%get3A_584] {strides = array<i32>} : memref<2000xf32, #tpu.memory_space<vmem>>, vector<16xf32>,
      %sub3A_586 = arith.subf %gather3A_582, %get3A_585 : vector<16xf32>
      %get3A_587 = arith.index_cast %mul3A_579 : i32 to index
      %get3A_588 = tpu.vector_load %arg14[%get3A_587] {strides = array<i32>} : memref<2000xf32, #tpu.memory_space<vmem>>, vector<16xf32>,
      %sub3A_589 = arith.subf %gather3A_583, %get3A_588 : vector<16xf32>
      %sign3A_590 = tpu.bitcast %sub3A_589 : vector<16xf32> -> vector<16xi32>
      %sign3A_591 = arith.constant -2147483648 : i32
      %sign3A_592 = vector.broadcast %sign3A_591 : i32 to vector<16xi32>
      %sign3A_593 = arith.andi %sign3A_590, %sign3A_592 : vector<16xi32>
      %sign3A_594 = arith.constant 1065353216 : i32
      %sign3A_595 = vector.broadcast %sign3A_594 : i32 to vector<16xi32>
      %sign3A_596 = arith.ori %sign3A_595, %sign3A_593 : vector<16xi32>
      %sign3A_597 = tpu.bitcast %sign3A_596 : vector<16xi32> -> vector<16xf32>
      %sign3A_598 = math.absf %sub3A_589 : vector<16xf32>
      %sign3A_599 = arith.constant 0.000000e+00 : f32
      %sign3A_600 = vector.broadcast %sign3A_599 : f32 to vector<16xf32>
      %sign3A_601 = arith.cmpf ogt, %sign3A_598, %sign3A_600 : vector<16xf32>
      %sign3A_602 = arith.select %sign3A_601, %sign3A_597, %sub3A_589 : vector<16xi1>, vector<16xf32>
      %neg3A_603 = arith.constant 0.000000e+00 : f32
      %neg3A_604 = vector.broadcast %neg3A_603 : f32 to vector<16xf32>
      %neg3A_605 = arith.subf %neg3A_604, %sign3A_602 : vector<16xf32>
      %mul3A_606 = arith.mulf %neg3A_605, %sub3A_586 : vector<16xf32>
      %max3A_607 = arith.constant 0.000000e+00 : f32
      %max3A_608 = vector.broadcast %max3A_607 : f32 to vector<16xf32>
      %max3A_609 = arith.maximumf %max3A_608, %mul3A_606 : vector<16xf32>
      %add3A_610 = arith.addf %scan3A_572, %max3A_609 : vector<16xf32>
      %ne3A_611 = arith.constant 0.000000e+00 : f32
      %ne3A_612 = vector.broadcast %ne3A_611 : f32 to vector<16xf32>
      %ne3A_613 = arith.cmpf one, %sub3A_589, %ne3A_612 : vector<16xf32>
      %jit3A_614 = arith.constant 1.000000e+00 : f32
      %jit3A_615 = arith.constant 0.000000e+00 : f32
      %broadcast_in_dim3A_616 = vector.broadcast %jit3A_614 : f32 to vector<16xf32>
      %broadcast_in_dim3A_617 = vector.broadcast %jit3A_615 : f32 to vector<16xf32>
      %select_n3A_618 = arith.select %ne3A_613, %broadcast_in_dim3A_616, %broadcast_in_dim3A_617 : vector<16xi1>, vector<16xf32>
      %add3A_619 = arith.addf %scan3A_573, %select_n3A_618 : vector<16xf32>
      %scan3A_620 = arith.constant 1 : i32
      %scan3A_621 = arith.addi %scan3A_571, %scan3A_620 : i32
      %mul3A_622 = arith.constant 16 : i32
      %mul3A_623 = arith.muli %scan3A_621, %mul3A_622 : i32
      %add3A_624 = arith.constant 14000 : i32
      %add3A_625 = arith.addi %add3A_624, %mul3A_623 : i32
      %mul3A_626 = arith.constant 16 : i32
      %mul3A_627 = arith.muli %scan3A_621, %mul3A_626 : i32
      %get3A_628 = arith.index_cast %add3A_625 : i32 to index
      %get3A_629 = tpu.vector_load %arg9[%get3A_628] {strides = array<i32>} : memref<16000xi32, #tpu.memory_space<vmem>>, vector<16xi32>,
      %gather3A_630 = tpu.vector_load_idx %arg7[%get3A_629] : memref<32768xf32, #tpu.memory_space<vmem>>[vector<16xi32>], vector<16xf32>,
      %gather3A_631 = tpu.vector_load_idx %arg8[%get3A_629] : memref<32768xf32, #tpu.memory_space<vmem>>[vector<16xi32>], vector<16xf32>,
      %get3A_632 = arith.index_cast %mul3A_627 : i32 to index
      %get3A_633 = tpu.vector_load %arg13[%get3A_632] {strides = array<i32>} : memref<2000xf32, #tpu.memory_space<vmem>>, vector<16xf32>,
      %sub3A_634 = arith.subf %gather3A_630, %get3A_633 : vector<16xf32>
      %get3A_635 = arith.index_cast %mul3A_627 : i32 to index
      %get3A_636 = tpu.vector_load %arg14[%get3A_635] {strides = array<i32>} : memref<2000xf32, #tpu.memory_space<vmem>>, vector<16xf32>,
      %sub3A_637 = arith.subf %gather3A_631, %get3A_636 : vector<16xf32>
      %sign3A_638 = tpu.bitcast %sub3A_637 : vector<16xf32> -> vector<16xi32>
      %sign3A_639 = arith.constant -2147483648 : i32
      %sign3A_640 = vector.broadcast %sign3A_639 : i32 to vector<16xi32>
      %sign3A_641 = arith.andi %sign3A_638, %sign3A_640 : vector<16xi32>
      %sign3A_642 = arith.constant 1065353216 : i32
      %sign3A_643 = vector.broadcast %sign3A_642 : i32 to vector<16xi32>
      %sign3A_644 = arith.ori %sign3A_643, %sign3A_641 : vector<16xi32>
      %sign3A_645 = tpu.bitcast %sign3A_644 : vector<16xi32> -> vector<16xf32>
      %sign3A_646 = math.absf %sub3A_637 : vector<16xf32>
      %sign3A_647 = arith.constant 0.000000e+00 : f32
      %sign3A_648 = vector.broadcast %sign3A_647 : f32 to vector<16xf32>
      %sign3A_649 = arith.cmpf ogt, %sign3A_646, %sign3A_648 : vector<16xf32>
      %sign3A_650 = arith.select %sign3A_649, %sign3A_645, %sub3A_637 : vector<16xi1>, vector<16xf32>
      %neg3A_651 = arith.constant 0.000000e+00 : f32
      %neg3A_652 = vector.broadcast %neg3A_651 : f32 to vector<16xf32>
      %neg3A_653 = arith.subf %neg3A_652, %sign3A_650 : vector<16xf32>
      %mul3A_654 = arith.mulf %neg3A_653, %sub3A_634 : vector<16xf32>
      %max3A_655 = arith.constant 0.000000e+00 : f32
      %max3A_656 = vector.broadcast %max3A_655 : f32 to vector<16xf32>
      %max3A_657 = arith.maximumf %max3A_656, %mul3A_654 : vector<16xf32>
      %add3A_658 = arith.addf %add3A_610, %max3A_657 : vector<16xf32>
      %ne3A_659 = arith.constant 0.000000e+00 : f32
      %ne3A_660 = vector.broadcast %ne3A_659 : f32 to vector<16xf32>
      %ne3A_661 = arith.cmpf one, %sub3A_637, %ne3A_660 : vector<16xf32>
      %jit3A_662 = arith.constant 1.000000e+00 : f32
      %jit3A_663 = arith.constant 0.000000e+00 : f32
      %broadcast_in_dim3A_664 = vector.broadcast %jit3A_662 : f32 to vector<16xf32>
      %broadcast_in_dim3A_665 = vector.broadcast %jit3A_663 : f32 to vector<16xf32>
      %select_n3A_666 = arith.select %ne3A_661, %broadcast_in_dim3A_664, %broadcast_in_dim3A_665 : vector<16xi1>, vector<16xf32>
      %add3A_667 = arith.addf %add3A_619, %select_n3A_666 : vector<16xf32>
      %scan3A_668 = arith.constant 2 : i32
      %scan3A_669 = arith.addi %scan3A_571, %scan3A_668 : i32
      %mul3A_670 = arith.constant 16 : i32
      %mul3A_671 = arith.muli %scan3A_669, %mul3A_670 : i32
      %add3A_672 = arith.constant 14000 : i32
      %add3A_673 = arith.addi %add3A_672, %mul3A_671 : i32
      %mul3A_674 = arith.constant 16 : i32
      %mul3A_675 = arith.muli %scan3A_669, %mul3A_674 : i32
      %get3A_676 = arith.index_cast %add3A_673 : i32 to index
      %get3A_677 = tpu.vector_load %arg9[%get3A_676] {strides = array<i32>} : memref<16000xi32, #tpu.memory_space<vmem>>, vector<16xi32>,
      %gather3A_678 = tpu.vector_load_idx %arg7[%get3A_677] : memref<32768xf32, #tpu.memory_space<vmem>>[vector<16xi32>], vector<16xf32>,
      %gather3A_679 = tpu.vector_load_idx %arg8[%get3A_677] : memref<32768xf32, #tpu.memory_space<vmem>>[vector<16xi32>], vector<16xf32>,
      %get3A_680 = arith.index_cast %mul3A_675 : i32 to index
      %get3A_681 = tpu.vector_load %arg13[%get3A_680] {strides = array<i32>} : memref<2000xf32, #tpu.memory_space<vmem>>, vector<16xf32>,
      %sub3A_682 = arith.subf %gather3A_678, %get3A_681 : vector<16xf32>
      %get3A_683 = arith.index_cast %mul3A_675 : i32 to index
      %get3A_684 = tpu.vector_load %arg14[%get3A_683] {strides = array<i32>} : memref<2000xf32, #tpu.memory_space<vmem>>, vector<16xf32>,
      %sub3A_685 = arith.subf %gather3A_679, %get3A_684 : vector<16xf32>
      %sign3A_686 = tpu.bitcast %sub3A_685 : vector<16xf32> -> vector<16xi32>
      %sign3A_687 = arith.constant -2147483648 : i32
      %sign3A_688 = vector.broadcast %sign3A_687 : i32 to vector<16xi32>
      %sign3A_689 = arith.andi %sign3A_686, %sign3A_688 : vector<16xi32>
      %sign3A_690 = arith.constant 1065353216 : i32
      %sign3A_691 = vector.broadcast %sign3A_690 : i32 to vector<16xi32>
      %sign3A_692 = arith.ori %sign3A_691, %sign3A_689 : vector<16xi32>
      %sign3A_693 = tpu.bitcast %sign3A_692 : vector<16xi32> -> vector<16xf32>
      %sign3A_694 = math.absf %sub3A_685 : vector<16xf32>
      %sign3A_695 = arith.constant 0.000000e+00 : f32
      %sign3A_696 = vector.broadcast %sign3A_695 : f32 to vector<16xf32>
      %sign3A_697 = arith.cmpf ogt, %sign3A_694, %sign3A_696 : vector<16xf32>
      %sign3A_698 = arith.select %sign3A_697, %sign3A_693, %sub3A_685 : vector<16xi1>, vector<16xf32>
      %neg3A_699 = arith.constant 0.000000e+00 : f32
      %neg3A_700 = vector.broadcast %neg3A_699 : f32 to vector<16xf32>
      %neg3A_701 = arith.subf %neg3A_700, %sign3A_698 : vector<16xf32>
      %mul3A_702 = arith.mulf %neg3A_701, %sub3A_682 : vector<16xf32>
      %max3A_703 = arith.constant 0.000000e+00 : f32
      %max3A_704 = vector.broadcast %max3A_703 : f32 to vector<16xf32>
      %max3A_705 = arith.maximumf %max3A_704, %mul3A_702 : vector<16xf32>
      %add3A_706 = arith.addf %add3A_658, %max3A_705 : vector<16xf32>
      %ne3A_707 = arith.constant 0.000000e+00 : f32
      %ne3A_708 = vector.broadcast %ne3A_707 : f32 to vector<16xf32>
      %ne3A_709 = arith.cmpf one, %sub3A_685, %ne3A_708 : vector<16xf32>
      %jit3A_710 = arith.constant 1.000000e+00 : f32
      %jit3A_711 = arith.constant 0.000000e+00 : f32
      %broadcast_in_dim3A_712 = vector.broadcast %jit3A_710 : f32 to vector<16xf32>
      %broadcast_in_dim3A_713 = vector.broadcast %jit3A_711 : f32 to vector<16xf32>
      %select_n3A_714 = arith.select %ne3A_709, %broadcast_in_dim3A_712, %broadcast_in_dim3A_713 : vector<16xi1>, vector<16xf32>
      %add3A_715 = arith.addf %add3A_667, %select_n3A_714 : vector<16xf32>
      %scan3A_716 = arith.constant 3 : i32
      %scan3A_717 = arith.addi %scan3A_571, %scan3A_716 : i32
      %mul3A_718 = arith.constant 16 : i32
      %mul3A_719 = arith.muli %scan3A_717, %mul3A_718 : i32
      %add3A_720 = arith.constant 14000 : i32
      %add3A_721 = arith.addi %add3A_720, %mul3A_719 : i32
      %mul3A_722 = arith.constant 16 : i32
      %mul3A_723 = arith.muli %scan3A_717, %mul3A_722 : i32
      %get3A_724 = arith.index_cast %add3A_721 : i32 to index
      %get3A_725 = tpu.vector_load %arg9[%get3A_724] {strides = array<i32>} : memref<16000xi32, #tpu.memory_space<vmem>>, vector<16xi32>,
      %gather3A_726 = tpu.vector_load_idx %arg7[%get3A_725] : memref<32768xf32, #tpu.memory_space<vmem>>[vector<16xi32>], vector<16xf32>,
      %gather3A_727 = tpu.vector_load_idx %arg8[%get3A_725] : memref<32768xf32, #tpu.memory_space<vmem>>[vector<16xi32>], vector<16xf32>,
      %get3A_728 = arith.index_cast %mul3A_723 : i32 to index
      %get3A_729 = tpu.vector_load %arg13[%get3A_728] {strides = array<i32>} : memref<2000xf32, #tpu.memory_space<vmem>>, vector<16xf32>,
      %sub3A_730 = arith.subf %gather3A_726, %get3A_729 : vector<16xf32>
      %get3A_731 = arith.index_cast %mul3A_723 : i32 to index
      %get3A_732 = tpu.vector_load %arg14[%get3A_731] {strides = array<i32>} : memref<2000xf32, #tpu.memory_space<vmem>>, vector<16xf32>,
      %sub3A_733 = arith.subf %gather3A_727, %get3A_732 : vector<16xf32>
      %sign3A_734 = tpu.bitcast %sub3A_733 : vector<16xf32> -> vector<16xi32>
      %sign3A_735 = arith.constant -2147483648 : i32
      %sign3A_736 = vector.broadcast %sign3A_735 : i32 to vector<16xi32>
      %sign3A_737 = arith.andi %sign3A_734, %sign3A_736 : vector<16xi32>
      %sign3A_738 = arith.constant 1065353216 : i32
      %sign3A_739 = vector.broadcast %sign3A_738 : i32 to vector<16xi32>
      %sign3A_740 = arith.ori %sign3A_739, %sign3A_737 : vector<16xi32>
      %sign3A_741 = tpu.bitcast %sign3A_740 : vector<16xi32> -> vector<16xf32>
      %sign3A_742 = math.absf %sub3A_733 : vector<16xf32>
      %sign3A_743 = arith.constant 0.000000e+00 : f32
      %sign3A_744 = vector.broadcast %sign3A_743 : f32 to vector<16xf32>
      %sign3A_745 = arith.cmpf ogt, %sign3A_742, %sign3A_744 : vector<16xf32>
      %sign3A_746 = arith.select %sign3A_745, %sign3A_741, %sub3A_733 : vector<16xi1>, vector<16xf32>
      %neg3A_747 = arith.constant 0.000000e+00 : f32
      %neg3A_748 = vector.broadcast %neg3A_747 : f32 to vector<16xf32>
      %neg3A_749 = arith.subf %neg3A_748, %sign3A_746 : vector<16xf32>
      %mul3A_750 = arith.mulf %neg3A_749, %sub3A_730 : vector<16xf32>
      %max3A_751 = arith.constant 0.000000e+00 : f32
      %max3A_752 = vector.broadcast %max3A_751 : f32 to vector<16xf32>
      %max3A_753 = arith.maximumf %max3A_752, %mul3A_750 : vector<16xf32>
      %add3A_754 = arith.addf %add3A_706, %max3A_753 : vector<16xf32>
      %ne3A_755 = arith.constant 0.000000e+00 : f32
      %ne3A_756 = vector.broadcast %ne3A_755 : f32 to vector<16xf32>
      %ne3A_757 = arith.cmpf one, %sub3A_733, %ne3A_756 : vector<16xf32>
      %jit3A_758 = arith.constant 1.000000e+00 : f32
      %jit3A_759 = arith.constant 0.000000e+00 : f32
      %broadcast_in_dim3A_760 = vector.broadcast %jit3A_758 : f32 to vector<16xf32>
      %broadcast_in_dim3A_761 = vector.broadcast %jit3A_759 : f32 to vector<16xf32>
      %select_n3A_762 = arith.select %ne3A_757, %broadcast_in_dim3A_760, %broadcast_in_dim3A_761 : vector<16xi1>, vector<16xf32>
      %add3A_763 = arith.addf %add3A_715, %select_n3A_762 : vector<16xf32>
      scf.yield %add3A_754, %add3A_763 : vector<16xf32>, vector<16xf32>
    }
    %scan3A_517 = arith.constant 124 : i32
    %scan3A_518 = arith.addi %scan3A_512, %scan3A_517 : i32
    %mul3A_519 = arith.constant 16 : i32
    %mul3A_520 = arith.muli %scan3A_518, %mul3A_519 : i32
    %add3A_521 = arith.constant 14000 : i32
    %add3A_522 = arith.addi %add3A_521, %mul3A_520 : i32
    %mul3A_523 = arith.constant 16 : i32
    %mul3A_524 = arith.muli %scan3A_518, %mul3A_523 : i32
    %get3A_525 = arith.index_cast %add3A_522 : i32 to index
    %get3A_526 = tpu.vector_load %arg9[%get3A_525] {strides = array<i32>} : memref<16000xi32, #tpu.memory_space<vmem>>, vector<16xi32>,
    %gather3A_527 = tpu.vector_load_idx %arg7[%get3A_526] : memref<32768xf32, #tpu.memory_space<vmem>>[vector<16xi32>], vector<16xf32>,
    %gather3A_528 = tpu.vector_load_idx %arg8[%get3A_526] : memref<32768xf32, #tpu.memory_space<vmem>>[vector<16xi32>], vector<16xf32>,
    %get3A_529 = arith.index_cast %mul3A_524 : i32 to index
    %get3A_530 = tpu.vector_load %arg13[%get3A_529] {strides = array<i32>} : memref<2000xf32, #tpu.memory_space<vmem>>, vector<16xf32>,
    %sub3A_531 = arith.subf %gather3A_527, %get3A_530 : vector<16xf32>
    %get3A_532 = arith.index_cast %mul3A_524 : i32 to index
    %get3A_533 = tpu.vector_load %arg14[%get3A_532] {strides = array<i32>} : memref<2000xf32, #tpu.memory_space<vmem>>, vector<16xf32>,
    %sub3A_534 = arith.subf %gather3A_528, %get3A_533 : vector<16xf32>
    %sign3A_535 = tpu.bitcast %sub3A_534 : vector<16xf32> -> vector<16xi32>
    %sign3A_536 = arith.constant -2147483648 : i32
    %sign3A_537 = vector.broadcast %sign3A_536 : i32 to vector<16xi32>
    %sign3A_538 = arith.andi %sign3A_535, %sign3A_537 : vector<16xi32>
    %sign3A_539 = arith.constant 1065353216 : i32
    %sign3A_540 = vector.broadcast %sign3A_539 : i32 to vector<16xi32>
    %sign3A_541 = arith.ori %sign3A_540, %sign3A_538 : vector<16xi32>
    %sign3A_542 = tpu.bitcast %sign3A_541 : vector<16xi32> -> vector<16xf32>
    %sign3A_543 = math.absf %sub3A_534 : vector<16xf32>
    %sign3A_544 = arith.constant 0.000000e+00 : f32
    %sign3A_545 = vector.broadcast %sign3A_544 : f32 to vector<16xf32>
    %sign3A_546 = arith.cmpf ogt, %sign3A_543, %sign3A_545 : vector<16xf32>
    %sign3A_547 = arith.select %sign3A_546, %sign3A_542, %sub3A_534 : vector<16xi1>, vector<16xf32>
    %neg3A_548 = arith.constant 0.000000e+00 : f32
    %neg3A_549 = vector.broadcast %neg3A_548 : f32 to vector<16xf32>
    %neg3A_550 = arith.subf %neg3A_549, %sign3A_547 : vector<16xf32>
    %mul3A_551 = arith.mulf %neg3A_550, %sub3A_531 : vector<16xf32>
    %max3A_552 = arith.constant 0.000000e+00 : f32
    %max3A_553 = vector.broadcast %max3A_552 : f32 to vector<16xf32>
    %max3A_554 = arith.maximumf %max3A_553, %mul3A_551 : vector<16xf32>
    %add3A_555 = arith.addf %scan3A_516#0, %max3A_554 : vector<16xf32>
    %ne3A_556 = arith.constant 0.000000e+00 : f32
    %ne3A_557 = vector.broadcast %ne3A_556 : f32 to vector<16xf32>
    %ne3A_558 = arith.cmpf one, %sub3A_534, %ne3A_557 : vector<16xf32>
    %jit3A_559 = arith.constant 1.000000e+00 : f32
    %jit3A_560 = arith.constant 0.000000e+00 : f32
    %broadcast_in_dim3A_561 = vector.broadcast %jit3A_559 : f32 to vector<16xf32>
    %broadcast_in_dim3A_562 = vector.broadcast %jit3A_560 : f32 to vector<16xf32>
    %select_n3A_563 = arith.select %ne3A_558, %broadcast_in_dim3A_561, %broadcast_in_dim3A_562 : vector<16xi1>, vector<16xf32>
    %add3A_564 = arith.addf %scan3A_516#1, %select_n3A_563 : vector<16xf32>
    %scan3A_565 = arith.constant 125 : i32
    %swap3A = arith.constant 0 : index
    %swap3A_566 = tpu.vector_load %arg15[%swap3A] {strides = array<i32>} : memref<16xf32, #tpu.memory_space<vmem>>, vector<16xf32>,
    tpu.vector_store %arg15[%swap3A], %add3A_555 {strides = array<i32>} : memref<16xf32, #tpu.memory_space<vmem>>, vector<16xf32>,
    %swap3A_567 = arith.constant 0 : index
    %swap3A_568 = tpu.vector_load %arg16[%swap3A_567] {strides = array<i32>} : memref<16xf32, #tpu.memory_space<vmem>>, vector<16xf32>,
    tpu.vector_store %arg16[%swap3A_567], %add3A_564 {strides = array<i32>} : memref<16xf32, #tpu.memory_space<vmem>>, vector<16xf32>,
    "tpu.region"() ({
      %run_scoped3A = tpu.sem_alloc : memref<!tpu.dma_semaphore, #tpu.memory_space<semaphore_mem>>
      %dma_start3A_571 = arith.constant 0 : i32
      %dma_start3A_572 = tpu.memref_slice %arg6[%add3A, %dma_start3A_571] : memref<64x16xf32, #tpu.memory_space<hbm>> -> memref<1x16xf32, #tpu.memory_space<hbm>>
      %dma_start3A_573 = tpu.memref_squeeze %dma_start3A_572 : memref<1x16xf32, #tpu.memory_space<hbm>> -> memref<16xf32, #tpu.memory_space<hbm>>
      %dma_start3A_574 = arith.constant 0 : i32
      %dma_start3A_575 = tpu.memref_slice %arg6[%add3A, %dma_start3A_574] : memref<64x16xf32, #tpu.memory_space<hbm>> -> memref<1x16xf32, #tpu.memory_space<hbm>>
      %dma_start3A_576 = tpu.memref_squeeze %dma_start3A_575 : memref<1x16xf32, #tpu.memory_space<hbm>> -> memref<16xf32, #tpu.memory_space<hbm>>
      tpu.enqueue_dma source(%arg15 : memref<16xf32, #tpu.memory_space<vmem>>) target(%dma_start3A_576 : memref<16xf32, #tpu.memory_space<hbm>>) target_semaphore(%run_scoped3A : memref<!tpu.dma_semaphore, #tpu.memory_space<semaphore_mem>>)
      %dma_wait3A_577 = arith.constant 0 : i32
      %dma_wait3A_578 = tpu.memref_slice %arg6[%add3A, %dma_wait3A_577] : memref<64x16xf32, #tpu.memory_space<hbm>> -> memref<1x16xf32, #tpu.memory_space<hbm>>
      %dma_wait3A_579 = tpu.memref_squeeze %dma_wait3A_578 : memref<1x16xf32, #tpu.memory_space<hbm>> -> memref<16xf32, #tpu.memory_space<hbm>>
      %dma_wait3A_580 = arith.constant 0 : i32
      %dma_wait3A_581 = tpu.memref_slice %arg6[%add3A, %dma_wait3A_580] : memref<64x16xf32, #tpu.memory_space<hbm>> -> memref<1x16xf32, #tpu.memory_space<hbm>>
      %dma_wait3A_582 = tpu.memref_squeeze %dma_wait3A_581 : memref<1x16xf32, #tpu.memory_space<hbm>> -> memref<16xf32, #tpu.memory_space<hbm>>
      tpu.wait_dma2 semaphore(%run_scoped3A : memref<!tpu.dma_semaphore, #tpu.memory_space<semaphore_mem>>) src(%arg15 : memref<16xf32, #tpu.memory_space<vmem>>) dst(%dma_wait3A_582 : memref<16xf32, #tpu.memory_space<hbm>>)
      tpu.yield
    }) : () -> ()
    %add3A_569 = arith.constant 32 : i32
    %add3A_570 = arith.addi %add3A_569, %add3A : i32
    "tpu.region"() ({
      %run_scoped3A = tpu.sem_alloc : memref<!tpu.dma_semaphore, #tpu.memory_space<semaphore_mem>>
      %dma_start3A_571 = arith.constant 0 : i32
      %dma_start3A_572 = tpu.memref_slice %arg6[%add3A_570, %dma_start3A_571] : memref<64x16xf32, #tpu.memory_space<hbm>> -> memref<1x16xf32, #tpu.memory_space<hbm>>
      %dma_start3A_573 = tpu.memref_squeeze %dma_start3A_572 : memref<1x16xf32, #tpu.memory_space<hbm>> -> memref<16xf32, #tpu.memory_space<hbm>>
      %dma_start3A_574 = arith.constant 0 : i32
      %dma_start3A_575 = tpu.memref_slice %arg6[%add3A_570, %dma_start3A_574] : memref<64x16xf32, #tpu.memory_space<hbm>> -> memref<1x16xf32, #tpu.memory_space<hbm>>
      %dma_start3A_576 = tpu.memref_squeeze %dma_start3A_575 : memref<1x16xf32, #tpu.memory_space<hbm>> -> memref<16xf32, #tpu.memory_space<hbm>>
      tpu.enqueue_dma source(%arg16 : memref<16xf32, #tpu.memory_space<vmem>>) target(%dma_start3A_576 : memref<16xf32, #tpu.memory_space<hbm>>) target_semaphore(%run_scoped3A : memref<!tpu.dma_semaphore, #tpu.memory_space<semaphore_mem>>)
      %dma_wait3A_577 = arith.constant 0 : i32
      %dma_wait3A_578 = tpu.memref_slice %arg6[%add3A_570, %dma_wait3A_577] : memref<64x16xf32, #tpu.memory_space<hbm>> -> memref<1x16xf32, #tpu.memory_space<hbm>>
      %dma_wait3A_579 = tpu.memref_squeeze %dma_wait3A_578 : memref<1x16xf32, #tpu.memory_space<hbm>> -> memref<16xf32, #tpu.memory_space<hbm>>
      %dma_wait3A_580 = arith.constant 0 : i32
      %dma_wait3A_581 = tpu.memref_slice %arg6[%add3A_570, %dma_wait3A_580] : memref<64x16xf32, #tpu.memory_space<hbm>> -> memref<1x16xf32, #tpu.memory_space<hbm>>
      %dma_wait3A_582 = tpu.memref_squeeze %dma_wait3A_581 : memref<1x16xf32, #tpu.memory_space<hbm>> -> memref<16xf32, #tpu.memory_space<hbm>>
      tpu.wait_dma2 semaphore(%run_scoped3A : memref<!tpu.dma_semaphore, #tpu.memory_space<semaphore_mem>>) src(%arg16 : memref<16xf32, #tpu.memory_space<vmem>>) dst(%dma_wait3A_582 : memref<16xf32, #tpu.memory_space<hbm>>)
      tpu.yield
    }) : () -> ()
    return
  }
}

</mosaic_0001>

<sc_bundles>
// kernel: kernel.3.cloned.1.call-start
scs
__scs_entry_jumppad:
0x0: {  	(pc) =	sbr.rel $0x88, $3  }
0x1: {  	(tag) =	ssettag $0x0;
	lr =	simm.s32 $0x1  }
0x2: {  	[smem:$0x3F9F] =	sst lr;
	_ =	strace $0xD0000000  }
0x3: {  	_ = 	snop  }
0x4: {  	_ = 	snop  }
0x5: {  	_ = 	snop  }
0x6: {  	_ = 	snop  }
0x7: {  	_ = 	snop  }
__scs_overlays_trampoline_lowered:
0x8: {  	[smem:$0x3FAE] =	sst s0  }
0x9: {  	[smem:$0x3FAF] =	sst s1  }
0xa: {  	[smem:$0x3FB0] =	sst s2  }
0xb: {  	[smem:$0x3FB1] =	sst s3  }
0xc: {  	[smem:$0x3FB2] =	sst s4  }
0xd: {  	[smem:$0x3FB3] =	sst s5  }
0xe: {  	[smem:$0x3FB4] =	sst s6  }
0xf: {  	[smem:$0x3FB5] =	sst s7  }
0x10: {  	[smem:$0x3FB6] =	sst s8  }
0x11: {  	[smem:$0x3FB7] =	sst s9;
	s0 =	simm.s32 @!p0 $0x0  }
0x12: {  	s1 =	sld [smem:$0x3F9D];
	s0 =	simm.s32 @p0 $0x1  }
0x13: {  	[smem:$0x3FB8] =	sst s0;
	s0 =	simm.s32 @!p1 $0x0  }
0x14: {  	s2 =	sld [smem:$0x3F9C];
	s0 =	simm.s32 @p1 $0x1  }
0x15: {  	[smem:$0x3FB9] =	sst s0;
	s0 =	simm.s32 @!p2 $0x0  }
0x16: {  	s3 =	sld [smem:$0x3FDB];
	s0 =	simm.s32 @p2 $0x1  }
0x17: {  	s4 =	simm.s32 $0x1BF5;
	[smem:$0x3FBB] =	sst s0  }
0x18: {  	s0 =	sld [smem:$0x3F9E];
	_ =	swait.ge [sflag:s4], $0x0  }
0x19: {  	s7 =	sld [smem:$0x3F9F]  }
0x1a: {  	s8 =	sadd.s32 $0xFFFFE003, lr  }
0x1b: {  	s9 =	sadd.s32 $0xFFFFFEF7, lr;
	s5 =	simm.s32 $0xFFFFFFFF;
	p2 =	slt.u32 s8, $0xFFFFF086  }
0x1c: {  	p1 =	slt.u32 s9, $0xF7A;
	s5 =	simm.s32 @!p2 $0x0  }
0x1d: {  	s5 =	simm.s32 @p1 $0x1;
	p0 =	seq.s32 s7, s2  }
0x1e: {  	s7 =	smul.u32 @!p0 $0xF7A, s2;
	p2 =	seq.s32 @!p0 s5, $0x0  }
0x1f: {  	s9 =	smul.u32 $0xF7A, s1;
	s8 =	simm.s32 @!p0 $0x1BF5;
	p2 =	por !p2, p0  }
0x20: {  	[sflag:s8] =	ssyncset.s32 @!p0 $0xFFFFF086;
	s6 =	sadd.s32 @!p0 s3, s7;
	s7 =	simm.s32 @!p0 $0x108  }
0x21: {  	s3 =	sadd.s32 s3, s9;
	s6 =	sadd.s32 @!p0 $0x88, s6;
	s7 =	simm.s32 @p2 $0x1082  }
0x22: {  	[simem:s7], [sflag:s8] =	dma.local @!p0 [hbm:s6], $0xF7A  }
0x23: {  	s9 =	sor.u32 $0xD0000000, s2;
	s6 =	simm.s32 $0x108;
	_ =	swait.ge @!p0 [sflag:s8], $0x0  }
0x24: {  	s3 =	sadd.s32 $0x88, s3;
	s6 =	simm.s32 @!p1 $0x1082;
	[sflag:s4] =	ssyncset.s32 $0xFFFFF086  }
0x25: {  	[simem:s6], [sflag:s4] =	dma.local [hbm:s3], $0xF7A  }
0x26: {  	[smem:$0x3F9F] =	sst s1;
	(tag) =	ssettag s2;
	_ =	strace s9  }
0x27: {  	s1 =	sld [smem:$0x3FAF]  }
0x28: {  	s2 =	sld [smem:$0x3FB0]  }
0x29: {  	s4 =	sld [smem:$0x3FB2]  }
0x2a: {  	p0 =	seq.s32 s5, $0x0;
	s5 =	sld [smem:$0x3FB3]  }
0x2b: {  	s6 =	sld [smem:$0x3FB4]  }
0x2c: {  	s7 =	sld [smem:$0x3FB5]  }
0x2d: {  	s3 =	simm.s32 $0x108;
	s8 =	sld [smem:$0x3FB6]  }
0x2e: {  	s3 =	simm.s32 @!p0 $0x1082;
	s9 =	sld [smem:$0x3FB7]  }
0x2f: {  	lr =	sadd.s32 s0, s3;
	s0 =	sld [smem:$0x3FAE]  }
0x30: {  	s3 =	sld [smem:$0x3FB1]  }
0x31: {  	[smem:$0x3FBA] =	sst s10  }
0x32: {  	s10 =	sld [smem:$0x3FB8];
	_ =	sdelay $0x3  }
0x33: {  	p0 =	seq.s32 s10, $0x1;
	s10 =	sld [smem:$0x3FBA];
	_ =	sdelay $0x3  }
0x34: {  	[smem:$0x3FBA] =	sst s10  }
0x35: {  	s10 =	sld [smem:$0x3FB9];
	_ =	sdelay $0x3  }
0x36: {  	p1 =	seq.s32 s10, $0x1;
	s10 =	sld [smem:$0x3FBA];
	_ =	sdelay $0x3  }
0x37: {  	[smem:$0x3FBA] =	sst s10  }
0x38: {  	s10 =	sld [smem:$0x3FBB]  }
0x39: {  	_ = 	snop;
	(pc) =	sbr.ind lr, $3  }
0x3a: {  	_ = 	snop  }
0x3b: {  	_ = 	snop  }
0x3c: {  	p2 =	seq.s32 s10, $0x1;
	s10 =	sld [smem:$0x3FBA]  }
0x3d: {  	_ =	shalt  }
0x3e: {  	_ =	shalt  }
0x3f: {  	_ =	shalt  }
0x40: {  	_ =	shalt  }
0x41: {  	_ =	shalt  }
0x42: {  	_ =	shalt  }
0x43: {  	_ =	shalt  }
0x44: {  	_ =	shalt  }
0x45: {  	_ =	shalt  }
0x46: {  	_ =	shalt  }
0x47: {  	_ =	shalt  }
0x48: {  	_ =	shalt  }
0x49: {  	_ =	shalt  }
0x4a: {  	_ =	shalt  }
0x4b: {  	_ =	shalt  }
0x4c: {  	_ =	shalt  }
0x4d: {  	_ =	shalt  }
0x4e: {  	_ =	shalt  }
0x4f: {  	_ =	shalt  }
0x50: {  	_ =	shalt  }
0x51: {  	_ =	shalt  }
0x52: {  	_ =	shalt  }
0x53: {  	_ =	shalt  }
0x54: {  	_ =	shalt  }
0x55: {  	_ =	shalt  }
0x56: {  	_ =	shalt  }
0x57: {  	_ =	shalt  }
0x58: {  	_ =	shalt  }
0x59: {  	_ =	shalt  }
0x5a: {  	_ =	shalt  }
0x5b: {  	_ =	shalt  }
0x5c: {  	_ =	shalt  }
0x5d: {  	_ =	shalt  }
0x5e: {  	_ =	shalt  }
0x5f: {  	_ =	shalt  }
0x60: {  	_ =	shalt  }
0x61: {  	_ =	shalt  }
0x62: {  	_ =	shalt  }
0x63: {  	_ =	shalt  }
0x64: {  	_ =	shalt  }
0x65: {  	_ =	shalt  }
0x66: {  	_ =	shalt  }
0x67: {  	_ =	shalt  }
0x68: {  	_ =	shalt  }
0x69: {  	_ =	shalt  }
0x6a: {  	_ =	shalt  }
0x6b: {  	_ =	shalt  }
0x6c: {  	_ =	shalt  }
0x6d: {  	_ =	shalt  }
0x6e: {  	_ =	shalt  }
0x6f: {  	_ =	shalt  }
0x70: {  	_ =	shalt  }
0x71: {  	_ =	shalt  }
0x72: {  	_ =	shalt  }
0x73: {  	_ =	shalt  }
0x74: {  	_ =	shalt  }
0x75: {  	_ =	shalt  }
0x76: {  	_ =	shalt  }
0x77: {  	_ =	shalt  }
0x78: {  	_ =	shalt  }
0x79: {  	_ =	shalt  }
0x7a: {  	_ =	shalt  }
0x7b: {  	_ =	shalt  }
0x7c: {  	_ =	shalt  }
0x7d: {  	_ =	shalt  }
0x7e: {  	_ =	shalt  }
0x7f: {  	_ =	shalt  }
0x80: {  	_ =	shalt  }
0x81: {  	_ =	shalt  }
0x82: {  	_ =	shalt  }
0x83: {  	_ =	shalt  }
0x84: {  	_ =	shalt  }
0x85: {  	_ =	shalt  }
0x86: {  	_ =	shalt  }
0x87: {  	_ =	shalt  }
.Lfunc_end0:
.L_simem_size_0:
called_computation_lowered:
.L_overlay_start_0:
0x88: {  	s2 =	sld [smem:$0x3FD9]  }
0x89: {  	s3 =	sld [smem:$0x3FFE];
	_ =	sdelay $0x1  }
0x8a: {  	s1 =	srdreg.scid  }
0x8b: {  	s0 =	sand.u32 $0x1, s1  }
0x8c: {  	s17 =	sshll.u32 s0, $0xA;
	s2 =	sadd.s32 s3, s2  }
0x8d: {  	s2 =	sadd.s32 s2, s17  }
0x8e: {  	[smem:$0x3FC6] =	sst s2  }
0x8f: {  	_ = 	snop  }
0x90: {  	s2 =	sld [smem:$0x3FC9]  }
0x91: {  	s18 =	sld [smem:$0x3FC8];
	(tm) =	ssettm $0x1  }
0x92: {  	s4 =	sld [smem:$0x3FFB];
	_ =	sdelay $0x3  }
0x93: {  	_ =	strace s4  }
0x94: {  	s4 =	sld [smem:$0x3FFC];
	_ =	sdelay $0x3  }
0x95: {  	_ =	strace s4  }
0x96: {  	s4 =	sld [smem:$0x3FFD];
	_ =	sdelay $0x3  }
0x97: {  	_ =	strace s4  }
0x98: {  	_ =	strace $0x8FFFFFFF  }
0x99: {  	s19 =	sld [smem:$0x3FDB];
	_ =	sdelay $0x1  }
0x9a: {  	s5 =	simm.s32 $_scs_section_size  }
0x9b: {  	s6 =	simm.s32 $_size__tile_overlayer_lowered;
	s7 =	simm.s32 $_tile_overlayer_lowered  }
0x9c: {  	s22 =	simm.s32 $0x1BFF;
	s21 =	sshll.u32 s7, $0x1;
	s4 =	sadd.s32 s5, s19  }
0x9d: {  	s8 =	simm.s32 $0x0;
	s20 =	sshll.u32 s6, $0x1;
	s6 =	sadd.s32 s21, s4  }
0x9e: {  	[timem:s8], [sflag:s22] =	dma.local [hbm:s6], s20  }
0x9f: {  	_ =	swait.ge [sflag:s22], s20  }
0xa0: {  	s5 =	ssub.s32 $0x0, s20;
	[sflag:s22] =	ssyncset.done $0x0  }
0xa1: {  	[sflag:s22] =	ssyncadd.s32 s5;
	_ =	sdelay $0x1  }
0xa2: {  	s23 =	simm.s32 $0x1B8B  }
0xa3: {  	_ =	swait.ge [sflag:s23], $0x1  }
0xa4: {  	[sflag:s23] =	ssyncset.done $0x0  }
0xa5: {  	s25 =	simm.s32 $0x1B8E;
	s24 =	sld [smem:$0x3FFE];
	[sflag:s23] =	ssyncadd.s32 $0xFFFFFFFF  }
0xa6: {  	s26 =	simm.s32 $execute0_lowered;
	[smem:$0x3FD2] =	sst s25  }
0xa7: {  	s6 =	sshll.u32 s26, $0x1;
	_ =	strace $0x80000046;
	[dreg:$0x1] =	wrdreg $0xFFFFFFFF  }
0xa8: {  	s28 =	simm.s32 $_size_execute0_lowered;
	s4 =	sadd.s32 s4, s6;
	[dreg:$0x0] =	wrdreg $0x0  }
0xa9: {  	s6 =	sshll.u32 s28, $0x1;
	[dreg:$0x2] =	wrdreg s4  }
0xaa: {  	[dreg:$0x3] =	wrdreg s6  }
0xab: {  	[dreg:$0x4] =	wrdreg $0xC0  }
0xac: {  	_ =	task [dreg:s8], $0x5FFFF  }
0xad: {  	[dreg:$0x1] =	wrdreg $0xFFFFFFFF  }
0xae: {  	[dreg:$0x0] =	wrdreg $0x60  }
0xaf: {  	[dreg:$0x2] =	wrdreg s2  }
0xb0: {  	[dreg:$0x3] =	wrdreg s18  }
0xb1: {  	[dreg:$0x4] =	wrdreg s24  }
0xb2: {  	[dreg:$0x5] =	wrdreg $0x9  }
0xb3: {  	_ =	task.clear_ibuf [dreg:s8], $0x6FFFF;
	_ =	strace $0x90000046  }
0xb4: {  	s29 =	simm.s32 $0x9;
	_ =	strace $0x80000048  }
0xb5: {  	_ =	swait.ge [sflag:s29], $0x1  }
0xb6: {  	[sflag:s29] =	ssyncadd.s32 $0xFFFFFFFF  }
0xb7: {  	_ =	strace $0x90000048  }
0xb8: {  	_ =	sfence  }
0xb9: {  	s30 =	sld [smem:$0x0];
	_ =	sdelay $0x2  }
0xba: {  	s31 =	sshll.u32 s1, $0xD;
	s1 =	sshrl.u32 s1, $0x2  }
0xbb: {  	s3 =	sand.u32 $0x4000, s31;
	s1 =	sadd.s32 s1, s30  }
0xbc: {  	s0 =	sor.u32 s3, s0;
	s1 =	sshll.u32 s1, $0x11  }
0xbd: {  	s0 =	sor.u32 s1, s0  }
0xbe: {  	s0 =	sadd.s32 $0x8F2B, s0  }
0xbf: {  	[sflag:s0] =	ssyncadd.remote.s32 $0x1  }
0xc0: {  	_ =	sfence.sel $0xFFFF  }
0xc1: {  	[dreg:$0x0] =	wrdreg $0xFFFFFFFF;
	(pc) =	sbr.abs _section_cstart, $3  }
0xc2: {  	[dreg:$0x1] =	wrdreg $0xFFFFFFFF  }
0xc3: {  	_ =	task.clear_ibuf [dreg:s8], $0x2FFFF;
	_ =	strace $0x9FFFFFFF  }
0xc4: {  	(tm) =	ssettm $0x7FFFFFFF  }
0xc5: {  	_ =	shalt  }
tec
execute0_lowered:
.L_overlay_start_1:
0x0: {  	(tag) =	ssettag $0x1  }
0x1: {  	s1 =	rddreg [dreg:$0x0]  }
0x2: {  	s2 =	rddreg [dreg:$0x1]  }
0x3: {  	s0 =	rddreg [dreg:$0x2]  }
0x4: {  	s4 =	simm.s32 $0x0;
	s3 =	srdreg.scid;
	s5 =	stileid.u32  }
0x5: {  	s12 =	simm.s32 $0x13E80;
	s13 =	simm.s32 $0x4;
	s14 =	simm.s32 $0x7D0  }
0x6: {  	s15 =	simm.s32 $0x17D00;
	s16 =	simm.s32 $0x18500;
	s18 =	simm.s32 $0x18D00  }
0x7: {  	s19 =	simm.s32 $0x19500;
	s20 =	simm.s32 $0x8000;
	s22 =	simm.s32 $0x3  }
0x8: {  	s23 =	simm.s32 $0x1;
	s25 =	simm.s32 $0x2;
	s30 =	simm.s32 $0x16D60  }
0x9: {  	s31 =	simm.s32 $0x17530;
	s3 =	sand.u32 $0x1, s3;
	s5 =	sshll.u32 s5, $0x1  }
0xa: {  	s21 =	simm.s32 $0x0;
	[smem:$0x7FF] =	sst s4;
	s5 =	sor.u32 s3, s5  }
0xb: {  	_ =	strace $0x80000047;
	s3 =	ssub.s32 $0x2, s3;
	s6 =	sshll.u32 s5, $0x4  }
0xc: {  	s7 =	smul.u32 $0x7D0, s5;
	s29 =	sshrl.u32 s3, $0x1;
	s8 =	sshll.u32 s5, $0xC  }
0xd: {  	s10 =	sadd.s32 s6, s0;
	s3 =	ssub.s32 s3, s29;
	s6 =	sadd.s32 s1, s8  }
0xe: {  	v0 =	vimm.f32 $1.000000000e+00;
	s5 =	sadd.s32 s0, s7;
	s7 =	sadd.s32 s2, s8;
	s9 =	sadd.s32 $0x1F400, s10  }
0xf: {  	v1 =	vimm.f32 $0.0e+00;
	v0 =	vand.u32 $0x7FFFFFFF, v0;
	s10 =	sadd.s32 $0x1F600, s10;
	s11 =	smax.u32 s3, $0x1;
	s8 =	sadd.s32 $0xFA00, s5  }
.LBB2_1:
0x10: {  	[tilespmem:s12], [sflag:$0x4] =	stream.linear.gather [hbm4b:s5+s4], $0x3E80, $0x38;
	[tilespmem:$0x19E00] =	vst v63  }
0x11: {  	_ =	swait.ge [sflag:s13], $0x3E80  }
0x12: {  	[sflag:s13] =	ssyncset.done $0x0  }
0x13: {  	[sflag:s13] =	ssyncadd.s32 $0xFFFFC180  }
0x14: {  	[tilespmem:s15], [sflag:$0x1] =	stream.indirect.gather [hbm4b:s1+s14], $0x1, s12, s14, $0xb8;
	[tilespmem:$0x19E00] =	vst v63  }
0x15: {  	_ = 	snop  }
0x16: {  	[tilespmem:s16], [sflag:$0x1] =	stream.indirect.gather [hbm4b:s2+s14], $0x1, s12, s14, $0xb8;
	[tilespmem:$0x19E00] =	vst v63  }
0x17: {  	s0 =	simm.s32 $0x14650  }
0x18: {  	[tilespmem:s18], [sflag:$0x2] =	stream.indirect.gather [hbm4b:s1+s14], $0x1, s0, s14, $0xb8;
	[tilespmem:$0x19E00] =	vst v63  }
0x19: {  	_ = 	snop  }
0x1a: {  	[tilespmem:s19], [sflag:$0x2] =	stream.indirect.gather [hbm4b:s2+s14], $0x1, s0, s14, $0xb8;
	[tilespmem:$0x19E00] =	vst v63  }
0x1b: {  	_ = 	snop  }
0x1c: {  	[tilespmem:s4], [sflag:$0x3] =	stream.linear.gather [hbm4b:s6+s4], $0x8000, $0x38;
	[tilespmem:$0x19E00] =	vst v63  }
0x1d: {  	_ = 	snop  }
0x1e: {  	[tilespmem:s20], [sflag:$0x3] =	stream.linear.gather [hbm4b:s7+s4], $0x8000, $0x38;
	[tilespmem:$0x19E00] =	vst v63  }
0x1f: {  	s28 =	simm.s32 $0x10000  }
0x20: {  	[tilespmem:s28], [sflag:$0x3] =	stream.linear.gather [hbm4b:s8+s4], $0x3E80, $0x38;
	[tilespmem:$0x19E00] =	vst v63  }
0x21: {  	_ =	swait.ge [sflag:s22], $0x8000  }
0x22: {  	[sflag:s22] =	ssyncset.done $0x0  }
0x23: {  	[sflag:s22] =	ssyncadd.s32 $0xFFFF8000  }
0x24: {  	_ =	swait.ge [sflag:s22], $0x8000  }
0x25: {  	[sflag:s22] =	ssyncset.done $0x0  }
0x26: {  	[sflag:s22] =	ssyncadd.s32 $0xFFFF8000  }
0x27: {  	_ =	swait.ge [sflag:s22], $0x3E80  }
0x28: {  	[sflag:s22] =	ssyncset.done $0x0  }
0x29: {  	[sflag:s22] =	ssyncadd.s32 $0xFFFFC180  }
0x2a: {  	_ =	swait.ge [sflag:s23], $0x7D0  }
0x2b: {  	[sflag:s23] =	ssyncset.done $0x0  }
0x2c: {  	[sflag:s23] =	ssyncadd.s32 $0xFFFFF830  }
0x2d: {  	_ =	swait.ge [sflag:s23], $0x7D0  }
0x2e: {  	[sflag:s23] =	ssyncset.done $0x0  }
0x2f: {  	s3 =	simm.s32 $0x17D20;
	[sflag:s23] =	ssyncadd.s32 $0xFFFFF830  }
0x30: {  	s17 =	simm.s32 $0x10020;
	v3 =	vld [tilespmem:s3+$0xFFFFFFE0]  }
0x31: {  	v2 =	vld [tilespmem:s17+$0xFFFFFFE0]  }
0x32: {  	v4 =	vld [tilespmem:s3+$0x0]  }
0x33: {  	v6 =	vld [tilespmem:s17+$0xFFFFFFF0]  }
0x34: {  	s29 =	simm.s32 $0x18520;
	v8 =	vld [tilespmem:s17+$0x0]  }
0x35: {  	v7 =	vld [tilespmem:s29+$0x0]  }
0x36: {  	v9 =	vld [tilespmem:s29+$0xFFFFFFF0]  }
0x37: {  	v10 =	vld [tilespmem:s17+$0x10]  }
0x38: {  	v11 =	vld [tilespmem:s29+$0xFFFFFFE0]  }
0x39: {  	v12 =	vld.idx.msk [tilespmem:v2+s20+$0x0], $0xffff  }
0x3a: {  	v13 =	vld.idx.msk [tilespmem:v2+s4+$0x0], $0xffff  }
0x3b: {  	v14 =	vld.idx.msk [tilespmem:v6+s20+$0x0], $0xffff  }
0x3c: {  	v15 =	vld.idx.msk [tilespmem:v8+s20+$0x0], $0xffff  }
0x3d: {  	v8 =	vld.idx.msk [tilespmem:v8+s4+$0x0], $0xffff  }
0x3e: {  	v5 =	vld [tilespmem:s29+$0x10]  }
0x3f: {  	v20 =	vld [tilespmem:s3+$0x10];
	s17 =	simm.s32 $0x10060  }
0x40: {  	s0 =	simm.s32 $0x17D60;
	v21 =	vld [tilespmem:s17+$0xFFFFFFE0];
	v11 =	vsub.f32 v12, v11  }
0x41: {  	v2 =	vld [tilespmem:s0+$0xFFFFFFE0];
	v13 =	vsub.f32 v13, v3;
	v14 =	vsub.f32 v14, v9  }
0x42: {  	v12 =	vld.idx.msk [tilespmem:v10+s20+$0x0], $0xffff;
	v15 =	vsub.f32 v15, v7;
	v7 =	vsub.f32 v8, v4  }
0x43: {  	v6 =	vld.idx.msk [tilespmem:v6+s4+$0x0], $0xffff;
	v3 =	vand.u32 $0x80000000, v11;
	vm0 =	vlt.f32 v11, $0.0e+00;
	vm1 =	vgt.f32 v11, $0.0e+00  }
0x44: {  	v16 =	vld.idx.msk [tilespmem:v10+s4+$0x0], $0xffff;
	v17 =	vand.u32 $0x80000000, v14;
	v3 =	vor.u32 v3, v0;
	vm0 =	vmor vm1, vm0  }
0x45: {  	v10 =	vld [tilespmem:s3+$0xFFFFFFF0];
	vm2 =	vlt.f32 v15, $0.0e+00;
	vm1 =	vlt.f32 v14, $0.0e+00;
	v9 =	vsel vm0, v3, v11  }
0x46: {  	v4 =	vld [tilespmem:s0+$0x0];
	v11 =	vsel vm0, $0x3F800000, v1;
	vm0 =	vgt.f32 v14, $0.0e+00;
	v9 =	vsub.f32 $0.0e+00, v9  }
0x47: {  	s3 =	simm.s32 $0x18560;
	v8 =	vld [tilespmem:s17+$0xFFFFFFF0];
	v22 =	vadd.f32 v11, v1;
	v11 =	vor.u32 v17, v0;
	v23 =	vsub.f32 v12, v5  }
0x48: {  	v3 =	vld [tilespmem:s3+$0x10];
	vm0 =	vmor vm0, vm1;
	vm1 =	vgt.f32 v15, $0.0e+00;
	v12 =	vand.u32 $0x80000000, v15  }
0x49: {  	v5 =	vld [tilespmem:s3+$0x0];
	v17 =	vsel vm0, $0x3F800000, v1;
	v14 =	vsel vm0, v11, v14;
	v18 =	vor.u32 v12, v0  }
0x4a: {  	vm0 =	vmor vm1, vm2;
	v9 =	vmul.f32 v9, v13;
	v13 =	vsub.f32 v6, v10;
	v10 =	vld [tilespmem:s17+$0x0]  }
0x4b: {  	v11 =	vld [tilespmem:s17+$0x10];
	vm3 =	vgt.f32 v23, $0.0e+00;
	v12 =	vand.u32 $0x80000000, v23;
	v19 =	vsub.f32 $0.0e+00, v14  }
0x4c: {  	v25 =	vsel vm0, v18, v15;
	v15 =	vsel vm0, $0x3F800000, v1;
	vm0 =	vlt.f32 v23, $0.0e+00;
	v14 =	vld.idx.msk [tilespmem:v21+s20+$0x0], $0xffff  }
0x4d: {  	v16 =	vsub.f32 v16, v20;
	v24 =	vor.u32 v12, v0;
	v12 =	vld [tilespmem:s3+$0xFFFFFFE0];
	vm0 =	vmor vm3, vm0  }
0x4e: {  	v6 =	vmax.f32 v9, $0.0e+00;
	v18 =	vmul.f32 v19, v13;
	v19 =	vsub.f32 $0.0e+00, v25;
	v13 =	vld.idx.msk [tilespmem:v21+s4+$0x0], $0xffff  }
0x4f: {  	s26 =	simm.s32 $0x4;
	s24 =	simm.s32 $0x17D60;
	v17 =	vadd.f32 v17, v22;
	v20 =	vsel vm0, v24, v23;
	v9 =	vadd.f32 v6, v1;
	v6 =	vld [tilespmem:s3+$0xFFFFFFF0]  }
.LBB2_2:
0x50: {  	s26 =	sadd.s32 $0x4, s26;
	v21 =	vld.idx.msk [tilespmem:v8+s20+$0x0], $0xffff;
	s0 =	sadd.s32 $0x40, s0;
	v18 =	vmax.f32 v18, $0.0e+00;
	v7 =	vmul.f32 v19, v7;
	v19 =	vsub.f32 $0.0e+00, v20  }
0x51: {  	v20 =	vld [tilespmem:s0+$0xFFFFFFE0];
	p0 =	slt.u32 s26, $0x78;
	v9 =	vadd.f32 v18, v9;
	v15 =	vadd.f32 v15, v17  }
0x52: {  	v18 =	vsel vm0, $0x3F800000, v1;
	v17 =	vld.idx.msk [tilespmem:v10+s20+$0x0], $0xffff;
	v7 =	vmax.f32 v7, $0.0e+00;
	v16 =	vmul.f32 v19, v16  }
0x53: {  	v10 =	vld.idx.msk [tilespmem:v10+s4+$0x0], $0xffff;
	v7 =	vadd.f32 v7, v9;
	v9 =	vadd.f32 v18, v15  }
0x54: {  	v12 =	vsub.f32 v14, v12;
	v14 =	vld.idx.msk [tilespmem:v11+s20+$0x0], $0xffff;
	v15 =	vmax.f32 v16, $0.0e+00  }
0x55: {  	v13 =	vsub.f32 v13, v2;
	v16 =	vld.idx.msk [tilespmem:v8+s4+$0x0], $0xffff;
	v15 =	vadd.f32 v15, v7  }
0x56: {  	v7 =	vand.u32 $0x80000000, v12;
	vm0 =	vlt.f32 v12, $0.0e+00;
	vm1 =	vgt.f32 v12, $0.0e+00;
	v22 =	vld.idx.msk [tilespmem:v11+s4+$0x0], $0xffff;
	v2 =	vmovc v20  }
0x57: {  	v18 =	vsub.f32 v21, v6;
	v7 =	vor.u32 v7, v0;
	vm0 =	vmor vm1, vm0;
	v11 =	vld [tilespmem:s24+$0xFFFFFFF0]  }
0x58: {  	s3 =	sadd.s32 $0x40, s3;
	v6 =	vsel vm0, v7, v12;
	v8 =	vsel vm0, $0x3F800000, v1;
	v17 =	vsub.f32 v17, v5;
	v20 =	vld [tilespmem:s24+$0x10];
	s24 =	smov.u32 s0  }
0x59: {  	s17 =	sadd.s32 $0x40, s17;
	v5 =	vsub.f32 $0.0e+00, v6;
	v6 =	vand.u32 $0x80000000, v18;
	v7 =	vsub.f32 v10, v4;
	v12 =	vld [tilespmem:s3+$0x10]  }
0x5a: {  	vm0 =	vgt.f32 v18, $0.0e+00;
	v23 =	vadd.f32 v8, v9;
	v19 =	vor.u32 v6, v0;
	v21 =	vld [tilespmem:s17+$0xFFFFFFE0]  }
0x5b: {  	vm1 =	vlt.f32 v18, $0.0e+00;
	v24 =	vsub.f32 v14, v3;
	v6 =	vmul.f32 v5, v13;
	v4 =	vld [tilespmem:s0+$0x0]  }
0x5c: {  	vm0 =	vmor vm0, vm1;
	vm1 =	vgt.f32 v17, $0.0e+00;
	v8 =	vld [tilespmem:s17+$0xFFFFFFF0];
	v13 =	vsub.f32 v16, v11  }
0x5d: {  	vm2 =	vlt.f32 v17, $0.0e+00;
	v6 =	vmax.f32 v6, $0.0e+00;
	v16 =	vsel vm0, $0x3F800000, v1;
	v5 =	vld [tilespmem:s3+$0x0]  }
0x5e: {  	vm3 =	vgt.f32 v24, $0.0e+00;
	v11 =	vand.u32 $0x80000000, v17;
	v9 =	vadd.f32 v6, v15;
	v10 =	vld [tilespmem:s17+$0x0];
	v3 =	vmovc v12  }
.Ltmp0:
0x5f: {  	v14 =	vor.u32 v11, v0;
	v15 =	vand.u32 $0x80000000, v24;
	v12 =	vsel vm0, v19, v18;
	v6 =	vld [tilespmem:s3+$0xFFFFFFF0];
	(pc) =	sbr.rel @p0 .LBB2_2-.Ltmp0, $4  }
0x60: {  	vm0 =	vmor vm1, vm2;
	v25 =	vor.u32 v15, v0;
	v18 =	vsub.f32 $0.0e+00, v12;
	v11 =	vld [tilespmem:s17+$0x10]  }
0x61: {  	v17 =	vsel vm0, v14, v17;
	v15 =	vsel vm0, $0x3F800000, v1;
	vm0 =	vlt.f32 v24, $0.0e+00;
	v12 =	vld [tilespmem:s3+$0xFFFFFFE0]  }
0x62: {  	v19 =	vsub.f32 $0.0e+00, v17;
	vm0 =	vmor vm3, vm0;
	v18 =	vmul.f32 v18, v13;
	v14 =	vld.idx.msk [tilespmem:v21+s20+$0x0], $0xffff  }
0x63: {  	v17 =	vadd.f32 v16, v23;
	v16 =	vsub.f32 v22, v20;
	v20 =	vsel vm0, v25, v24;
	v13 =	vld.idx.msk [tilespmem:v21+s4+$0x0], $0xffff  }
0x64: {  	_ =	sdelay $0x3  }
0x65: {  	v21 =	vld.idx.msk [tilespmem:v8+s20+$0x0], $0xffff  }
0x66: {  	v22 =	vld [tilespmem:$0x107C0]  }
0x67: {  	v23 =	vld.idx.msk [tilespmem:v10+s20+$0x0], $0xffff  }
0x68: {  	v10 =	vld.idx.msk [tilespmem:v10+s4+$0x0], $0xffff  }
0x69: {  	v8 =	vld.idx.msk [tilespmem:v8+s4+$0x0], $0xffff  }
0x6a: {  	v25 =	vld [tilespmem:s24+$0xFFFFFFF0];
	v7 =	vmul.f32 v19, v7;
	v18 =	vmax.f32 v18, $0.0e+00  }
0x6b: {  	v26 =	vld [tilespmem:s24+$0x10];
	v9 =	vadd.f32 v18, v9  }
0x6c: {  	v28 =	vld [tilespmem:$0x184C0];
	v18 =	vsub.f32 $0.0e+00, v20;
	v15 =	vadd.f32 v15, v17;
	v7 =	vmax.f32 v7, $0.0e+00  }
0x6d: {  	v24 =	vld.idx.msk [tilespmem:v11+s20+$0x0], $0xffff;
	v12 =	vsub.f32 v14, v12;
	v7 =	vadd.f32 v7, v9;
	v9 =	vsel vm0, $0x3F800000, v1  }
0x6e: {  	v11 =	vld.idx.msk [tilespmem:v11+s4+$0x0], $0xffff;
	v14 =	vmul.f32 v18, v16;
	v9 =	vadd.f32 v9, v15  }
0x6f: {  	s0 =	simm.s32 $0x0;
	v29 =	vld [tilespmem:$0x18CC0];
	v2 =	vsub.f32 v13, v2;
	vm0 =	vlt.f32 v12, $0.0e+00;
	vm1 =	vgt.f32 v12, $0.0e+00  }
0x70: {  	s3 =	simm.s32 $0x14E20;
	v13 =	vand.u32 $0x80000000, v12;
	v6 =	vsub.f32 v21, v6;
	v5 =	vsub.f32 v23, v5;
	v27 =	vld.idx.msk [tilespmem:v22+s0+$0x0], $0xffff  }
0x71: {  	v14 =	vmax.f32 v14, $0.0e+00;
	v4 =	vsub.f32 v10, v4;
	v8 =	vsub.f32 v8, v25;
	v22 =	vld.idx.msk [tilespmem:v22+s20+$0x0], $0xffff;
	[tilespmem:s15], [sflag:$0x1] =	stream.indirect.gather [hbm4b:s1+s14], $0x1, s3, s14, $0xb8  }
0x72: {  	vm0 =	vmor vm1, vm0;
	v13 =	vor.u32 v13, v0;
	v7 =	vadd.f32 v14, v7  }
0x73: {  	v3 =	vsub.f32 v24, v3;
	v11 =	vsub.f32 v11, v26;
	v12 =	vsel vm0, v13, v12;
	[tilespmem:s16], [sflag:$0x1] =	stream.indirect.gather [hbm4b:s2+s14], $0x1, s3, s14, $0xb8;
	[tilespmem:$0x19E00] =	vst v63  }
0x74: {  	v13 =	vsel vm0, $0x3F800000, v1;
	v15 =	vand.u32 $0x80000000, v6;
	vm0 =	vgt.f32 v6, $0.0e+00;
	_ =	swait.ge [sflag:s25], $0x7D0  }
0x75: {  	vm1 =	vlt.f32 v6, $0.0e+00;
	vm2 =	vlt.f32 v5, $0.0e+00;
	v12 =	vsub.f32 $0.0e+00, v12;
	[sflag:s25] =	ssyncset.done $0x0  }
0x76: {  	v9 =	vadd.f32 v13, v9;
	v10 =	vor.u32 v15, v0;
	vm0 =	vmor vm0, vm1;
	[sflag:s25] =	ssyncadd.s32 $0xFFFFF830  }
0x77: {  	vm1 =	vgt.f32 v5, $0.0e+00;
	vm3 =	vgt.f32 v3, $0.0e+00;
	v15 =	vand.u32 $0x80000000, v3;
	_ =	swait.ge [sflag:s25], $0x7D0  }
0x78: {  	v6 =	vsel vm0, v10, v6;
	v2 =	vmul.f32 v12, v2;
	v12 =	vsel vm0, $0x3F800000, v1;
	[sflag:s25] =	ssyncset.done $0x0  }
0x79: {  	s0 =	sand.u32 $0x7C0, s0;
	v6 =	vsub.f32 $0.0e+00, v6;
	vm0 =	vmor vm1, vm2;
	vm1 =	vlt.f32 v3, $0.0e+00;
	[sflag:s25] =	ssyncadd.s32 $0xFFFFF830  }
0x7a: {  	s24 =	simm.s32 $0x18D20;
	v15 =	vor.u32 v15, v0;
	vm1 =	vmor vm3, vm1;
	v2 =	vmax.f32 v2, $0.0e+00;
	v14 =	vld [tilespmem:s0+$0x10800]  }
0x7b: {  	v6 =	vmul.f32 v6, v8;
	v2 =	vadd.f32 v2, v7;
	v7 =	vand.u32 $0x80000000, v5;
	v13 =	vld [tilespmem:s24+$0xFFFFFFE0]  }
0x7c: {  	s26 =	simm.s32 $0x107F0;
	v8 =	vadd.f32 v12, v9;
	v12 =	vsub.f32 v22, v29;
	v7 =	vor.u32 v7, v0;
	v10 =	vld [tilespmem:s24+$0x10]  }
0x7d: {  	v3 =	vsel vm1, v15, v3;
	v6 =	vmax.f32 v6, $0.0e+00;
	v5 =	vsel vm0, v7, v5;
	v7 =	vld [tilespmem:s26+$0xFFFFFFE0]  }
0x7e: {  	s17 =	simm.s32 $0x19520;
	v15 =	vand.u32 $0x80000000, v12;
	vm2 =	vlt.f32 v12, $0.0e+00;
	vm3 =	vgt.f32 v12, $0.0e+00;
	v17 =	vld [tilespmem:s26+$0x0]  }
0x7f: {  	v5 =	vsub.f32 $0.0e+00, v5;
	v15 =	vor.u32 v15, v0;
	vm2 =	vmor vm3, vm2;
	v18 =	vld [tilespmem:s17+$0x0]  }
0x80: {  	v3 =	vsub.f32 $0.0e+00, v3;
	v2 =	vadd.f32 v6, v2;
	v6 =	vsel vm2, v15, v12;
	v12 =	vld [tilespmem:s17+$0xFFFFFFF0]  }
0x81: {  	v15 =	vld [tilespmem:s17+$0xFFFFFFE0];
	v4 =	vmul.f32 v5, v4  }
0x82: {  	v3 =	vmul.f32 v3, v11;
	v5 =	vld [tilespmem:s17+$0x10]  }
0x83: {  	v11 =	vsub.f32 v27, v28;
	v6 =	vsub.f32 $0.0e+00, v6;
	v4 =	vmax.f32 v4, $0.0e+00;
	v16 =	vld.idx.msk [tilespmem:v14+s20+$0x0], $0xffff  }
0x84: {  	v2 =	vadd.f32 v4, v2;
	v9 =	vld.idx.msk [tilespmem:v14+s4+$0x0], $0xffff  }
0x85: {  	v19 =	vsel vm0, $0x3F800000, v1;
	v3 =	vmax.f32 v3, $0.0e+00;
	v6 =	vmul.f32 v6, v11;
	v14 =	vld [tilespmem:s26+$0xFFFFFFF0]  }
0x86: {  	v8 =	vadd.f32 v19, v8;
	v2 =	vadd.f32 v3, v2;
	v4 =	vld.idx.msk [tilespmem:v7+s20+$0x0], $0xffff  }
0x87: {  	s29 =	simm.s32 $0x40;
	v11 =	vsel vm1, $0x3F800000, v1;
	v6 =	vmax.f32 v6, $0.0e+00;
	v7 =	vld.idx.msk [tilespmem:v7+s4+$0x0], $0xffff  }
0x88: {  	s0 =	sand.u32 $0x7C0, s29;
	v3 =	vadd.f32 v11, v8;
	v20 =	vadd.f32 v6, v2;
	v6 =	vld.idx.msk [tilespmem:v17+s20+$0x0], $0xffff  }
0x89: {  	v8 =	vld [tilespmem:s0+$0x10800];
	s0 =	simm.s32 $0x18D60;
	v2 =	vsel vm2, $0x3F800000, v1  }
0x8a: {  	v11 =	vadd.f32 v2, v3;
	v3 =	vld [tilespmem:s0+$0xFFFFFFE0]  }
0x8b: {  	v5 =	vsub.f32 v16, v5;
	v16 =	vld.idx.msk [tilespmem:v17+s4+$0x0], $0xffff  }
0x8c: {  	v2 =	vsub.f32 v9, v10;
	v9 =	vsub.f32 v4, v15;
	v15 =	vld [tilespmem:s24+$0x0]  }
0x8d: {  	v7 =	vsub.f32 v7, v13;
	v18 =	vsub.f32 v6, v18;
	vm0 =	vlt.f32 v5, $0.0e+00;
	v19 =	vld.idx.msk [tilespmem:v14+s20+$0x0], $0xffff  }
0x8e: {  	vm1 =	vgt.f32 v5, $0.0e+00;
	v4 =	vand.u32 $0x80000000, v5;
	v13 =	vand.u32 $0x80000000, v9;
	v10 =	vld.idx.msk [tilespmem:v14+s4+$0x0], $0xffff  }
0x8f: {  	vm2 =	vlt.f32 v9, $0.0e+00;
	v14 =	vld [tilespmem:s24+$0xFFFFFFF0];
	vm0 =	vmor vm1, vm0;
	vm1 =	vgt.f32 v9, $0.0e+00  }
0x90: {  	s3 =	simm.s32 $0x10830;
	v13 =	vor.u32 v13, v0;
	v17 =	vor.u32 v4, v0;
	v4 =	vld [tilespmem:s0+$0x10];
	vm1 =	vmor vm1, vm2  }
0x91: {  	vm3 =	vgt.f32 v18, $0.0e+00;
	v6 =	vsel vm1, v13, v9;
	v9 =	vsel vm1, $0x3F800000, v1;
	v13 =	vld [tilespmem:s3+$0xFFFFFFE0]  }
0x92: {  	v61 =	vsel vm0, v17, v5;
	v17 =	vadd.f32 v9, v11;
	v9 =	vld.idx.msk [tilespmem:v8+s4+$0x0], $0xffff;
	v12 =	vsub.f32 v19, v12  }
0x93: {  	v62 =	vsub.f32 v16, v15;
	v6 =	vsub.f32 $0.0e+00, v6;
	v11 =	vand.u32 $0x80000000, v18;
	v19 =	vld.idx.msk [tilespmem:v8+s20+$0x0], $0xffff  }
0x94: {  	s17 =	simm.s32 $0x19560;
	v8 =	vld [tilespmem:s3+$0xFFFFFFF0];
	v5 =	vand.u32 $0x80000000, v12;
	vm1 =	vlt.f32 v12, $0.0e+00;
	vm2 =	vgt.f32 v12, $0.0e+00  }
0x95: {  	v15 =	vld [tilespmem:s17+$0x10];
	v14 =	vsub.f32 v10, v14;
	v5 =	vor.u32 v5, v0;
	vm1 =	vmor vm2, vm1  }
0x96: {  	v6 =	vmul.f32 v6, v7;
	v10 =	vld [tilespmem:s3+$0x0];
	vm2 =	vlt.f32 v18, $0.0e+00;
	v7 =	vsel vm1, v5, v12  }
0x97: {  	v11 =	vor.u32 v11, v0;
	vm2 =	vmor vm3, vm2;
	v5 =	vld [tilespmem:s17+$0x0];
	v7 =	vsub.f32 $0.0e+00, v7  }
0x98: {  	v12 =	vmax.f32 v6, $0.0e+00;
	v6 =	vld [tilespmem:s17+$0xFFFFFFF0];
	v63 =	vsel vm1, $0x3F800000, v1;
	v18 =	vsel vm2, v11, v18  }
0x99: {  	v11 =	vld [tilespmem:s17+$0xFFFFFFE0];
	v16 =	vadd.f32 v12, v20;
	v18 =	vsub.f32 $0.0e+00, v18;
	v20 =	vmul.f32 v7, v14  }
0x9a: {  	v12 =	vld.idx.msk [tilespmem:v13+s20+$0x0], $0xffff;
	v14 =	vsel vm2, $0x3F800000, v1;
	v7 =	vsub.f32 v19, v15;
	v15 =	vadd.f32 v63, v17  }
0x9b: {  	s28 =	simm.s32 $0x80;
	s26 =	simm.s32 $0x18D60;
	s24 =	simm.s32 $0x4;
	v13 =	vld.idx.msk [tilespmem:v13+s4+$0x0], $0xffff;
	v17 =	vmul.f32 v18, v62;
	v18 =	vsub.f32 $0.0e+00, v61;
	v19 =	vmax.f32 v20, $0.0e+00  }
.LBB2_4:
0x9c: {  	s29 =	sand.u32 $0x7C0, s28;
	s24 =	sadd.s32 $0x4, s24;
	v20 =	vld.idx.msk [tilespmem:v8+s20+$0x0], $0xffff;
	v16 =	vadd.f32 v19, v16  }
0x9d: {  	v19 =	vld [tilespmem:s29+$0x10800];
	p0 =	slt.u32 s24, $0x78;
	v17 =	vmax.f32 v17, $0.0e+00;
	v18 =	vmul.f32 v18, v2;
	v2 =	vsub.f32 v9, v4  }
0x9e: {  	v14 =	vadd.f32 v14, v15;
	v9 =	vld.idx.msk [tilespmem:v10+s20+$0x0], $0xffff;
	v4 =	vadd.f32 v17, v16  }
0x9f: {  	vm1 =	vlt.f32 v7, $0.0e+00;
	s0 =	sadd.s32 $0x40, s0;
	v16 =	vsel vm0, $0x3F800000, v1;
	v10 =	vld.idx.msk [tilespmem:v10+s4+$0x0], $0xffff;
	v15 =	vmax.f32 v18, $0.0e+00  }
0xa0: {  	vm0 =	vgt.f32 v7, $0.0e+00;
	v11 =	vsub.f32 v12, v11;
	v17 =	vld [tilespmem:s0+$0xFFFFFFE0];
	v12 =	vadd.f32 v15, v4  }
0xa1: {  	v14 =	vadd.f32 v16, v14;
	v13 =	vsub.f32 v13, v3;
	v3 =	vand.u32 $0x80000000, v7;
	v8 =	vld.idx.msk [tilespmem:v8+s4+$0x0], $0xffff  }
0xa2: {  	vm0 =	vmor vm0, vm1;
	v4 =	vand.u32 $0x80000000, v11;
	vm2 =	vlt.f32 v11, $0.0e+00;
	v15 =	vld [tilespmem:s26+$0xFFFFFFF0]  }
0xa3: {  	vm1 =	vgt.f32 v11, $0.0e+00;
	v23 =	vor.u32 v3, v0;
	v16 =	vor.u32 v4, v0;
	v18 =	vld [tilespmem:s26+$0x0];
	s26 =	smov.u32 s0  }
0xa4: {  	v6 =	vsub.f32 v20, v6;
	vm1 =	vmor vm1, vm2;
	v20 =	vsub.f32 v9, v5;
	v4 =	vld [tilespmem:s0+$0x10]  }
0xa5: {  	s3 =	sadd.s32 $0x40, s3;
	v22 =	vsel vm0, v23, v7;
	v5 =	vsel vm1, v16, v11;
	v9 =	vsel vm1, $0x3F800000, v1;
	v21 =	vld.idx.msk [tilespmem:v19+s20+$0x0], $0xffff;
	v3 =	vmovc v17  }
0xa6: {  	v7 =	vand.u32 $0x80000000, v6;
	vm1 =	vlt.f32 v6, $0.0e+00;
	v23 =	vadd.f32 v9, v14;
	v17 =	vld [tilespmem:s3+$0xFFFFFFE0]  }
0xa7: {  	v5 =	vsub.f32 $0.0e+00, v5;
	v7 =	vor.u32 v7, v0;
	v9 =	vld.idx.msk [tilespmem:v19+s4+$0x0], $0xffff;
	v15 =	vsub.f32 v8, v15  }
0xa8: {  	s17 =	sadd.s32 $0x40, s17;
	vm2 =	vgt.f32 v6, $0.0e+00;
	vm3 =	vgt.f32 v20, $0.0e+00;
	v8 =	vld [tilespmem:s3+$0xFFFFFFF0];
	v18 =	vsub.f32 v10, v18  }
0xa9: {  	vm1 =	vmor vm2, vm1;
	vm2 =	vlt.f32 v20, $0.0e+00;
	v11 =	vmul.f32 v5, v13;
	v19 =	vld [tilespmem:s17+$0x10]  }
0xaa: {  	v6 =	vsel vm1, v7, v6;
	v7 =	vand.u32 $0x80000000, v20;
	vm2 =	vmor vm3, vm2;
	v10 =	vld [tilespmem:s3+$0x0]  }
.Ltmp1:
0xab: {  	v24 =	vsub.f32 $0.0e+00, v6;
	v7 =	vor.u32 v7, v0;
	v13 =	vmax.f32 v11, $0.0e+00;
	v5 =	vld [tilespmem:s17+$0x0];
	(pc) =	sbr.rel @p0 .LBB2_4-.Ltmp1, $4  }
0xac: {  	v25 =	vsel vm1, $0x3F800000, v1;
	v7 =	vsel vm2, v7, v20;
	v14 =	vsel vm2, $0x3F800000, v1;
	v6 =	vld [tilespmem:s17+$0xFFFFFFF0]  }
0xad: {  	v16 =	vadd.f32 v13, v12;
	v20 =	vmul.f32 v24, v15;
	v24 =	vsub.f32 $0.0e+00, v7;
	v11 =	vld [tilespmem:s17+$0xFFFFFFE0]  }
0xae: {  	v15 =	vadd.f32 v25, v23;
	v12 =	vld.idx.msk [tilespmem:v17+s20+$0x0], $0xffff;
	v7 =	vsub.f32 v21, v19  }
0xaf: {  	s28 =	sadd.s32 $0x40, s28;
	v19 =	vmax.f32 v20, $0.0e+00;
	v13 =	vld.idx.msk [tilespmem:v17+s4+$0x0], $0xffff;
	v17 =	vmul.f32 v24, v18;
	v18 =	vsub.f32 $0.0e+00, v22  }
0xb0: {  	_ =	sdelay $0x2  }
0xb1: {  	v20 =	vld [tilespmem:$0x10F90]  }
0xb2: {  	v21 =	vld.idx.msk [tilespmem:v8+s20+$0x0], $0xffff  }
0xb3: {  	v22 =	vld.idx.msk [tilespmem:v10+s20+$0x0], $0xffff  }
0xb4: {  	v10 =	vld.idx.msk [tilespmem:v10+s4+$0x0], $0xffff  }
0xb5: {  	v8 =	vld.idx.msk [tilespmem:v8+s4+$0x0], $0xffff  }
0xb6: {  	v23 =	vld [tilespmem:s26+$0xFFFFFFF0]  }
0xb7: {  	v24 =	vld [tilespmem:s26+$0x0]  }
0xb8: {  	v16 =	vadd.f32 v19, v16;
	v19 =	vld [tilespmem:$0x194C0];
	v4 =	vsub.f32 v9, v4  }
0xb9: {  	v14 =	vadd.f32 v14, v15;
	v9 =	vmax.f32 v17, $0.0e+00;
	v2 =	vmul.f32 v18, v2;
	v17 =	vld [tilespmem:$0x19CC0]  }
0xba: {  	s0 =	simm.s32 $0x155F0;
	vm1 =	vlt.f32 v7, $0.0e+00;
	v15 =	vsel vm0, $0x3F800000, v1;
	v9 =	vadd.f32 v9, v16;
	v25 =	vld.idx.msk [tilespmem:v20+s4+$0x0], $0xffff  }
0xbb: {  	vm0 =	vgt.f32 v7, $0.0e+00;
	v2 =	vmax.f32 v2, $0.0e+00;
	v11 =	vsub.f32 v12, v11;
	v20 =	vld.idx.msk [tilespmem:v20+s20+$0x0], $0xffff;
	[tilespmem:s18], [sflag:$0x2] =	stream.indirect.gather [hbm4b:s1+s14], $0x1, s0, s14, $0xb8  }
0xbc: {  	vm0 =	vmor vm0, vm1;
	v12 =	vadd.f32 v15, v14;
	v2 =	vadd.f32 v2, v9  }
0xbd: {  	v3 =	vsub.f32 v13, v3;
	v9 =	vand.u32 $0x80000000, v7;
	v13 =	vand.u32 $0x80000000, v11;
	[tilespmem:s19], [sflag:$0x2] =	stream.indirect.gather [hbm4b:s2+s14], $0x1, s0, s14, $0xb8;
	[tilespmem:$0x19E00] =	vst v63  }
0xbe: {  	vm2 =	vlt.f32 v11, $0.0e+00;
	vm1 =	vgt.f32 v11, $0.0e+00;
	v6 =	vsub.f32 v21, v6;
	_ =	swait.ge [sflag:s23], $0x7D0  }
0xbf: {  	v9 =	vor.u32 v9, v0;
	v5 =	vsub.f32 v22, v5;
	v8 =	vsub.f32 v8, v23;
	[sflag:s23] =	ssyncset.done $0x0  }
0xc0: {  	v13 =	vor.u32 v13, v0;
	vm1 =	vmor vm1, vm2;
	v7 =	vsel vm0, v9, v7;
	[sflag:s23] =	ssyncadd.s32 $0xFFFFF830  }
0xc1: {  	v11 =	vsel vm1, v13, v11;
	v13 =	vsel vm1, $0x3F800000, v1;
	v9 =	vand.u32 $0x80000000, v6;
	_ =	swait.ge [sflag:s23], $0x7D0  }
0xc2: {  	vm1 =	vlt.f32 v6, $0.0e+00;
	vm2 =	vgt.f32 v6, $0.0e+00;
	vm3 =	vgt.f32 v5, $0.0e+00;
	[sflag:s23] =	ssyncset.done $0x0  }
0xc3: {  	s3 =	simm.s32 $0x17D20;
	v11 =	vsub.f32 $0.0e+00, v11;
	v9 =	vor.u32 v9, v0;
	vm2 =	vmor vm2, vm1;
	[sflag:s23] =	ssyncadd.s32 $0xFFFFF830  }
0xc4: {  	s17 =	simm.s32 $0x10FD0;
	vm1 =	vlt.f32 v5, $0.0e+00;
	v6 =	vsel vm2, v9, v6;
	v9 =	vand.u32 $0x80000000, v5;
	v14 =	vld [tilespmem:s3+$0xFFFFFFE0]  }
0xc5: {  	s29 =	simm.s32 $0x18520;
	vm1 =	vmor vm3, vm1;
	v3 =	vmul.f32 v11, v3;
	v9 =	vor.u32 v9, v0;
	v15 =	vld [tilespmem:s17+$0xFFFFFFD0]  }
0xc6: {  	v10 =	vsub.f32 v10, v24;
	v7 =	vsub.f32 $0.0e+00, v7;
	v5 =	vsel vm1, v9, v5;
	v11 =	vld [tilespmem:s29+$0x10]  }
0xc7: {  	v6 =	vsub.f32 $0.0e+00, v6;
	v3 =	vmax.f32 v3, $0.0e+00;
	v5 =	vsub.f32 $0.0e+00, v5;
	v9 =	vld [tilespmem:s17+$0xFFFFFFE0]  }
0xc8: {  	v2 =	vadd.f32 v3, v2;
	v3 =	vsub.f32 v20, v17;
	v17 =	vld [tilespmem:s17+$0xFFFFFFF0]  }
0xc9: {  	v12 =	vadd.f32 v13, v12;
	v6 =	vmul.f32 v6, v8;
	v8 =	vld [tilespmem:s29+$0x0]  }
0xca: {  	v13 =	vsel vm2, $0x3F800000, v1;
	v4 =	vmul.f32 v7, v4;
	v5 =	vmul.f32 v5, v10;
	v10 =	vld [tilespmem:s29+$0xFFFFFFF0]  }
0xcb: {  	v12 =	vadd.f32 v13, v12;
	v6 =	vmax.f32 v6, $0.0e+00;
	v13 =	vand.u32 $0x80000000, v3;
	v18 =	vld [tilespmem:s17+$0x0]  }
0xcc: {  	vm2 =	vlt.f32 v3, $0.0e+00;
	vm3 =	vgt.f32 v3, $0.0e+00;
	v2 =	vadd.f32 v6, v2;
	v20 =	vld [tilespmem:s29+$0xFFFFFFE0]  }
0xcd: {  	v13 =	vor.u32 v13, v0;
	vm2 =	vmor vm3, vm2;
	v5 =	vmax.f32 v5, $0.0e+00;
	v6 =	vld.idx.msk [tilespmem:v15+s20+$0x0], $0xffff  }
0xce: {  	v3 =	vsel vm2, v13, v3;
	v5 =	vadd.f32 v5, v2;
	v13 =	vld.idx.msk [tilespmem:v15+s4+$0x0], $0xffff  }
0xcf: {  	v4 =	vmax.f32 v4, $0.0e+00;
	v7 =	vsub.f32 v25, v19;
	v3 =	vsub.f32 $0.0e+00, v3;
	v19 =	vld.idx.msk [tilespmem:v9+s20+$0x0], $0xffff  }
0xd0: {  	v4 =	vadd.f32 v4, v5;
	v15 =	vsel vm1, $0x3F800000, v1;
	v5 =	vld.idx.msk [tilespmem:v17+s20+$0x0], $0xffff  }
0xd1: {  	s0 =	simm.s32 $0x17D60;
	v16 =	vld [tilespmem:s3+$0x0];
	v3 =	vmul.f32 v3, v7;
	v12 =	vadd.f32 v15, v12  }
0xd2: {  	v2 =	vld [tilespmem:s0+$0xFFFFFFE0];
	v7 =	vsel vm0, $0x3F800000, v1  }
0xd3: {  	v3 =	vmax.f32 v3, $0.0e+00;
	v7 =	vadd.f32 v7, v12;
	v12 =	vld.idx.msk [tilespmem:v17+s4+$0x0], $0xffff  }
0xd4: {  	v15 =	vadd.f32 v3, v4;
	v17 =	vld.idx.msk [tilespmem:v18+s20+$0x0], $0xffff;
	v4 =	vsub.f32 v6, v20  }
0xd5: {  	v3 =	vsel vm2, $0x3F800000, v1;
	v20 =	vld.idx.msk [tilespmem:v18+s4+$0x0], $0xffff;
	v18 =	vsub.f32 v19, v10;
	v19 =	vsub.f32 v5, v8  }
0xd6: {  	v9 =	vld.idx.msk [tilespmem:v9+s4+$0x0], $0xffff;
	v7 =	vadd.f32 v3, v7;
	v13 =	vsub.f32 v13, v14;
	v3 =	vand.u32 $0x80000000, v4  }
0xd7: {  	v14 =	vld [tilespmem:s3+$0xFFFFFFF0];
	vm0 =	vlt.f32 v4, $0.0e+00;
	vm1 =	vgt.f32 v4, $0.0e+00;
	vm2 =	vlt.f32 v19, $0.0e+00  }
0xd8: {  	v21 =	vld [tilespmem:s3+$0x10];
	s17 =	simm.s32 $0x11010;
	v3 =	vor.u32 v3, v0;
	vm0 =	vmor vm1, vm0;
	v6 =	vsub.f32 v12, v16  }
0xd9: {  	v8 =	vld [tilespmem:s17+$0xFFFFFFE0];
	vm1 =	vlt.f32 v18, $0.0e+00;
	v23 =	vsub.f32 v17, v11;
	v4 =	vsel vm0, v3, v4  }
0xda: {  	s3 =	simm.s32 $0x18560;
	v16 =	vld [tilespmem:s17+$0xFFFFFFD0];
	v11 =	vand.u32 $0x80000000, v19;
	v10 =	vsel vm0, $0x3F800000, v1;
	v5 =	vsub.f32 $0.0e+00, v4  }
0xdb: {  	v3 =	vld [tilespmem:s3+$0x10];
	vm0 =	vgt.f32 v18, $0.0e+00;
	v4 =	vand.u32 $0x80000000, v18;
	v22 =	vadd.f32 v10, v7  }
0xdc: {  	v14 =	vsub.f32 v9, v14;
	vm0 =	vmor vm0, vm1;
	v10 =	vld [tilespmem:s17+$0xFFFFFFF0];
	v7 =	vmul.f32 v5, v13  }
0xdd: {  	vm1 =	vgt.f32 v19, $0.0e+00;
	vm3 =	vgt.f32 v23, $0.0e+00;
	v12 =	vor.u32 v4, v0;
	v4 =	vld [tilespmem:s0+$0x0]  }
0xde: {  	v62 =	vsel vm0, $0x3F800000, v1;
	v5 =	vld [tilespmem:s3+$0x0];
	v13 =	vsel vm0, v12, v18;
	v7 =	vmax.f32 v7, $0.0e+00  }
0xdf: {  	v12 =	vld [tilespmem:s17+$0x0];
	v9 =	vadd.f32 v7, v15;
	v15 =	vor.u32 v11, v0;
	v11 =	vand.u32 $0x80000000, v23  }
0xe0: {  	vm0 =	vmor vm1, vm2;
	v17 =	vsub.f32 $0.0e+00, v13;
	v7 =	vld [tilespmem:s3+$0xFFFFFFF0];
	v63 =	vor.u32 v11, v0  }
0xe1: {  	v11 =	vld [tilespmem:s3+$0xFFFFFFE0];
	v18 =	vsel vm0, v15, v19;
	v15 =	vsel vm0, $0x3F800000, v1;
	vm0 =	vlt.f32 v23, $0.0e+00  }
0xe2: {  	v17 =	vmul.f32 v17, v14;
	v13 =	vld.idx.msk [tilespmem:v16+s20+$0x0], $0xffff;
	v19 =	vsub.f32 $0.0e+00, v18;
	vm0 =	vmor vm3, vm0  }
0xe3: {  	s26 =	simm.s32 $0x4;
	s24 =	simm.s32 $0x17D60;
	v14 =	vld.idx.msk [tilespmem:v16+s4+$0x0], $0xffff;
	v16 =	vsub.f32 v20, v21;
	v18 =	vadd.f32 v62, v22;
	v20 =	vsel vm0, v63, v23  }
.LBB2_6:
0xe4: {  	s26 =	sadd.s32 $0x4, s26;
	v21 =	vld.idx.msk [tilespmem:v8+s20+$0x0], $0xffff;
	s0 =	sadd.s32 $0x40, s0;
	v17 =	vmax.f32 v17, $0.0e+00;
	v6 =	vmul.f32 v19, v6;
	v19 =	vsub.f32 $0.0e+00, v20  }
0xe5: {  	v20 =	vld [tilespmem:s0+$0xFFFFFFE0];
	p0 =	slt.u32 s26, $0x78;
	v9 =	vadd.f32 v17, v9;
	v15 =	vadd.f32 v15, v18  }
0xe6: {  	v18 =	vsel vm0, $0x3F800000, v1;
	v17 =	vld.idx.msk [tilespmem:v10+s20+$0x0], $0xffff;
	v6 =	vmax.f32 v6, $0.0e+00;
	v16 =	vmul.f32 v19, v16  }
0xe7: {  	v10 =	vld.idx.msk [tilespmem:v10+s4+$0x0], $0xffff;
	v6 =	vadd.f32 v6, v9;
	v9 =	vadd.f32 v18, v15  }
0xe8: {  	v11 =	vsub.f32 v13, v11;
	v13 =	vld.idx.msk [tilespmem:v12+s20+$0x0], $0xffff;
	v15 =	vmax.f32 v16, $0.0e+00  }
0xe9: {  	v14 =	vsub.f32 v14, v2;
	v16 =	vld.idx.msk [tilespmem:v8+s4+$0x0], $0xffff;
	v15 =	vadd.f32 v15, v6  }
0xea: {  	v6 =	vand.u32 $0x80000000, v11;
	vm0 =	vlt.f32 v11, $0.0e+00;
	vm1 =	vgt.f32 v11, $0.0e+00;
	v22 =	vld.idx.msk [tilespmem:v12+s4+$0x0], $0xffff;
	v2 =	vmovc v20  }
0xeb: {  	v18 =	vsub.f32 v21, v7;
	v6 =	vor.u32 v6, v0;
	vm0 =	vmor vm1, vm0;
	v12 =	vld [tilespmem:s24+$0xFFFFFFF0]  }
0xec: {  	s3 =	sadd.s32 $0x40, s3;
	v6 =	vsel vm0, v6, v11;
	v7 =	vsel vm0, $0x3F800000, v1;
	v17 =	vsub.f32 v17, v5;
	v20 =	vld [tilespmem:s24+$0x10];
	s24 =	smov.u32 s0  }
0xed: {  	s17 =	sadd.s32 $0x40, s17;
	v8 =	vand.u32 $0x80000000, v18;
	v5 =	vsub.f32 $0.0e+00, v6;
	v6 =	vsub.f32 v10, v4;
	v11 =	vld [tilespmem:s3+$0x10]  }
0xee: {  	vm0 =	vgt.f32 v18, $0.0e+00;
	v23 =	vadd.f32 v7, v9;
	v19 =	vor.u32 v8, v0;
	v21 =	vld [tilespmem:s17+$0xFFFFFFD0]  }
0xef: {  	vm1 =	vlt.f32 v18, $0.0e+00;
	v24 =	vsub.f32 v13, v3;
	v7 =	vmul.f32 v5, v14;
	v4 =	vld [tilespmem:s0+$0x0]  }
0xf0: {  	vm0 =	vmor vm0, vm1;
	vm1 =	vgt.f32 v17, $0.0e+00;
	v8 =	vld [tilespmem:s17+$0xFFFFFFE0];
	v14 =	vsub.f32 v16, v12  }
0xf1: {  	vm2 =	vlt.f32 v17, $0.0e+00;
	v7 =	vmax.f32 v7, $0.0e+00;
	v16 =	vsel vm0, $0x3F800000, v1;
	v5 =	vld [tilespmem:s3+$0x0]  }
0xf2: {  	vm3 =	vgt.f32 v24, $0.0e+00;
	v12 =	vand.u32 $0x80000000, v17;
	v9 =	vadd.f32 v7, v15;
	v10 =	vld [tilespmem:s17+$0xFFFFFFF0];
	v3 =	vmovc v11  }
.Ltmp2:
0xf3: {  	v13 =	vor.u32 v12, v0;
	v15 =	vand.u32 $0x80000000, v24;
	v11 =	vsel vm0, v19, v18;
	v7 =	vld [tilespmem:s3+$0xFFFFFFF0];
	(pc) =	sbr.rel @p0 .LBB2_6-.Ltmp2, $4  }
0xf4: {  	vm0 =	vmor vm1, vm2;
	v25 =	vor.u32 v15, v0;
	v18 =	vsub.f32 $0.0e+00, v11;
	v12 =	vld [tilespmem:s17+$0x0]  }
0xf5: {  	v19 =	vsel vm0, v13, v17;
	v15 =	vsel vm0, $0x3F800000, v1;
	vm0 =	vlt.f32 v24, $0.0e+00;
	v11 =	vld [tilespmem:s3+$0xFFFFFFE0]  }
0xf6: {  	v19 =	vsub.f32 $0.0e+00, v19;
	vm0 =	vmor vm3, vm0;
	v17 =	vmul.f32 v18, v14;
	v13 =	vld.idx.msk [tilespmem:v21+s20+$0x0], $0xffff  }
0xf7: {  	v18 =	vadd.f32 v16, v23;
	v16 =	vsub.f32 v22, v20;
	v20 =	vsel vm0, v25, v24;
	v14 =	vld.idx.msk [tilespmem:v21+s4+$0x0], $0xffff  }
0xf8: {  	_ =	sdelay $0x3  }
0xf9: {  	v21 =	vld.idx.msk [tilespmem:v8+s20+$0x0], $0xffff  }
0xfa: {  	v22 =	vld [tilespmem:$0x11760]  }
0xfb: {  	v23 =	vld.idx.msk [tilespmem:v10+s20+$0x0], $0xffff  }
0xfc: {  	v10 =	vld.idx.msk [tilespmem:v10+s4+$0x0], $0xffff  }
0xfd: {  	v8 =	vld.idx.msk [tilespmem:v8+s4+$0x0], $0xffff  }
0xfe: {  	v25 =	vld [tilespmem:s24+$0xFFFFFFF0]  }
0xff: {  	v26 =	vld [tilespmem:s24+$0x10];
	v6 =	vmul.f32 v19, v6;
	v17 =	vmax.f32 v17, $0.0e+00  }
0x100: {  	v28 =	vld [tilespmem:$0x184C0];
	v9 =	vadd.f32 v17, v9  }
0x101: {  	v29 =	vld [tilespmem:$0x18CC0];
	v6 =	vmax.f32 v6, $0.0e+00  }
0x102: {  	v24 =	vld.idx.msk [tilespmem:v12+s20+$0x0], $0xffff;
	v15 =	vadd.f32 v15, v18;
	v6 =	vadd.f32 v6, v9  }
0x103: {  	s0 =	simm.s32 $0x0;
	v12 =	vld.idx.msk [tilespmem:v12+s4+$0x0], $0xffff;
	v17 =	vsel vm0, $0x3F800000, v1;
	v9 =	vsub.f32 $0.0e+00, v20;
	v11 =	vsub.f32 v13, v11  }
0x104: {  	s3 =	simm.s32 $0x15DC0;
	v15 =	vadd.f32 v17, v15;
	v2 =	vsub.f32 v14, v2;
	v27 =	vld.idx.msk [tilespmem:v22+s0+$0x0], $0xffff  }
0x105: {  	v9 =	vmul.f32 v9, v16;
	v7 =	vsub.f32 v21, v7;
	v13 =	vand.u32 $0x80000000, v11;
	v22 =	vld.idx.msk [tilespmem:v22+s20+$0x0], $0xffff;
	[tilespmem:s15], [sflag:$0x1] =	stream.indirect.gather [hbm4b:s1+s14], $0x1, s3, s14, $0xb8  }
0x106: {  	vm0 =	vlt.f32 v11, $0.0e+00;
	vm1 =	vgt.f32 v11, $0.0e+00;
	v5 =	vsub.f32 v23, v5  }
0x107: {  	v4 =	vsub.f32 v10, v4;
	v8 =	vsub.f32 v8, v25;
	v13 =	vor.u32 v13, v0;
	[tilespmem:s16], [sflag:$0x1] =	stream.indirect.gather [hbm4b:s2+s14], $0x1, s3, s14, $0xb8;
	[tilespmem:$0x19E00] =	vst v63  }
0x108: {  	vm0 =	vmor vm1, vm0;
	v3 =	vsub.f32 v24, v3;
	v9 =	vmax.f32 v9, $0.0e+00;
	_ =	swait.ge [sflag:s25], $0x7D0  }
0x109: {  	v14 =	vand.u32 $0x80000000, v7;
	vm1 =	vlt.f32 v7, $0.0e+00;
	vm2 =	vlt.f32 v5, $0.0e+00;
	[sflag:s25] =	ssyncset.done $0x0  }
0x10a: {  	v6 =	vadd.f32 v9, v6;
	v9 =	vsel vm0, v13, v11;
	v11 =	vsel vm0, $0x3F800000, v1;
	[sflag:s25] =	ssyncadd.s32 $0xFFFFF830  }
0x10b: {  	vm0 =	vgt.f32 v7, $0.0e+00;
	vm3 =	vgt.f32 v3, $0.0e+00;
	v9 =	vsub.f32 $0.0e+00, v9;
	_ =	swait.ge [sflag:s25], $0x7D0  }
0x10c: {  	v10 =	vadd.f32 v11, v15;
	v11 =	vor.u32 v14, v0;
	vm0 =	vmor vm0, vm1;
	[sflag:s25] =	ssyncset.done $0x0  }
0x10d: {  	s0 =	sand.u32 $0x7C0, s0;
	vm1 =	vgt.f32 v5, $0.0e+00;
	v15 =	vand.u32 $0x80000000, v3;
	v2 =	vmul.f32 v9, v2;
	[sflag:s25] =	ssyncadd.s32 $0xFFFFF830  }
0x10e: {  	v7 =	vsel vm0, v11, v7;
	v15 =	vor.u32 v15, v0;
	v9 =	vsel vm0, $0x3F800000, v1;
	v13 =	vld [tilespmem:s0+$0x11780]  }
0x10f: {  	s3 =	simm.s32 $0x18D20;
	v7 =	vsub.f32 $0.0e+00, v7;
	vm0 =	vmor vm1, vm2;
	v2 =	vmax.f32 v2, $0.0e+00  }
0x110: {  	s17 =	simm.s32 $0x19520;
	vm1 =	vlt.f32 v3, $0.0e+00;
	v2 =	vadd.f32 v2, v6;
	v6 =	vand.u32 $0x80000000, v5;
	v14 =	vld [tilespmem:s3+$0xFFFFFFE0]  }
0x111: {  	s26 =	simm.s32 $0x117A0;
	vm1 =	vmor vm3, vm1;
	v9 =	vadd.f32 v9, v10;
	v6 =	vor.u32 v6, v0;
	v11 =	vld [tilespmem:s17+$0xFFFFFFF0]  }
0x112: {  	v7 =	vmul.f32 v7, v8;
	v3 =	vsel vm1, v15, v3;
	v5 =	vsel vm0, v6, v5;
	v6 =	vld [tilespmem:s26+$0xFFFFFFD0]  }
0x113: {  	v10 =	vsub.f32 v12, v26;
	v3 =	vsub.f32 $0.0e+00, v3;
	v12 =	vld [tilespmem:s3+$0x10]  }
0x114: {  	v7 =	vmax.f32 v7, $0.0e+00;
	v15 =	vld [tilespmem:s26+$0xFFFFFFF0]  }
0x115: {  	v2 =	vadd.f32 v7, v2;
	v3 =	vmul.f32 v3, v10;
	v10 =	vld [tilespmem:s17+$0xFFFFFFE0]  }
0x116: {  	v7 =	vsub.f32 v22, v29;
	v5 =	vsub.f32 $0.0e+00, v5;
	v16 =	vld.idx.msk [tilespmem:v13+s20+$0x0], $0xffff  }
0x117: {  	v18 =	vsel vm1, $0x3F800000, v1;
	v17 =	vld [tilespmem:s3+$0xFFFFFFF0]  }
0x118: {  	vm2 =	vgt.f32 v7, $0.0e+00;
	v4 =	vmul.f32 v5, v4;
	v8 =	vld.idx.msk [tilespmem:v13+s4+$0x0], $0xffff;
	v13 =	vsel vm0, $0x3F800000, v1  }
0x119: {  	v19 =	vld [tilespmem:s26+$0x0];
	vm0 =	vlt.f32 v7, $0.0e+00;
	v9 =	vadd.f32 v13, v9;
	v13 =	vand.u32 $0x80000000, v7  }
0x11a: {  	v5 =	vld [tilespmem:s17+$0x0];
	v4 =	vmax.f32 v4, $0.0e+00;
	vm1 =	vmor vm2, vm0;
	v13 =	vor.u32 v13, v0  }
0x11b: {  	v4 =	vadd.f32 v4, v2;
	v2 =	vsel vm1, v13, v7;
	v7 =	vsub.f32 v16, v11;
	v11 =	vld.idx.msk [tilespmem:v6+s20+$0x0], $0xffff  }
0x11c: {  	s29 =	simm.s32 $0x40;
	s0 =	simm.s32 $0x18D60;
	v3 =	vmax.f32 v3, $0.0e+00;
	v13 =	vsub.f32 v27, v28;
	v16 =	vsub.f32 $0.0e+00, v2;
	v6 =	vld.idx.msk [tilespmem:v6+s4+$0x0], $0xffff  }
0x11d: {  	s24 =	sand.u32 $0x7C0, s29;
	v2 =	vld [tilespmem:s0+$0xFFFFFFE0];
	v20 =	vand.u32 $0x80000000, v7;
	vm0 =	vlt.f32 v7, $0.0e+00;
	vm2 =	vgt.f32 v7, $0.0e+00  }
0x11e: {  	v13 =	vmul.f32 v16, v13;
	v16 =	vor.u32 v20, v0;
	vm0 =	vmor vm2, vm0;
	v20 =	vld [tilespmem:s24+$0x11780]  }
0x11f: {  	v3 =	vadd.f32 v3, v4;
	v9 =	vadd.f32 v18, v9;
	v4 =	vsel vm0, v16, v7;
	v7 =	vld.idx.msk [tilespmem:v15+s20+$0x0], $0xffff  }
0x120: {  	v8 =	vsub.f32 v8, v17;
	v13 =	vmax.f32 v13, $0.0e+00;
	v15 =	vld.idx.msk [tilespmem:v15+s4+$0x0], $0xffff;
	v4 =	vsub.f32 $0.0e+00, v4  }
0x121: {  	v13 =	vadd.f32 v13, v3;
	v3 =	vsel vm1, $0x3F800000, v1;
	v10 =	vsub.f32 v11, v10;
	v11 =	vld [tilespmem:s17+$0x10]  }
0x122: {  	v6 =	vsub.f32 v6, v14;
	v14 =	vld.idx.msk [tilespmem:v19+s4+$0x0], $0xffff;
	s17 =	simm.s32 $0x117E0;
	v3 =	vadd.f32 v3, v9;
	v4 =	vmul.f32 v4, v8  }
0x123: {  	v61 =	vld [tilespmem:s17+$0xFFFFFFD0];
	v9 =	vand.u32 $0x80000000, v10;
	vm1 =	vlt.f32 v10, $0.0e+00;
	vm2 =	vgt.f32 v10, $0.0e+00  }
0x124: {  	v8 =	vld.idx.msk [tilespmem:v19+s20+$0x0], $0xffff;
	v9 =	vor.u32 v9, v0;
	vm1 =	vmor vm2, vm1;
	v16 =	vmax.f32 v4, $0.0e+00  }
0x125: {  	v4 =	vld [tilespmem:s3+$0x0];
	s3 =	simm.s32 $0x19560;
	v9 =	vsel vm1, v9, v10;
	v10 =	vsel vm1, $0x3F800000, v1;
	v18 =	vsub.f32 v7, v5  }
0x126: {  	v17 =	vld [tilespmem:s3+$0xFFFFFFF0];
	v7 =	vsub.f32 $0.0e+00, v9;
	v3 =	vadd.f32 v10, v3;
	v9 =	vsel vm0, $0x3F800000, v1  }
0x127: {  	v14 =	vsub.f32 v14, v12;
	v19 =	vld.idx.msk [tilespmem:v20+s20+$0x0], $0xffff;
	v10 =	vand.u32 $0x80000000, v18;
	vm0 =	vlt.f32 v18, $0.0e+00  }
0x128: {  	v12 =	vld [tilespmem:s17+$0x0];
	vm1 =	vgt.f32 v18, $0.0e+00;
	v6 =	vmul.f32 v7, v6;
	v9 =	vadd.f32 v9, v3  }
0x129: {  	v5 =	vld.idx.msk [tilespmem:v20+s4+$0x0], $0xffff;
	v20 =	vsub.f32 v8, v11;
	v8 =	vor.u32 v10, v0;
	vm0 =	vmor vm1, vm0  }
0x12a: {  	v3 =	vld [tilespmem:s0+$0x10];
	v10 =	vsel vm0, $0x3F800000, v1;
	v11 =	vsel vm0, v8, v18;
	v62 =	vsub.f32 v15, v4  }
0x12b: {  	v7 =	vld [tilespmem:s17+$0xFFFFFFF0];
	v6 =	vmax.f32 v6, $0.0e+00;
	vm1 =	vgt.f32 v20, $0.0e+00;
	v10 =	vadd.f32 v10, v9  }
0x12c: {  	v4 =	vld [tilespmem:s3+$0x0];
	vm0 =	vlt.f32 v20, $0.0e+00;
	v63 =	vadd.f32 v6, v13;
	v8 =	vsub.f32 v19, v17  }
0x12d: {  	v9 =	vld [tilespmem:s0+$0xFFFFFFF0];
	vm0 =	vmor vm1, vm0;
	v17 =	vsub.f32 $0.0e+00, v11;
	v11 =	vand.u32 $0x80000000, v20  }
0x12e: {  	v6 =	vld [tilespmem:s3+$0xFFFFFFE0];
	v18 =	vor.u32 v11, v0;
	v16 =	vadd.f32 v16, v63;
	v13 =	vand.u32 $0x80000000, v8  }
0x12f: {  	v11 =	vld.idx.msk [tilespmem:v61+s20+$0x0], $0xffff;
	vm1 =	vlt.f32 v8, $0.0e+00;
	vm2 =	vgt.f32 v8, $0.0e+00;
	v18 =	vsel vm0, v18, v20  }
0x130: {  	s28 =	simm.s32 $0x18DA0;
	s26 =	simm.s32 $0x80;
	s24 =	simm.s32 $0x4;
	v17 =	vmul.f32 v17, v62;
	v15 =	vor.u32 v13, v0;
	v13 =	vld.idx.msk [tilespmem:v61+s4+$0x0], $0xffff;
	v18 =	vsub.f32 $0.0e+00, v18  }
.LBB2_8:
0x131: {  	v19 =	vld [tilespmem:s28+$0xFFFFFFE0];
	s29 =	sand.u32 $0x7C0, s26;
	s24 =	sadd.s32 $0x4, s24;
	vm1 =	vmor vm2, vm1;
	v20 =	vsel vm0, $0x3F800000, v1  }
0x132: {  	v21 =	vld [tilespmem:s29+$0x11780];
	p0 =	slt.u32 s24, $0x78;
	v17 =	vmax.f32 v17, $0.0e+00;
	v14 =	vmul.f32 v18, v14;
	v10 =	vadd.f32 v20, v10  }
0x133: {  	v8 =	vsel vm1, v15, v8;
	v15 =	vld.idx.msk [tilespmem:v7+s20+$0x0], $0xffff;
	v16 =	vadd.f32 v17, v16  }
0x134: {  	v5 =	vsub.f32 v5, v9;
	v8 =	vsub.f32 $0.0e+00, v8;
	v7 =	vld.idx.msk [tilespmem:v7+s4+$0x0], $0xffff;
	v9 =	vmax.f32 v14, $0.0e+00  }
0x135: {  	v6 =	vsub.f32 v11, v6;
	v11 =	vld [tilespmem:s3+$0x10];
	v9 =	vadd.f32 v9, v16  }
0x136: {  	v13 =	vsub.f32 v13, v2;
	v5 =	vmul.f32 v8, v5;
	v8 =	vld.idx.msk [tilespmem:v12+s20+$0x0], $0xffff;
	v2 =	vmov v19  }
0x137: {  	v14 =	vand.u32 $0x80000000, v6;
	vm0 =	vlt.f32 v6, $0.0e+00;
	vm2 =	vgt.f32 v6, $0.0e+00;
	v12 =	vld.idx.msk [tilespmem:v12+s4+$0x0], $0xffff  }
0x138: {  	s3 =	sadd.s32 $0x40, s3;
	v14 =	vor.u32 v14, v0;
	vm0 =	vmor vm2, vm0;
	v16 =	vmax.f32 v5, $0.0e+00;
	v17 =	vld [tilespmem:s0+$0x0];
	s0 =	smov.u32 s28  }
0x139: {  	v5 =	vsel vm0, v14, v6;
	v6 =	vsel vm0, $0x3F800000, v1;
	v14 =	vsub.f32 v15, v4;
	v18 =	vld [tilespmem:s3+$0xFFFFFFF0]  }
0x13a: {  	s17 =	sadd.s32 $0x40, s17;
	v4 =	vsub.f32 $0.0e+00, v5;
	v6 =	vadd.f32 v6, v10;
	v10 =	vsel vm1, $0x3F800000, v1;
	v15 =	vld.idx.msk [tilespmem:v21+s20+$0x0], $0xffff  }
0x13b: {  	v20 =	vand.u32 $0x80000000, v14;
	vm0 =	vlt.f32 v14, $0.0e+00;
	vm1 =	vgt.f32 v14, $0.0e+00;
	v19 =	vld [tilespmem:s17+$0xFFFFFFD0]  }
0x13c: {  	v13 =	vmul.f32 v4, v13;
	v10 =	vadd.f32 v10, v6;
	v5 =	vld.idx.msk [tilespmem:v21+s4+$0x0], $0xffff;
	v21 =	vsub.f32 v8, v11  }
0x13d: {  	v6 =	vor.u32 v20, v0;
	vm0 =	vmor vm1, vm0;
	v11 =	vld [tilespmem:s28+$0x10];
	v17 =	vsub.f32 v7, v17  }
0x13e: {  	v8 =	vmax.f32 v13, $0.0e+00;
	v13 =	vsel vm0, $0x3F800000, v1;
	v4 =	vld [tilespmem:s3+$0x0];
	vm1 =	vgt.f32 v21, $0.0e+00  }
0x13f: {  	v14 =	vsel vm0, v6, v14;
	v20 =	vadd.f32 v8, v9;
	vm0 =	vlt.f32 v21, $0.0e+00;
	v7 =	vld [tilespmem:s17+$0xFFFFFFF0]  }
.Ltmp3:
0x140: {  	v10 =	vadd.f32 v13, v10;
	v8 =	vsub.f32 v15, v18;
	vm0 =	vmor vm1, vm0;
	v6 =	vld [tilespmem:s3+$0xFFFFFFE0];
	(pc) =	sbr.rel @p0 .LBB2_8-.Ltmp3, $4  }
0x141: {  	v18 =	vsub.f32 $0.0e+00, v14;
	v14 =	vsub.f32 v12, v3;
	v15 =	vand.u32 $0x80000000, v21;
	v9 =	vld [tilespmem:s28+$0xFFFFFFF0]  }
0x142: {  	v22 =	vor.u32 v15, v0;
	v13 =	vand.u32 $0x80000000, v8;
	vm1 =	vlt.f32 v8, $0.0e+00;
	v12 =	vld [tilespmem:s17+$0x0];
	v3 =	vmovc v11  }
0x143: {  	vm2 =	vgt.f32 v8, $0.0e+00;
	v21 =	vsel vm0, v22, v21;
	v15 =	vor.u32 v13, v0;
	v11 =	vld.idx.msk [tilespmem:v19+s20+$0x0], $0xffff  }
0x144: {  	s26 =	sadd.s32 $0x40, s26;
	v16 =	vadd.f32 v16, v20;
	s28 =	sadd.s32 $0x40, s28;
	v17 =	vmul.f32 v18, v17;
	v18 =	vsub.f32 $0.0e+00, v21;
	v13 =	vld.idx.msk [tilespmem:v19+s4+$0x0], $0xffff  }
0x145: {  	_ =	sdelay $0x2  }
0x146: {  	v19 =	vld [tilespmem:$0x11F30]  }
0x147: {  	v20 =	vld.idx.msk [tilespmem:v7+s20+$0x0], $0xffff  }
0x148: {  	v7 =	vld.idx.msk [tilespmem:v7+s4+$0x0], $0xffff  }
0x149: {  	v21 =	vld [tilespmem:s3+$0x10]  }
0x14a: {  	v23 =	vld [tilespmem:s0+$0x0]  }
0x14b: {  	v25 =	vld [tilespmem:$0x194C0]  }
0x14c: {  	v26 =	vld [tilespmem:$0x19CC0]  }
0x14d: {  	v22 =	vld.idx.msk [tilespmem:v12+s20+$0x0], $0xffff  }
0x14e: {  	v12 =	vld.idx.msk [tilespmem:v12+s4+$0x0], $0xffff  }
0x14f: {  	s26 =	simm.s32 $0x16590;
	v14 =	vmul.f32 v18, v14;
	v18 =	vsel vm0, $0x3F800000, v1;
	v24 =	vld.idx.msk [tilespmem:v19+s4+$0x0], $0xffff  }
0x150: {  	vm0 =	vmor vm2, vm1;
	v17 =	vmax.f32 v17, $0.0e+00;
	v5 =	vsub.f32 v5, v9;
	v19 =	vld.idx.msk [tilespmem:v19+s20+$0x0], $0xffff;
	[tilespmem:s18], [sflag:$0x2] =	stream.indirect.gather [hbm4b:s1+s14], $0x1, s26, s14, $0xb8  }
0x151: {  	v8 =	vsel vm0, v15, v8;
	v15 =	vadd.f32 v17, v16;
	v6 =	vsub.f32 v11, v6  }
0x152: {  	v10 =	vadd.f32 v18, v10;
	v8 =	vsub.f32 $0.0e+00, v8;
	v9 =	vmax.f32 v14, $0.0e+00;
	[tilespmem:s19], [sflag:$0x2] =	stream.indirect.gather [hbm4b:s2+s14], $0x1, s26, s14, $0xb8;
	[tilespmem:$0x19E00] =	vst v63  }
0x153: {  	v9 =	vadd.f32 v9, v15;
	v2 =	vsub.f32 v13, v2;
	v11 =	vand.u32 $0x80000000, v6;
	_ =	swait.ge [sflag:s23], $0x7D0  }
0x154: {  	vm1 =	vlt.f32 v6, $0.0e+00;
	vm2 =	vgt.f32 v6, $0.0e+00;
	v5 =	vmul.f32 v8, v5;
	[sflag:s23] =	ssyncset.done $0x0  }
0x155: {  	v4 =	vsub.f32 v20, v4;
	v8 =	vor.u32 v11, v0;
	vm1 =	vmor vm2, vm1;
	[sflag:s23] =	ssyncadd.s32 $0xFFFFF830  }
0x156: {  	v7 =	vsub.f32 v7, v23;
	v6 =	vsel vm1, v8, v6;
	v8 =	vsel vm1, $0x3F800000, v1;
	_ =	swait.ge [sflag:s23], $0x7D0  }
0x157: {  	v5 =	vmax.f32 v5, $0.0e+00;
	v11 =	vand.u32 $0x80000000, v4;
	v6 =	vsub.f32 $0.0e+00, v6;
	[sflag:s23] =	ssyncset.done $0x0  }
0x158: {  	s28 =	simm.s32 $0x17D20;
	vm1 =	vgt.f32 v4, $0.0e+00;
	v8 =	vadd.f32 v8, v10;
	v10 =	vsel vm0, $0x3F800000, v1;
	[sflag:s23] =	ssyncadd.s32 $0xFFFFF830  }
0x159: {  	s17 =	simm.s32 $0x11F70;
	vm0 =	vlt.f32 v4, $0.0e+00;
	v11 =	vor.u32 v11, v0;
	v2 =	vmul.f32 v6, v2;
	v13 =	vld [tilespmem:s28+$0xFFFFFFE0]  }
0x15a: {  	vm0 =	vmor vm1, vm0;
	v6 =	vadd.f32 v10, v8;
	v10 =	vsub.f32 v22, v21;
	v14 =	vld [tilespmem:s17+$0xFFFFFFD0]  }
0x15b: {  	v3 =	vsub.f32 v12, v3;
	v4 =	vsel vm0, v11, v4;
	v2 =	vmax.f32 v2, $0.0e+00;
	v15 =	vld [tilespmem:s28+$0x0]  }
0x15c: {  	v4 =	vsub.f32 $0.0e+00, v4;
	vm1 =	vgt.f32 v10, $0.0e+00;
	v2 =	vadd.f32 v2, v9;
	v9 =	vld [tilespmem:s17+$0xFFFFFFE0]  }
0x15d: {  	s29 =	simm.s32 $0x18520;
	vm2 =	vlt.f32 v10, $0.0e+00;
	v11 =	vand.u32 $0x80000000, v10;
	v17 =	vsub.f32 v19, v26;
	v18 =	vld [tilespmem:s17+$0xFFFFFFF0]  }
0x15e: {  	vm1 =	vmor vm1, vm2;
	v11 =	vor.u32 v11, v0;
	v4 =	vmul.f32 v4, v7;
	v16 =	vld [tilespmem:s29+$0x0]  }
0x15f: {  	v10 =	vsel vm1, v11, v10;
	v11 =	vand.u32 $0x80000000, v17;
	vm2 =	vlt.f32 v17, $0.0e+00;
	v7 =	vld [tilespmem:s29+$0xFFFFFFF0]  }
0x160: {  	vm3 =	vgt.f32 v17, $0.0e+00;
	v10 =	vsub.f32 $0.0e+00, v10;
	v2 =	vadd.f32 v5, v2;
	v12 =	vld [tilespmem:s17+$0x0]  }
0x161: {  	v4 =	vmax.f32 v4, $0.0e+00;
	v11 =	vor.u32 v11, v0;
	vm2 =	vmor vm3, vm2;
	v19 =	vld [tilespmem:s29+$0xFFFFFFE0]  }
0x162: {  	v5 =	vsel vm2, v11, v17;
	v3 =	vmul.f32 v10, v3;
	v10 =	vsub.f32 v24, v25;
	v11 =	vld.idx.msk [tilespmem:v14+s20+$0x0], $0xffff  }
0x163: {  	v17 =	vsel vm0, $0x3F800000, v1;
	v4 =	vadd.f32 v4, v2;
	v5 =	vsub.f32 $0.0e+00, v5;
	v14 =	vld.idx.msk [tilespmem:v14+s4+$0x0], $0xffff  }
0x164: {  	v6 =	vadd.f32 v17, v6;
	v3 =	vmax.f32 v3, $0.0e+00;
	v20 =	vld.idx.msk [tilespmem:v9+s20+$0x0], $0xffff  }
0x165: {  	v5 =	vmul.f32 v5, v10;
	v10 =	vsel vm1, $0x3F800000, v1;
	v3 =	vadd.f32 v3, v4;
	v4 =	vld.idx.msk [tilespmem:v18+s20+$0x0], $0xffff  }
0x166: {  	v6 =	vadd.f32 v10, v6;
	v10 =	vld.idx.msk [tilespmem:v18+s4+$0x0], $0xffff  }
0x167: {  	v8 =	vld [tilespmem:s29+$0x10];
	v5 =	vmax.f32 v5, $0.0e+00  }
0x168: {  	v17 =	vadd.f32 v5, v3;
	v3 =	vsel vm2, $0x3F800000, v1;
	v9 =	vld.idx.msk [tilespmem:v9+s4+$0x0], $0xffff  }
0x169: {  	v6 =	vadd.f32 v3, v6;
	v21 =	vld.idx.msk [tilespmem:v12+s4+$0x0], $0xffff;
	v5 =	vsub.f32 v11, v19  }
0x16a: {  	v11 =	vld.idx.msk [tilespmem:v12+s20+$0x0], $0xffff;
	v13 =	vsub.f32 v14, v13;
	v14 =	vsub.f32 v20, v7  }
0x16b: {  	s0 =	simm.s32 $0x17D60;
	v12 =	vld [tilespmem:s28+$0xFFFFFFF0];
	v16 =	vsub.f32 v4, v16;
	v7 =	vsub.f32 v10, v15;
	v3 =	vand.u32 $0x80000000, v5  }
0x16c: {  	v2 =	vld [tilespmem:s0+$0xFFFFFFE0];
	s17 =	simm.s32 $0x11FB0;
	vm0 =	vlt.f32 v5, $0.0e+00;
	vm1 =	vgt.f32 v5, $0.0e+00;
	v4 =	vand.u32 $0x80000000, v14  }
0x16d: {  	v22 =	vld [tilespmem:s17+$0xFFFFFFD0];
	vm2 =	vlt.f32 v16, $0.0e+00;
	v3 =	vor.u32 v3, v0;
	vm0 =	vmor vm1, vm0  }
0x16e: {  	v20 =	vld [tilespmem:s28+$0x10];
	v15 =	vor.u32 v4, v0;
	v5 =	vsel vm0, v3, v5;
	v18 =	vsel vm0, $0x3F800000, v1  }
0x16f: {  	v10 =	vld [tilespmem:s17+$0xFFFFFFF0];
	vm1 =	vlt.f32 v14, $0.0e+00;
	v5 =	vsub.f32 $0.0e+00, v5;
	v23 =	vadd.f32 v18, v6  }
0x170: {  	v4 =	vld [tilespmem:s0+$0x0];
	vm0 =	vgt.f32 v14, $0.0e+00;
	v61 =	vsub.f32 v11, v8;
	v18 =	vsub.f32 v9, v12  }
0x171: {  	s3 =	simm.s32 $0x18560;
	v8 =	vld [tilespmem:s17+$0xFFFFFFE0];
	vm0 =	vmor vm0, vm1;
	vm1 =	vgt.f32 v16, $0.0e+00;
	v11 =	vand.u32 $0x80000000, v16  }
0x172: {  	v3 =	vld [tilespmem:s3+$0x10];
	v62 =	vsel vm0, $0x3F800000, v1;
	v12 =	vsel vm0, v15, v14;
	v6 =	vmul.f32 v5, v13  }
0x173: {  	vm0 =	vmor vm1, vm2;
	v5 =	vld [tilespmem:s3+$0x0];
	vm3 =	vgt.f32 v61, $0.0e+00;
	v14 =	vand.u32 $0x80000000, v61  }
0x174: {  	v13 =	vor.u32 v11, v0;
	v11 =	vld [tilespmem:s17+$0x0];
	v63 =	vor.u32 v14, v0;
	v6 =	vmax.f32 v6, $0.0e+00  }
0x175: {  	v14 =	vsel vm0, v13, v16;
	v13 =	vld.idx.msk [tilespmem:v22+s20+$0x0], $0xffff;
	v9 =	vadd.f32 v6, v17;
	v17 =	vsub.f32 $0.0e+00, v12  }
0x176: {  	v15 =	vsel vm0, $0x3F800000, v1;
	vm0 =	vlt.f32 v61, $0.0e+00;
	v19 =	vsub.f32 $0.0e+00, v14;
	v14 =	vld.idx.msk [tilespmem:v22+s4+$0x0], $0xffff  }
0x177: {  	vm0 =	vmor vm3, vm0;
	v6 =	vld [tilespmem:s3+$0xFFFFFFF0];
	v18 =	vmul.f32 v17, v18  }
0x178: {  	s24 =	simm.s32 $0x17D60;
	s26 =	simm.s32 $0x4;
	v16 =	vsub.f32 v21, v20;
	v12 =	vld [tilespmem:s3+$0xFFFFFFE0];
	v20 =	vsel vm0, v63, v61;
	v17 =	vadd.f32 v62, v23  }
.LBB2_10:
0x179: {  	s26 =	sadd.s32 $0x4, s26;
	v21 =	vld.idx.msk [tilespmem:v8+s20+$0x0], $0xffff;
	s0 =	sadd.s32 $0x40, s0;
	v18 =	vmax.f32 v18, $0.0e+00;
	v7 =	vmul.f32 v19, v7;
	v19 =	vsub.f32 $0.0e+00, v20  }
0x17a: {  	v20 =	vld [tilespmem:s0+$0xFFFFFFE0];
	p0 =	slt.u32 s26, $0x78;
	v9 =	vadd.f32 v18, v9;
	v15 =	vadd.f32 v15, v17  }
0x17b: {  	v18 =	vsel vm0, $0x3F800000, v1;
	v17 =	vld.idx.msk [tilespmem:v10+s20+$0x0], $0xffff;
	v7 =	vmax.f32 v7, $0.0e+00;
	v16 =	vmul.f32 v19, v16  }
0x17c: {  	v10 =	vld.idx.msk [tilespmem:v10+s4+$0x0], $0xffff;
	v7 =	vadd.f32 v7, v9;
	v9 =	vadd.f32 v18, v15  }
0x17d: {  	v12 =	vsub.f32 v13, v12;
	v13 =	vld.idx.msk [tilespmem:v11+s20+$0x0], $0xffff;
	v15 =	vmax.f32 v16, $0.0e+00  }
0x17e: {  	v14 =	vsub.f32 v14, v2;
	v16 =	vld.idx.msk [tilespmem:v8+s4+$0x0], $0xffff;
	v15 =	vadd.f32 v15, v7  }
0x17f: {  	v7 =	vand.u32 $0x80000000, v12;
	vm0 =	vlt.f32 v12, $0.0e+00;
	vm1 =	vgt.f32 v12, $0.0e+00;
	v22 =	vld.idx.msk [tilespmem:v11+s4+$0x0], $0xffff;
	v2 =	vmovc v20  }
0x180: {  	v18 =	vsub.f32 v21, v6;
	v7 =	vor.u32 v7, v0;
	vm0 =	vmor vm1, vm0;
	v11 =	vld [tilespmem:s24+$0xFFFFFFF0]  }
0x181: {  	s3 =	sadd.s32 $0x40, s3;
	v6 =	vsel vm0, v7, v12;
	v8 =	vsel vm0, $0x3F800000, v1;
	v17 =	vsub.f32 v17, v5;
	v20 =	vld [tilespmem:s24+$0x10];
	s24 =	smov.u32 s0  }
0x182: {  	s17 =	sadd.s32 $0x40, s17;
	v5 =	vsub.f32 $0.0e+00, v6;
	v6 =	vand.u32 $0x80000000, v18;
	v7 =	vsub.f32 v10, v4;
	v12 =	vld [tilespmem:s3+$0x10]  }
0x183: {  	vm0 =	vgt.f32 v18, $0.0e+00;
	v23 =	vadd.f32 v8, v9;
	v19 =	vor.u32 v6, v0;
	v21 =	vld [tilespmem:s17+$0xFFFFFFD0]  }
0x184: {  	vm1 =	vlt.f32 v18, $0.0e+00;
	v24 =	vsub.f32 v13, v3;
	v6 =	vmul.f32 v5, v14;
	v4 =	vld [tilespmem:s0+$0x0]  }
0x185: {  	vm0 =	vmor vm0, vm1;
	vm1 =	vgt.f32 v17, $0.0e+00;
	v8 =	vld [tilespmem:s17+$0xFFFFFFE0];
	v14 =	vsub.f32 v16, v11  }
0x186: {  	vm2 =	vlt.f32 v17, $0.0e+00;
	v6 =	vmax.f32 v6, $0.0e+00;
	v16 =	vsel vm0, $0x3F800000, v1;
	v5 =	vld [tilespmem:s3+$0x0]  }
0x187: {  	vm3 =	vgt.f32 v24, $0.0e+00;
	v11 =	vand.u32 $0x80000000, v17;
	v9 =	vadd.f32 v6, v15;
	v10 =	vld [tilespmem:s17+$0xFFFFFFF0];
	v3 =	vmovc v12  }
.Ltmp4:
0x188: {  	v13 =	vor.u32 v11, v0;
	v15 =	vand.u32 $0x80000000, v24;
	v12 =	vsel vm0, v19, v18;
	v6 =	vld [tilespmem:s3+$0xFFFFFFF0];
	(pc) =	sbr.rel @p0 .LBB2_10-.Ltmp4, $4  }
0x189: {  	vm0 =	vmor vm1, vm2;
	v25 =	vor.u32 v15, v0;
	v18 =	vsub.f32 $0.0e+00, v12;
	v11 =	vld [tilespmem:s17+$0x0]  }
0x18a: {  	v17 =	vsel vm0, v13, v17;
	v15 =	vsel vm0, $0x3F800000, v1;
	vm0 =	vlt.f32 v24, $0.0e+00;
	v12 =	vld [tilespmem:s3+$0xFFFFFFE0]  }
0x18b: {  	v19 =	vsub.f32 $0.0e+00, v17;
	vm0 =	vmor vm3, vm0;
	v18 =	vmul.f32 v18, v14;
	v13 =	vld.idx.msk [tilespmem:v21+s20+$0x0], $0xffff  }
0x18c: {  	v17 =	vadd.f32 v16, v23;
	v16 =	vsub.f32 v22, v20;
	v20 =	vsel vm0, v25, v24;
	v14 =	vld.idx.msk [tilespmem:v21+s4+$0x0], $0xffff  }
0x18d: {  	_ =	sdelay $0x3  }
0x18e: {  	v21 =	vld.idx.msk [tilespmem:v8+s20+$0x0], $0xffff  }
0x18f: {  	v22 =	vld [tilespmem:$0x12700]  }
0x190: {  	v23 =	vld.idx.msk [tilespmem:v10+s20+$0x0], $0xffff  }
0x191: {  	v10 =	vld.idx.msk [tilespmem:v10+s4+$0x0], $0xffff  }
0x192: {  	v8 =	vld.idx.msk [tilespmem:v8+s4+$0x0], $0xffff  }
0x193: {  	v25 =	vld [tilespmem:s24+$0xFFFFFFF0]  }
0x194: {  	v26 =	vld [tilespmem:s24+$0x10]  }
0x195: {  	v24 =	vld.idx.msk [tilespmem:v11+s20+$0x0], $0xffff  }
0x196: {  	v7 =	vmul.f32 v19, v7;
	v18 =	vmax.f32 v18, $0.0e+00;
	v19 =	vsub.f32 $0.0e+00, v20;
	v11 =	vld.idx.msk [tilespmem:v11+s4+$0x0], $0xffff  }
0x197: {  	v9 =	vadd.f32 v18, v9;
	v18 =	vld [tilespmem:$0x184C0]  }
0x198: {  	v15 =	vadd.f32 v15, v17;
	v17 =	vld [tilespmem:$0x18CC0];
	v7 =	vmax.f32 v7, $0.0e+00;
	v16 =	vmul.f32 v19, v16  }
0x199: {  	v7 =	vadd.f32 v7, v9;
	v9 =	vsub.f32 v13, v12;
	v12 =	vsel vm0, $0x3F800000, v1;
	v27 =	vld.idx.msk [tilespmem:v22+s4+$0x0], $0xffff  }
0x19a: {  	v12 =	vadd.f32 v12, v15;
	v13 =	vmax.f32 v16, $0.0e+00;
	v2 =	vsub.f32 v14, v2;
	v20 =	vld.idx.msk [tilespmem:v22+s20+$0x0], $0xffff;
	[tilespmem:s15], [sflag:$0x1] =	stream.indirect.gather [hbm4b:s1+s14], $0x1, s30, s14, $0xb8  }
0x19b: {  	v14 =	vand.u32 $0x80000000, v9;
	vm0 =	vlt.f32 v9, $0.0e+00;
	v6 =	vsub.f32 v21, v6  }
0x19c: {  	vm1 =	vgt.f32 v9, $0.0e+00;
	v7 =	vadd.f32 v13, v7;
	v5 =	vsub.f32 v23, v5;
	[tilespmem:s16], [sflag:$0x1] =	stream.indirect.gather [hbm4b:s2+s14], $0x1, s30, s14, $0xb8;
	[tilespmem:$0x19E00] =	vst v63  }
0x19d: {  	v4 =	vsub.f32 v10, v4;
	v14 =	vor.u32 v14, v0;
	vm0 =	vmor vm1, vm0;
	_ =	swait.ge [sflag:s25], $0x7D0  }
0x19e: {  	v8 =	vsub.f32 v8, v25;
	v3 =	vsub.f32 v24, v3;
	v9 =	vsel vm0, v14, v9;
	[sflag:s25] =	ssyncset.done $0x0  }
0x19f: {  	v13 =	vsel vm0, $0x3F800000, v1;
	v14 =	vand.u32 $0x80000000, v6;
	vm0 =	vgt.f32 v6, $0.0e+00;
	[sflag:s25] =	ssyncadd.s32 $0xFFFFF830  }
0x1a0: {  	vm1 =	vlt.f32 v6, $0.0e+00;
	vm2 =	vlt.f32 v5, $0.0e+00;
	v9 =	vsub.f32 $0.0e+00, v9;
	_ =	swait.ge [sflag:s25], $0x7D0  }
0x1a1: {  	v10 =	vadd.f32 v13, v12;
	v12 =	vor.u32 v14, v0;
	vm0 =	vmor vm0, vm1;
	[sflag:s25] =	ssyncset.done $0x0  }
0x1a2: {  	s3 =	simm.s32 $0x18D20;
	vm1 =	vgt.f32 v5, $0.0e+00;
	vm3 =	vgt.f32 v3, $0.0e+00;
	v2 =	vmul.f32 v9, v2;
	[sflag:s25] =	ssyncadd.s32 $0xFFFFF830  }
0x1a3: {  	s0 =	simm.s32 $0x19520;
	v15 =	vand.u32 $0x80000000, v3;
	v6 =	vsel vm0, v12, v6;
	v9 =	vsel vm0, $0x3F800000, v1;
	v13 =	vld [tilespmem:s3+$0xFFFFFFE0]  }
0x1a4: {  	s17 =	simm.s32 $0x12740;
	v6 =	vsub.f32 $0.0e+00, v6;
	vm0 =	vmor vm1, vm2;
	v2 =	vmax.f32 v2, $0.0e+00;
	v14 =	vld [tilespmem:s0+$0x10]  }
0x1a5: {  	vm1 =	vlt.f32 v3, $0.0e+00;
	v2 =	vadd.f32 v2, v7;
	v7 =	vand.u32 $0x80000000, v5;
	v12 =	vld [tilespmem:s17+$0xFFFFFFD0]  }
0x1a6: {  	v15 =	vor.u32 v15, v0;
	vm1 =	vmor vm3, vm1;
	v7 =	vor.u32 v7, v0;
	v16 =	vld [tilespmem:s3+$0x0]  }
0x1a7: {  	v6 =	vmul.f32 v6, v8;
	v8 =	vadd.f32 v9, v10;
	v5 =	vsel vm0, v7, v5;
	v7 =	vld [tilespmem:s17+$0xFFFFFFE0]  }
0x1a8: {  	v10 =	vsub.f32 v11, v26;
	v3 =	vsel vm1, v15, v3;
	v11 =	vsub.f32 v20, v17;
	v17 =	vld [tilespmem:s17+$0xFFFFFFF0]  }
0x1a9: {  	v3 =	vsub.f32 $0.0e+00, v3;
	v5 =	vsub.f32 $0.0e+00, v5;
	v9 =	vld [tilespmem:s0+$0x0]  }
0x1aa: {  	v6 =	vmax.f32 v6, $0.0e+00;
	v15 =	vand.u32 $0x80000000, v11;
	vm2 =	vlt.f32 v11, $0.0e+00;
	v19 =	vld [tilespmem:s17+$0x0]  }
0x1ab: {  	vm3 =	vgt.f32 v11, $0.0e+00;
	v2 =	vadd.f32 v6, v2;
	v20 =	vld [tilespmem:s0+$0xFFFFFFE0];
	v4 =	vmul.f32 v5, v4  }
0x1ac: {  	v3 =	vmul.f32 v3, v10;
	v15 =	vor.u32 v15, v0;
	vm2 =	vmor vm3, vm2;
	v5 =	vld [tilespmem:s0+$0xFFFFFFF0]  }
0x1ad: {  	v10 =	vsub.f32 v27, v18;
	v6 =	vsel vm2, v15, v11;
	v4 =	vmax.f32 v4, $0.0e+00;
	v11 =	vld.idx.msk [tilespmem:v12+s20+$0x0], $0xffff  }
0x1ae: {  	v15 =	vsel vm0, $0x3F800000, v1;
	v6 =	vsub.f32 $0.0e+00, v6;
	v4 =	vadd.f32 v4, v2;
	v12 =	vld.idx.msk [tilespmem:v12+s4+$0x0], $0xffff  }
0x1af: {  	v3 =	vmax.f32 v3, $0.0e+00;
	v8 =	vadd.f32 v15, v8;
	v18 =	vld.idx.msk [tilespmem:v7+s20+$0x0], $0xffff  }
0x1b0: {  	v6 =	vmul.f32 v6, v10;
	v10 =	vsel vm1, $0x3F800000, v1;
	v3 =	vadd.f32 v3, v4;
	v4 =	vld.idx.msk [tilespmem:v17+s20+$0x0], $0xffff  }
0x1b1: {  	v8 =	vadd.f32 v10, v8;
	v10 =	vld.idx.msk [tilespmem:v17+s4+$0x0], $0xffff  }
0x1b2: {  	v6 =	vmax.f32 v6, $0.0e+00;
	v15 =	vld.idx.msk [tilespmem:v19+s20+$0x0], $0xffff  }
0x1b3: {  	v6 =	vadd.f32 v6, v3;
	v3 =	vsel vm2, $0x3F800000, v1  }
0x1b4: {  	v21 =	vld [tilespmem:s3+$0x10];
	v8 =	vadd.f32 v3, v8;
	v11 =	vsub.f32 v11, v20  }
0x1b5: {  	v12 =	vsub.f32 v12, v13;
	v13 =	vld.idx.msk [tilespmem:v7+s4+$0x0], $0xffff;
	v18 =	vsub.f32 v18, v5  }
0x1b6: {  	s0 =	simm.s32 $0x18D60;
	v20 =	vld.idx.msk [tilespmem:v19+s4+$0x0], $0xffff;
	v19 =	vsub.f32 v4, v9;
	v7 =	vsub.f32 v10, v16  }
0x1b7: {  	v2 =	vld [tilespmem:s0+$0xFFFFFFE0];
	v23 =	vsub.f32 v15, v14;
	v3 =	vand.u32 $0x80000000, v11;
	vm0 =	vlt.f32 v11, $0.0e+00  }
0x1b8: {  	s17 =	simm.s32 $0x12780;
	v17 =	vld [tilespmem:s3+$0xFFFFFFF0];
	vm1 =	vgt.f32 v11, $0.0e+00;
	v4 =	vand.u32 $0x80000000, v18;
	vm2 =	vlt.f32 v19, $0.0e+00  }
0x1b9: {  	v16 =	vld [tilespmem:s17+$0xFFFFFFD0];
	vm3 =	vgt.f32 v23, $0.0e+00;
	v15 =	vand.u32 $0x80000000, v23;
	v3 =	vor.u32 v3, v0  }
0x1ba: {  	s3 =	simm.s32 $0x19560;
	v10 =	vld [tilespmem:s17+$0xFFFFFFF0];
	vm0 =	vmor vm1, vm0;
	vm1 =	vlt.f32 v18, $0.0e+00;
	v63 =	vor.u32 v15, v0  }
0x1bb: {  	v5 =	vsel vm0, v3, v11;
	v11 =	vsel vm0, $0x3F800000, v1;
	v3 =	vld [tilespmem:s3+$0x10];
	vm0 =	vgt.f32 v18, $0.0e+00  }
0x1bc: {  	v5 =	vsub.f32 $0.0e+00, v5;
	v22 =	vadd.f32 v11, v8;
	v11 =	vor.u32 v4, v0;
	v8 =	vld [tilespmem:s17+$0xFFFFFFE0]  }
0x1bd: {  	v4 =	vld [tilespmem:s0+$0x0];
	v14 =	vsub.f32 v13, v17;
	vm0 =	vmor vm0, vm1;
	vm1 =	vgt.f32 v19, $0.0e+00  }
0x1be: {  	v17 =	vsel vm0, $0x3F800000, v1;
	v11 =	vsel vm0, v11, v18;
	v9 =	vmul.f32 v5, v12;
	v5 =	vld [tilespmem:s3+$0x0]  }
0x1bf: {  	vm0 =	vmor vm1, vm2;
	v12 =	vand.u32 $0x80000000, v19;
	v18 =	vsub.f32 $0.0e+00, v11;
	v11 =	vld [tilespmem:s3+$0xFFFFFFE0]  }
0x1c0: {  	v15 =	vsel vm0, $0x3F800000, v1;
	v17 =	vadd.f32 v17, v22;
	v13 =	vor.u32 v12, v0;
	v12 =	vld [tilespmem:s17+$0x0]  }
0x1c1: {  	v9 =	vmax.f32 v9, $0.0e+00;
	v19 =	vsel vm0, v13, v19;
	vm0 =	vlt.f32 v23, $0.0e+00;
	v13 =	vld.idx.msk [tilespmem:v16+s20+$0x0], $0xffff  }
0x1c2: {  	v18 =	vmul.f32 v18, v14;
	v14 =	vld.idx.msk [tilespmem:v16+s4+$0x0], $0xffff;
	v19 =	vsub.f32 $0.0e+00, v19;
	vm0 =	vmor vm3, vm0  }
0x1c3: {  	s26 =	simm.s32 $0x4;
	s24 =	simm.s32 $0x18D60;
	v16 =	vsub.f32 v20, v21;
	v9 =	vadd.f32 v9, v6;
	v6 =	vld [tilespmem:s3+$0xFFFFFFF0];
	v20 =	vsel vm0, v63, v23  }
.LBB2_12:
0x1c4: {  	s26 =	sadd.s32 $0x4, s26;
	v21 =	vld.idx.msk [tilespmem:v8+s20+$0x0], $0xffff;
	s0 =	sadd.s32 $0x40, s0;
	v18 =	vmax.f32 v18, $0.0e+00;
	v7 =	vmul.f32 v19, v7;
	v19 =	vsub.f32 $0.0e+00, v20  }
0x1c5: {  	v20 =	vld [tilespmem:s0+$0xFFFFFFE0];
	p0 =	slt.u32 s26, $0x78;
	v9 =	vadd.f32 v18, v9;
	v15 =	vadd.f32 v15, v17  }
0x1c6: {  	v18 =	vsel vm0, $0x3F800000, v1;
	v17 =	vld.idx.msk [tilespmem:v10+s20+$0x0], $0xffff;
	v7 =	vmax.f32 v7, $0.0e+00;
	v16 =	vmul.f32 v19, v16  }
0x1c7: {  	v10 =	vld.idx.msk [tilespmem:v10+s4+$0x0], $0xffff;
	v7 =	vadd.f32 v7, v9;
	v9 =	vadd.f32 v18, v15  }
0x1c8: {  	v11 =	vsub.f32 v13, v11;
	v13 =	vld.idx.msk [tilespmem:v12+s20+$0x0], $0xffff;
	v15 =	vmax.f32 v16, $0.0e+00  }
0x1c9: {  	v14 =	vsub.f32 v14, v2;
	v16 =	vld.idx.msk [tilespmem:v8+s4+$0x0], $0xffff;
	v15 =	vadd.f32 v15, v7  }
0x1ca: {  	v7 =	vand.u32 $0x80000000, v11;
	vm0 =	vlt.f32 v11, $0.0e+00;
	vm1 =	vgt.f32 v11, $0.0e+00;
	v22 =	vld.idx.msk [tilespmem:v12+s4+$0x0], $0xffff;
	v2 =	vmovc v20  }
0x1cb: {  	v18 =	vsub.f32 v21, v6;
	v7 =	vor.u32 v7, v0;
	vm0 =	vmor vm1, vm0;
	v12 =	vld [tilespmem:s24+$0xFFFFFFF0]  }
0x1cc: {  	s3 =	sadd.s32 $0x40, s3;
	v6 =	vsel vm0, v7, v11;
	v8 =	vsel vm0, $0x3F800000, v1;
	v17 =	vsub.f32 v17, v5;
	v20 =	vld [tilespmem:s24+$0x10];
	s24 =	smov.u32 s0  }
0x1cd: {  	s17 =	sadd.s32 $0x40, s17;
	v5 =	vsub.f32 $0.0e+00, v6;
	v6 =	vand.u32 $0x80000000, v18;
	v7 =	vsub.f32 v10, v4;
	v11 =	vld [tilespmem:s3+$0x10]  }
0x1ce: {  	vm0 =	vgt.f32 v18, $0.0e+00;
	v23 =	vadd.f32 v8, v9;
	v19 =	vor.u32 v6, v0;
	v21 =	vld [tilespmem:s17+$0xFFFFFFD0]  }
0x1cf: {  	vm1 =	vlt.f32 v18, $0.0e+00;
	v24 =	vsub.f32 v13, v3;
	v6 =	vmul.f32 v5, v14;
	v4 =	vld [tilespmem:s0+$0x0]  }
0x1d0: {  	vm0 =	vmor vm0, vm1;
	vm1 =	vgt.f32 v17, $0.0e+00;
	v8 =	vld [tilespmem:s17+$0xFFFFFFE0];
	v14 =	vsub.f32 v16, v12  }
0x1d1: {  	vm2 =	vlt.f32 v17, $0.0e+00;
	v6 =	vmax.f32 v6, $0.0e+00;
	v16 =	vsel vm0, $0x3F800000, v1;
	v5 =	vld [tilespmem:s3+$0x0]  }
0x1d2: {  	vm3 =	vgt.f32 v24, $0.0e+00;
	v12 =	vand.u32 $0x80000000, v17;
	v9 =	vadd.f32 v6, v15;
	v10 =	vld [tilespmem:s17+$0xFFFFFFF0];
	v3 =	vmovc v11  }
.Ltmp5:
0x1d3: {  	v13 =	vor.u32 v12, v0;
	v15 =	vand.u32 $0x80000000, v24;
	v11 =	vsel vm0, v19, v18;
	v6 =	vld [tilespmem:s3+$0xFFFFFFF0];
	(pc) =	sbr.rel @p0 .LBB2_12-.Ltmp5, $4  }
0x1d4: {  	vm0 =	vmor vm1, vm2;
	v25 =	vor.u32 v15, v0;
	v18 =	vsub.f32 $0.0e+00, v11;
	v12 =	vld [tilespmem:s17+$0x0]  }
0x1d5: {  	v17 =	vsel vm0, v13, v17;
	v15 =	vsel vm0, $0x3F800000, v1;
	vm0 =	vlt.f32 v24, $0.0e+00;
	v11 =	vld [tilespmem:s3+$0xFFFFFFE0]  }
0x1d6: {  	v19 =	vsub.f32 $0.0e+00, v17;
	vm0 =	vmor vm3, vm0;
	v18 =	vmul.f32 v18, v14;
	v13 =	vld.idx.msk [tilespmem:v21+s20+$0x0], $0xffff  }
0x1d7: {  	v17 =	vadd.f32 v16, v23;
	v16 =	vsub.f32 v22, v20;
	v20 =	vsel vm0, v25, v24;
	v14 =	vld.idx.msk [tilespmem:v21+s4+$0x0], $0xffff  }
0x1d8: {  	_ =	sdelay $0x3  }
0x1d9: {  	v21 =	vld.idx.msk [tilespmem:v8+s20+$0x0], $0xffff  }
0x1da: {  	v22 =	vld [tilespmem:$0x12ED0]  }
0x1db: {  	v23 =	vld.idx.msk [tilespmem:v10+s20+$0x0], $0xffff  }
0x1dc: {  	v10 =	vld.idx.msk [tilespmem:v10+s4+$0x0], $0xffff  }
0x1dd: {  	v8 =	vld.idx.msk [tilespmem:v8+s4+$0x0], $0xffff  }
0x1de: {  	v25 =	vld [tilespmem:s24+$0xFFFFFFF0];
	v7 =	vmul.f32 v19, v7;
	v18 =	vmax.f32 v18, $0.0e+00;
	v19 =	vsub.f32 $0.0e+00, v20  }
0x1df: {  	v26 =	vld [tilespmem:s24+$0x10];
	v9 =	vadd.f32 v18, v9  }
0x1e0: {  	v28 =	vld [tilespmem:$0x194C0];
	v15 =	vadd.f32 v15, v17;
	v16 =	vmul.f32 v19, v16;
	v7 =	vmax.f32 v7, $0.0e+00  }
0x1e1: {  	v29 =	vld [tilespmem:$0x19CC0];
	v7 =	vadd.f32 v7, v9;
	v9 =	vsub.f32 v13, v11;
	v11 =	vsel vm0, $0x3F800000, v1  }
0x1e2: {  	v24 =	vld.idx.msk [tilespmem:v12+s20+$0x0], $0xffff;
	v11 =	vadd.f32 v11, v15  }
0x1e3: {  	s0 =	simm.s32 $0x0;
	v12 =	vld.idx.msk [tilespmem:v12+s4+$0x0], $0xffff;
	v13 =	vmax.f32 v16, $0.0e+00;
	v2 =	vsub.f32 v14, v2;
	v14 =	vand.u32 $0x80000000, v9  }
0x1e4: {  	vm0 =	vlt.f32 v9, $0.0e+00;
	v6 =	vsub.f32 v21, v6;
	v7 =	vadd.f32 v13, v7;
	v27 =	vld.idx.msk [tilespmem:v22+s0+$0x0], $0xffff  }
0x1e5: {  	vm1 =	vgt.f32 v9, $0.0e+00;
	v5 =	vsub.f32 v23, v5;
	v4 =	vsub.f32 v10, v4;
	v22 =	vld.idx.msk [tilespmem:v22+s20+$0x0], $0xffff;
	[tilespmem:s18], [sflag:$0x2] =	stream.indirect.gather [hbm4b:s1+s14], $0x1, s31, s14, $0xb8  }
0x1e6: {  	v8 =	vsub.f32 v8, v25;
	v14 =	vor.u32 v14, v0;
	vm0 =	vmor vm1, vm0  }
0x1e7: {  	v3 =	vsub.f32 v24, v3;
	v9 =	vsel vm0, v14, v9;
	v13 =	vsel vm0, $0x3F800000, v1;
	[tilespmem:s19], [sflag:$0x2] =	stream.indirect.gather [hbm4b:s2+s14], $0x1, s31, s14, $0xb8;
	[tilespmem:$0x19E00] =	vst v63  }
0x1e8: {  	v14 =	vand.u32 $0x80000000, v6;
	vm0 =	vgt.f32 v6, $0.0e+00;
	vm1 =	vlt.f32 v6, $0.0e+00;
	_ =	swait.ge [sflag:s23], $0x7D0  }
0x1e9: {  	vm2 =	vlt.f32 v5, $0.0e+00;
	v9 =	vsub.f32 $0.0e+00, v9;
	v10 =	vadd.f32 v13, v11;
	[sflag:s23] =	ssyncset.done $0x0  }
0x1ea: {  	v11 =	vor.u32 v14, v0;
	vm0 =	vmor vm0, vm1;
	vm1 =	vgt.f32 v5, $0.0e+00;
	[sflag:s23] =	ssyncadd.s32 $0xFFFFF830  }
0x1eb: {  	vm3 =	vgt.f32 v3, $0.0e+00;
	v14 =	vand.u32 $0x80000000, v3;
	v6 =	vsel vm0, v11, v6;
	_ =	swait.ge [sflag:s23], $0x7D0  }
0x1ec: {  	v14 =	vor.u32 v14, v0;
	v2 =	vmul.f32 v9, v2;
	v6 =	vsub.f32 $0.0e+00, v6;
	[sflag:s23] =	ssyncset.done $0x0  }
0x1ed: {  	s0 =	sand.u32 $0x7C0, s0;
	v9 =	vsel vm0, $0x3F800000, v1;
	vm0 =	vmor vm1, vm2;
	vm1 =	vlt.f32 v3, $0.0e+00;
	[sflag:s23] =	ssyncadd.s32 $0xFFFFF830  }
0x1ee: {  	vm1 =	vmor vm3, vm1;
	v2 =	vmax.f32 v2, $0.0e+00;
	v6 =	vmul.f32 v6, v8;
	v15 =	vld [tilespmem:s0+$0x12F00]  }
0x1ef: {  	s3 =	simm.s32 $0x12F10;
	v8 =	vadd.f32 v9, v10;
	v2 =	vadd.f32 v2, v7;
	v7 =	vand.u32 $0x80000000, v5  }
0x1f0: {  	s28 =	simm.s32 $0x18520;
	v10 =	vsub.f32 v12, v26;
	v12 =	vsub.f32 v22, v29;
	v7 =	vor.u32 v7, v0;
	v16 =	vld [tilespmem:s3+$0xFFFFFFD0]  }
0x1f1: {  	v3 =	vsel vm1, v14, v3;
	v6 =	vmax.f32 v6, $0.0e+00;
	v5 =	vsel vm0, v7, v5;
	v13 =	vld [tilespmem:s28+$0x0]  }
0x1f2: {  	v14 =	vand.u32 $0x80000000, v12;
	vm2 =	vlt.f32 v12, $0.0e+00;
	vm3 =	vgt.f32 v12, $0.0e+00;
	v9 =	vld [tilespmem:s3+$0xFFFFFFE0]  }
0x1f3: {  	v5 =	vsub.f32 $0.0e+00, v5;
	v14 =	vor.u32 v14, v0;
	vm2 =	vmor vm3, vm2;
	v17 =	vld [tilespmem:s28+$0xFFFFFFE0]  }
0x1f4: {  	s17 =	simm.s32 $0x17D20;
	v2 =	vadd.f32 v6, v2;
	v6 =	vsel vm2, v14, v12;
	v12 =	vld [tilespmem:s3+$0x0]  }
0x1f5: {  	v3 =	vsub.f32 $0.0e+00, v3;
	v4 =	vmul.f32 v5, v4;
	v5 =	vld [tilespmem:s17+$0xFFFFFFF0]  }
0x1f6: {  	v11 =	vld.idx.msk [tilespmem:v15+s20+$0x0], $0xffff  }
0x1f7: {  	v3 =	vmul.f32 v3, v10;
	v7 =	vld.idx.msk [tilespmem:v15+s4+$0x0], $0xffff  }
0x1f8: {  	v10 =	vsub.f32 v27, v28;
	v6 =	vsub.f32 $0.0e+00, v6;
	v4 =	vmax.f32 v4, $0.0e+00;
	v14 =	vld.idx.msk [tilespmem:v16+s20+$0x0], $0xffff  }
0x1f9: {  	v19 =	vsel vm0, $0x3F800000, v1;
	v2 =	vadd.f32 v4, v2;
	v4 =	vld.idx.msk [tilespmem:v16+s4+$0x0], $0xffff  }
0x1fa: {  	v8 =	vadd.f32 v19, v8;
	v6 =	vmul.f32 v6, v10;
	v10 =	vld.idx.msk [tilespmem:v9+s20+$0x0], $0xffff  }
0x1fb: {  	v16 =	vsel vm1, $0x3F800000, v1;
	v9 =	vld.idx.msk [tilespmem:v9+s4+$0x0], $0xffff  }
0x1fc: {  	s29 =	simm.s32 $0x40;
	v3 =	vmax.f32 v3, $0.0e+00;
	v8 =	vadd.f32 v16, v8;
	v16 =	vld [tilespmem:s17+$0x0]  }
0x1fd: {  	v18 =	vld [tilespmem:s17+$0x10];
	s3 =	sand.u32 $0x7C0, s29;
	v2 =	vadd.f32 v3, v2  }
0x1fe: {  	v6 =	vmax.f32 v6, $0.0e+00;
	v3 =	vld [tilespmem:s3+$0x12F00]  }
0x1ff: {  	v6 =	vadd.f32 v6, v2;
	v2 =	vsel vm2, $0x3F800000, v1;
	v13 =	vsub.f32 v11, v13;
	v11 =	vld [tilespmem:s17+$0xFFFFFFE0]  }
0x200: {  	s0 =	simm.s32 $0x18560;
	v2 =	vadd.f32 v2, v8;
	v8 =	vsub.f32 v14, v17;
	v14 =	vld [tilespmem:s28+$0xFFFFFFF0]  }
0x201: {  	v22 =	vld [tilespmem:s0+$0x0];
	v9 =	vsub.f32 v9, v5;
	v7 =	vsub.f32 v7, v16;
	v17 =	vand.u32 $0x80000000, v13  }
0x202: {  	v15 =	vld [tilespmem:s28+$0x10];
	vm0 =	vlt.f32 v13, $0.0e+00;
	vm1 =	vgt.f32 v13, $0.0e+00;
	v19 =	vand.u32 $0x80000000, v8  }
0x203: {  	v20 =	vld.idx.msk [tilespmem:v12+s20+$0x0], $0xffff;
	vm2 =	vgt.f32 v8, $0.0e+00;
	vm0 =	vmor vm1, vm0;
	vm1 =	vlt.f32 v8, $0.0e+00  }
0x204: {  	s3 =	simm.s32 $0x12F50;
	v21 =	vld.idx.msk [tilespmem:v12+s4+$0x0], $0xffff;
	v19 =	vor.u32 v19, v0;
	vm1 =	vmor vm2, vm1;
	v12 =	vsub.f32 v4, v11  }
0x205: {  	v23 =	vld [tilespmem:s3+$0xFFFFFFD0];
	v4 =	vsel vm1, v19, v8;
	v8 =	vsel vm1, $0x3F800000, v1;
	v14 =	vsub.f32 v10, v14  }
0x206: {  	v16 =	vld.idx.msk [tilespmem:v3+s20+$0x0], $0xffff;
	v17 =	vor.u32 v17, v0;
	v10 =	vsub.f32 $0.0e+00, v4;
	v11 =	vadd.f32 v8, v2  }
0x207: {  	v2 =	vsel vm0, v17, v13;
	v4 =	vld.idx.msk [tilespmem:v3+s4+$0x0], $0xffff;
	v3 =	vand.u32 $0x80000000, v14;
	vm1 =	vlt.f32 v14, $0.0e+00  }
0x208: {  	v8 =	vld [tilespmem:s3+$0xFFFFFFE0];
	v13 =	vsub.f32 $0.0e+00, v2;
	vm2 =	vgt.f32 v14, $0.0e+00;
	v63 =	vmul.f32 v10, v12  }
0x209: {  	s17 =	simm.s32 $0x17D60;
	v5 =	vld [tilespmem:s0+$0x10];
	v12 =	vsub.f32 v20, v15;
	v15 =	vor.u32 v3, v0;
	vm1 =	vmor vm2, vm1  }
0x20a: {  	v17 =	vsel vm0, $0x3F800000, v1;
	v2 =	vld [tilespmem:s17+$0x10];
	v10 =	vmul.f32 v13, v7;
	v13 =	vsel vm1, v15, v14  }
0x20b: {  	v3 =	vld [tilespmem:s17+$0xFFFFFFF0];
	v7 =	vsub.f32 v16, v22;
	v19 =	vsel vm1, $0x3F800000, v1;
	v16 =	vsub.f32 v21, v18  }
0x20c: {  	v14 =	vld [tilespmem:s0+$0xFFFFFFE0];
	vm2 =	vgt.f32 v12, $0.0e+00;
	v13 =	vsub.f32 $0.0e+00, v13;
	vm3 =	vlt.f32 v12, $0.0e+00  }
0x20d: {  	v15 =	vld [tilespmem:s3+$0x0];
	v21 =	vand.u32 $0x80000000, v12;
	vm1 =	vmor vm2, vm3;
	v22 =	vand.u32 $0x80000000, v7  }
0x20e: {  	v18 =	vld.idx.msk [tilespmem:v23+s20+$0x0], $0xffff;
	vm0 =	vlt.f32 v7, $0.0e+00;
	vm2 =	vgt.f32 v7, $0.0e+00;
	v20 =	vmul.f32 v13, v9  }
0x20f: {  	s24 =	simm.s32 $0x4;
	s26 =	simm.s32 $0x80;
	v13 =	vld.idx.msk [tilespmem:v23+s4+$0x0], $0xffff;
	v9 =	vor.u32 v22, v0;
	vm0 =	vmor vm2, vm0;
	v22 =	vmax.f32 v63, $0.0e+00  }
.LBB2_14:
0x210: {  	s28 =	sand.u32 $0x7C0, s26;
	s24 =	sadd.s32 $0x4, s24;
	v23 =	vld.idx.msk [tilespmem:v8+s20+$0x0], $0xffff;
	v11 =	vadd.f32 v19, v11;
	v19 =	vor.u32 v21, v0;
	v21 =	vsel vm1, $0x3F800000, v1  }
0x211: {  	v6 =	vadd.f32 v22, v6;
	v24 =	vld [tilespmem:s28+$0x12F00];
	p0 =	slt.u32 s24, $0x78;
	v12 =	vsel vm1, v19, v12  }
0x212: {  	v20 =	vmax.f32 v20, $0.0e+00;
	v19 =	vld [tilespmem:s17+$0x0];
	v11 =	vadd.f32 v17, v11;
	v12 =	vsub.f32 $0.0e+00, v12  }
0x213: {  	v6 =	vadd.f32 v20, v6;
	v17 =	vld [tilespmem:s17+$0xFFFFFFE0]  }
0x214: {  	v10 =	vmax.f32 v10, $0.0e+00;
	v14 =	vsub.f32 v18, v14;
	v18 =	vld [tilespmem:s0+$0xFFFFFFF0];
	v12 =	vmul.f32 v12, v16  }
0x215: {  	v6 =	vadd.f32 v10, v6;
	v16 =	vld.idx.msk [tilespmem:v8+s4+$0x0], $0xffff;
	v8 =	vadd.f32 v21, v11  }
0x216: {  	v10 =	vand.u32 $0x80000000, v14;
	vm1 =	vlt.f32 v14, $0.0e+00;
	v20 =	vld.idx.msk [tilespmem:v15+s20+$0x0], $0xffff;
	v11 =	vmax.f32 v12, $0.0e+00  }
0x217: {  	s0 =	sadd.s32 $0x40, s0;
	vm2 =	vgt.f32 v14, $0.0e+00;
	v10 =	vor.u32 v10, v0;
	v21 =	vld.idx.msk [tilespmem:v15+s4+$0x0], $0xffff;
	v6 =	vadd.f32 v11, v6  }
0x218: {  	vm1 =	vmor vm2, vm1;
	v15 =	vld [tilespmem:s0+$0x0];
	v12 =	vsub.f32 v13, v17;
	v13 =	vsub.f32 v4, v19  }
0x219: {  	s3 =	sadd.s32 $0x40, s3;
	v4 =	vsel vm1, v10, v14;
	v10 =	vsel vm1, $0x3F800000, v1;
	v17 =	vld.idx.msk [tilespmem:v24+s20+$0x0], $0xffff;
	v14 =	vsub.f32 v23, v18  }
0x21a: {  	v7 =	vsel vm0, v9, v7;
	v18 =	vsub.f32 $0.0e+00, v4;
	v11 =	vadd.f32 v10, v8;
	v22 =	vld [tilespmem:s3+$0xFFFFFFD0]  }
0x21b: {  	v7 =	vsub.f32 $0.0e+00, v7;
	v4 =	vld.idx.msk [tilespmem:v24+s4+$0x0], $0xffff;
	v9 =	vand.u32 $0x80000000, v14;
	vm1 =	vlt.f32 v14, $0.0e+00  }
0x21c: {  	s17 =	sadd.s32 $0x40, s17;
	v23 =	vmul.f32 v18, v12;
	vm2 =	vgt.f32 v14, $0.0e+00;
	v12 =	vsub.f32 v20, v5;
	v8 =	vld [tilespmem:s3+$0xFFFFFFE0]  }
0x21d: {  	v10 =	vmul.f32 v7, v13;
	v5 =	vor.u32 v9, v0;
	vm1 =	vmor vm2, vm1;
	v24 =	vld [tilespmem:s17+$0x10]  }
0x21e: {  	v9 =	vsub.f32 v16, v3;
	v13 =	vsel vm1, v5, v14;
	vm2 =	vgt.f32 v12, $0.0e+00;
	v3 =	vld [tilespmem:s17+$0xFFFFFFF0]  }
.Ltmp6:
0x21f: {  	vm3 =	vlt.f32 v12, $0.0e+00;
	v7 =	vsub.f32 v17, v15;
	v13 =	vsub.f32 $0.0e+00, v13;
	v5 =	vld [tilespmem:s0+$0x10];
	(pc) =	sbr.rel @p0 .LBB2_14-.Ltmp6, $4  }
0x220: {  	v19 =	vsel vm1, $0x3F800000, v1;
	v17 =	vsel vm0, $0x3F800000, v1;
	vm1 =	vmor vm2, vm3;
	v14 =	vld [tilespmem:s0+$0xFFFFFFE0]  }
0x221: {  	v16 =	vsub.f32 v21, v2;
	v21 =	vand.u32 $0x80000000, v12;
	v25 =	vand.u32 $0x80000000, v7;
	v15 =	vld [tilespmem:s3+$0x0]  }
0x222: {  	vm0 =	vlt.f32 v7, $0.0e+00;
	vm2 =	vgt.f32 v7, $0.0e+00;
	v20 =	vmul.f32 v13, v9;
	v18 =	vld.idx.msk [tilespmem:v22+s20+$0x0], $0xffff;
	v2 =	vmovc v24  }
0x223: {  	s26 =	sadd.s32 $0x40, s26;
	v9 =	vor.u32 v25, v0;
	vm0 =	vmor vm2, vm0;
	v13 =	vld.idx.msk [tilespmem:v22+s4+$0x0], $0xffff;
	v22 =	vmax.f32 v23, $0.0e+00  }
0x224: {  	_ =	sdelay $0x2  }
0x225: {  	v23 =	vld [tilespmem:$0x136A0]  }
0x226: {  	v24 =	vld.idx.msk [tilespmem:v8+s20+$0x0], $0xffff  }
0x227: {  	v25 =	vld [tilespmem:s17+$0x0]  }
0x228: {  	v26 =	vld [tilespmem:s17+$0xFFFFFFE0]  }
0x229: {  	v27 =	vld [tilespmem:s0+$0xFFFFFFF0];
	v11 =	vadd.f32 v19, v11;
	v19 =	vor.u32 v21, v0  }
0x22a: {  	v8 =	vld.idx.msk [tilespmem:v8+s4+$0x0], $0xffff;
	v6 =	vadd.f32 v22, v6;
	v12 =	vsel vm1, v19, v12  }
0x22b: {  	v19 =	vmax.f32 v20, $0.0e+00;
	v21 =	vld.idx.msk [tilespmem:v15+s20+$0x0], $0xffff;
	v12 =	vsub.f32 $0.0e+00, v12  }
0x22c: {  	v10 =	vmax.f32 v10, $0.0e+00;
	v15 =	vld.idx.msk [tilespmem:v15+s4+$0x0], $0xffff;
	v11 =	vadd.f32 v17, v11;
	v6 =	vadd.f32 v19, v6  }
0x22d: {  	v19 =	vsel vm1, $0x3F800000, v1;
	v14 =	vsub.f32 v18, v14;
	v12 =	vmul.f32 v12, v16;
	v16 =	vld [tilespmem:$0x184C0]  }
0x22e: {  	v7 =	vsel vm0, v9, v7;
	v6 =	vadd.f32 v10, v6;
	v10 =	vadd.f32 v19, v11;
	v11 =	vld [tilespmem:$0x18CC0]  }
0x22f: {  	v7 =	vsub.f32 $0.0e+00, v7;
	v19 =	vand.u32 $0x80000000, v14;
	vm1 =	vlt.f32 v14, $0.0e+00;
	v17 =	vld.idx.msk [tilespmem:v23+s4+$0x0], $0xffff  }
0x230: {  	vm2 =	vgt.f32 v14, $0.0e+00;
	v4 =	vsub.f32 v4, v25;
	v3 =	vsub.f32 v8, v3;
	v18 =	vld.idx.msk [tilespmem:v23+s20+$0x0], $0xffff;
	_ =	swait.ge [sflag:s25], $0x7D0  }
0x231: {  	v12 =	vmax.f32 v12, $0.0e+00;
	v19 =	vor.u32 v19, v0;
	vm1 =	vmor vm2, vm1;
	[sflag:s25] =	ssyncset.done $0x0  }
0x232: {  	v6 =	vadd.f32 v12, v6;
	v12 =	vsub.f32 v13, v26;
	v13 =	vsel vm1, v19, v14;
	[sflag:s25] =	ssyncadd.s32 $0xFFFFF830  }
0x233: {  	v14 =	vsel vm1, $0x3F800000, v1;
	v19 =	vsub.f32 v24, v27;
	v5 =	vsub.f32 v21, v5;
	_ =	swait.ge [sflag:s25], $0x7D0  }
0x234: {  	v4 =	vmul.f32 v7, v4;
	v2 =	vsub.f32 v15, v2;
	v13 =	vsub.f32 $0.0e+00, v13;
	[sflag:s25] =	ssyncset.done $0x0  }
0x235: {  	s3 =	simm.s32 $0x18D20;
	v10 =	vadd.f32 v14, v10;
	v9 =	vand.u32 $0x80000000, v19;
	vm1 =	vlt.f32 v19, $0.0e+00;
	[sflag:s25] =	ssyncadd.s32 $0xFFFFF830  }
0x236: {  	s29 =	simm.s32 $0x136E0;
	vm2 =	vgt.f32 v19, $0.0e+00;
	vm3 =	vlt.f32 v5, $0.0e+00;
	v12 =	vmul.f32 v13, v12;
	v13 =	vld [tilespmem:s3+$0xFFFFFFE0]  }
0x237: {  	v20 =	vand.u32 $0x80000000, v5;
	v9 =	vor.u32 v9, v0;
	vm1 =	vmor vm2, vm1;
	v8 =	vld [tilespmem:s29+$0xFFFFFFD0]  }
0x238: {  	v4 =	vmax.f32 v4, $0.0e+00;
	vm2 =	vgt.f32 v5, $0.0e+00;
	v7 =	vsel vm1, v9, v19;
	v9 =	vld [tilespmem:s3+$0x0]  }
0x239: {  	v19 =	vsel vm1, $0x3F800000, v1;
	vm1 =	vmor vm2, vm3;
	v7 =	vsub.f32 $0.0e+00, v7;
	v15 =	vld [tilespmem:s29+$0xFFFFFFE0]  }
0x23a: {  	s28 =	simm.s32 $0x19520;
	v10 =	vadd.f32 v19, v10;
	v19 =	vor.u32 v20, v0;
	v11 =	vsub.f32 v18, v11;
	v18 =	vld [tilespmem:s29+$0xFFFFFFF0]  }
0x23b: {  	v5 =	vsel vm1, v19, v5;
	v3 =	vmul.f32 v7, v3;
	v7 =	vmax.f32 v12, $0.0e+00;
	v12 =	vld [tilespmem:s28+$0x0]  }
0x23c: {  	v20 =	vld [tilespmem:s29+$0x0];
	v5 =	vsub.f32 $0.0e+00, v5;
	v6 =	vadd.f32 v7, v6;
	v19 =	vand.u32 $0x80000000, v11  }
0x23d: {  	v21 =	vld [tilespmem:s28+$0xFFFFFFE0];
	vm2 =	vlt.f32 v11, $0.0e+00;
	vm3 =	vgt.f32 v11, $0.0e+00;
	v3 =	vmax.f32 v3, $0.0e+00  }
0x23e: {  	v7 =	vld [tilespmem:s28+$0xFFFFFFF0];
	v19 =	vor.u32 v19, v0;
	vm2 =	vmor vm3, vm2;
	v3 =	vadd.f32 v3, v6  }
0x23f: {  	v2 =	vmul.f32 v5, v2;
	v5 =	vsub.f32 v17, v16;
	v6 =	vsel vm2, v19, v11;
	v11 =	vld.idx.msk [tilespmem:v8+s20+$0x0], $0xffff  }
0x240: {  	v16 =	vsel vm0, $0x3F800000, v1;
	v6 =	vsub.f32 $0.0e+00, v6;
	v3 =	vadd.f32 v4, v3;
	v8 =	vld.idx.msk [tilespmem:v8+s4+$0x0], $0xffff  }
0x241: {  	v10 =	vadd.f32 v16, v10;
	v16 =	vmax.f32 v2, $0.0e+00;
	v4 =	vld.idx.msk [tilespmem:v15+s20+$0x0], $0xffff  }
0x242: {  	v5 =	vmul.f32 v6, v5;
	v6 =	vsel vm1, $0x3F800000, v1;
	v3 =	vadd.f32 v16, v3;
	v16 =	vld.idx.msk [tilespmem:v18+s20+$0x0], $0xffff  }
0x243: {  	v6 =	vadd.f32 v6, v10;
	v10 =	vld.idx.msk [tilespmem:v18+s4+$0x0], $0xffff  }
0x244: {  	s17 =	simm.s32 $0x13720;
	v14 =	vld [tilespmem:s28+$0x10];
	v5 =	vmax.f32 v5, $0.0e+00  }
0x245: {  	v22 =	vld [tilespmem:s17+$0xFFFFFFD0];
	v17 =	vadd.f32 v5, v3;
	v3 =	vsel vm2, $0x3F800000, v1  }
0x246: {  	v6 =	vadd.f32 v3, v6;
	v5 =	vsub.f32 v11, v21;
	v11 =	vld.idx.msk [tilespmem:v20+s20+$0x0], $0xffff  }
0x247: {  	v8 =	vsub.f32 v8, v13;
	v13 =	vld.idx.msk [tilespmem:v15+s4+$0x0], $0xffff;
	v18 =	vsub.f32 v4, v7  }
0x248: {  	s0 =	simm.s32 $0x18D60;
	v15 =	vld [tilespmem:s3+$0xFFFFFFF0];
	v16 =	vsub.f32 v16, v12;
	v9 =	vsub.f32 v10, v9  }
0x249: {  	v2 =	vld [tilespmem:s0+$0xFFFFFFE0];
	v3 =	vand.u32 $0x80000000, v5;
	vm0 =	vlt.f32 v5, $0.0e+00;
	vm1 =	vgt.f32 v5, $0.0e+00  }
0x24a: {  	v20 =	vld.idx.msk [tilespmem:v20+s4+$0x0], $0xffff;
	vm2 =	vlt.f32 v16, $0.0e+00;
	v3 =	vor.u32 v3, v0;
	vm0 =	vmor vm1, vm0  }
0x24b: {  	v21 =	vld [tilespmem:s3+$0x10];
	vm1 =	vlt.f32 v18, $0.0e+00;
	v4 =	vsel vm0, v3, v5;
	v5 =	vsel vm0, $0x3F800000, v1  }
0x24c: {  	s3 =	simm.s32 $0x19560;
	v10 =	vld [tilespmem:s17+$0xFFFFFFF0];
	vm0 =	vgt.f32 v18, $0.0e+00;
	v7 =	vsub.f32 $0.0e+00, v4;
	v23 =	vadd.f32 v5, v6  }
0x24d: {  	v3 =	vld [tilespmem:s3+$0x10];
	v4 =	vand.u32 $0x80000000, v18;
	v61 =	vsub.f32 v11, v14;
	v14 =	vsub.f32 v13, v15  }
0x24e: {  	v6 =	vld [tilespmem:s17+$0xFFFFFFE0];
	vm0 =	vmor vm0, vm1;
	vm1 =	vgt.f32 v16, $0.0e+00;
	v12 =	vor.u32 v4, v0  }
0x24f: {  	v5 =	vld [tilespmem:s3+$0x0];
	v62 =	vsel vm0, $0x3F800000, v1;
	v7 =	vmul.f32 v7, v8;
	v8 =	vand.u32 $0x80000000, v16  }
0x250: {  	v4 =	vld [tilespmem:s0+$0x0];
	vm3 =	vgt.f32 v61, $0.0e+00;
	v12 =	vsel vm0, v12, v18;
	v15 =	vand.u32 $0x80000000, v61  }
0x251: {  	vm0 =	vmor vm1, vm2;
	v13 =	vor.u32 v8, v0;
	v8 =	vld [tilespmem:s17+$0x0];
	v7 =	vmax.f32 v7, $0.0e+00  }
0x252: {  	v16 =	vsel vm0, v13, v16;
	v13 =	vld.idx.msk [tilespmem:v22+s20+$0x0], $0xffff;
	v11 =	vadd.f32 v7, v17;
	v17 =	vsub.f32 $0.0e+00, v12  }
0x253: {  	v63 =	vor.u32 v15, v0;
	v15 =	vsel vm0, $0x3F800000, v1;
	vm0 =	vlt.f32 v61, $0.0e+00;
	v7 =	vld [tilespmem:s3+$0xFFFFFFF0]  }
0x254: {  	v12 =	vld [tilespmem:s3+$0xFFFFFFE0];
	v19 =	vsub.f32 $0.0e+00, v16;
	vm0 =	vmor vm3, vm0;
	v18 =	vmul.f32 v17, v14  }
0x255: {  	s26 =	simm.s32 $0x4;
	s24 =	simm.s32 $0x18D60;
	v16 =	vsub.f32 v20, v21;
	v20 =	vsel vm0, v63, v61;
	v14 =	vld.idx.msk [tilespmem:v22+s4+$0x0], $0xffff;
	v17 =	vadd.f32 v62, v23  }
.LBB2_16:
0x256: {  	s26 =	sadd.s32 $0x4, s26;
	v21 =	vld.idx.msk [tilespmem:v6+s20+$0x0], $0xffff;
	s0 =	sadd.s32 $0x40, s0;
	v18 =	vmax.f32 v18, $0.0e+00;
	v9 =	vmul.f32 v19, v9;
	v19 =	vsub.f32 $0.0e+00, v20  }
0x257: {  	v20 =	vld [tilespmem:s0+$0xFFFFFFE0];
	p0 =	slt.u32 s26, $0x78;
	v11 =	vadd.f32 v18, v11;
	v15 =	vadd.f32 v15, v17  }
0x258: {  	v18 =	vsel vm0, $0x3F800000, v1;
	v17 =	vld.idx.msk [tilespmem:v10+s20+$0x0], $0xffff;
	v9 =	vmax.f32 v9, $0.0e+00;
	v16 =	vmul.f32 v19, v16  }
0x259: {  	v10 =	vld.idx.msk [tilespmem:v10+s4+$0x0], $0xffff;
	v9 =	vadd.f32 v9, v11;
	v11 =	vadd.f32 v18, v15  }
0x25a: {  	v12 =	vsub.f32 v13, v12;
	v13 =	vld.idx.msk [tilespmem:v8+s20+$0x0], $0xffff;
	v15 =	vmax.f32 v16, $0.0e+00  }
0x25b: {  	v14 =	vsub.f32 v14, v2;
	v16 =	vld.idx.msk [tilespmem:v6+s4+$0x0], $0xffff;
	v15 =	vadd.f32 v15, v9  }
0x25c: {  	v6 =	vand.u32 $0x80000000, v12;
	vm0 =	vlt.f32 v12, $0.0e+00;
	vm1 =	vgt.f32 v12, $0.0e+00;
	v22 =	vld.idx.msk [tilespmem:v8+s4+$0x0], $0xffff;
	v2 =	vmovc v20  }
0x25d: {  	v18 =	vsub.f32 v21, v7;
	v6 =	vor.u32 v6, v0;
	vm0 =	vmor vm1, vm0;
	v8 =	vld [tilespmem:s24+$0xFFFFFFF0]  }
0x25e: {  	s3 =	sadd.s32 $0x40, s3;
	v6 =	vsel vm0, v6, v12;
	v7 =	vsel vm0, $0x3F800000, v1;
	v17 =	vsub.f32 v17, v5;
	v20 =	vld [tilespmem:s24+$0x10];
	s24 =	smov.u32 s0  }
0x25f: {  	s17 =	sadd.s32 $0x40, s17;
	v5 =	vsub.f32 $0.0e+00, v6;
	v6 =	vand.u32 $0x80000000, v18;
	v9 =	vsub.f32 v10, v4;
	v12 =	vld [tilespmem:s3+$0x10]  }
0x260: {  	vm0 =	vgt.f32 v18, $0.0e+00;
	v23 =	vadd.f32 v7, v11;
	v19 =	vor.u32 v6, v0;
	v21 =	vld [tilespmem:s17+$0xFFFFFFD0]  }
0x261: {  	vm1 =	vlt.f32 v18, $0.0e+00;
	v24 =	vsub.f32 v13, v3;
	v7 =	vmul.f32 v5, v14;
	v4 =	vld [tilespmem:s0+$0x0]  }
0x262: {  	vm0 =	vmor vm0, vm1;
	vm1 =	vgt.f32 v17, $0.0e+00;
	v6 =	vld [tilespmem:s17+$0xFFFFFFE0];
	v14 =	vsub.f32 v16, v8  }
0x263: {  	vm2 =	vlt.f32 v17, $0.0e+00;
	v7 =	vmax.f32 v7, $0.0e+00;
	v16 =	vsel vm0, $0x3F800000, v1;
	v5 =	vld [tilespmem:s3+$0x0]  }
0x264: {  	vm3 =	vgt.f32 v24, $0.0e+00;
	v8 =	vand.u32 $0x80000000, v17;
	v11 =	vadd.f32 v7, v15;
	v10 =	vld [tilespmem:s17+$0xFFFFFFF0];
	v3 =	vmovc v12  }
.Ltmp7:
0x265: {  	v13 =	vor.u32 v8, v0;
	v15 =	vand.u32 $0x80000000, v24;
	v12 =	vsel vm0, v19, v18;
	v7 =	vld [tilespmem:s3+$0xFFFFFFF0];
	(pc) =	sbr.rel @p0 .LBB2_16-.Ltmp7, $4  }
0x266: {  	vm0 =	vmor vm1, vm2;
	v25 =	vor.u32 v15, v0;
	v18 =	vsub.f32 $0.0e+00, v12;
	v8 =	vld [tilespmem:s17+$0x0]  }
0x267: {  	v17 =	vsel vm0, v13, v17;
	v15 =	vsel vm0, $0x3F800000, v1;
	vm0 =	vlt.f32 v24, $0.0e+00;
	v12 =	vld [tilespmem:s3+$0xFFFFFFE0]  }
0x268: {  	v19 =	vsub.f32 $0.0e+00, v17;
	vm0 =	vmor vm3, vm0;
	v18 =	vmul.f32 v18, v14;
	v13 =	vld.idx.msk [tilespmem:v21+s20+$0x0], $0xffff  }
0x269: {  	v17 =	vadd.f32 v16, v23;
	v16 =	vsub.f32 v22, v20;
	v20 =	vsel vm0, v25, v24;
	v14 =	vld.idx.msk [tilespmem:v21+s4+$0x0], $0xffff  }
0x26a: {  	_ =	sdelay $0x3  }
0x26b: {  	v21 =	vld.idx.msk [tilespmem:v6+s20+$0x0], $0xffff  }
0x26c: {  	v31 =	vld.idx.msk [tilespmem:v10+s20+$0x0], $0xffff  }
0x26d: {  	v32 =	vld.idx.msk [tilespmem:v10+s4+$0x0], $0xffff  }
0x26e: {  	v39 =	vld.idx.msk [tilespmem:v6+s4+$0x0], $0xffff  }
0x26f: {  	v18 =	vmax.f32 v18, $0.0e+00;
	v9 =	vmul.f32 v19, v9;
	v30 =	vsub.f32 $0.0e+00, v20;
	v41 =	vld [tilespmem:s24+$0xFFFFFFF0]  }
0x270: {  	v47 =	vld [tilespmem:s24+$0x10];
	v11 =	vadd.f32 v18, v11  }
0x271: {  	v15 =	vadd.f32 v15, v17;
	v35 =	vld.idx.msk [tilespmem:v8+s20+$0x0], $0xffff;
	v9 =	vmax.f32 v9, $0.0e+00;
	v16 =	vmul.f32 v30, v16  }
0x272: {  	v33 =	vsel vm0, $0x3F800000, v1;
	v46 =	vld.idx.msk [tilespmem:v8+s4+$0x0], $0xffff;
	v9 =	vadd.f32 v9, v11;
	v34 =	vsub.f32 v13, v12  }
0x273: {  	v36 =	vadd.f32 v33, v15;
	v37 =	vmax.f32 v16, $0.0e+00;
	v2 =	vsub.f32 v14, v2  }
0x274: {  	v38 =	vld [tilespmem:$0x13E70];
	v40 =	vand.u32 $0x80000000, v34;
	vm8 =	vlt.f32 v34, $0.0e+00;
	v7 =	vsub.f32 v21, v7  }
0x275: {  	vm1 =	vgt.f32 v34, $0.0e+00;
	v9 =	vadd.f32 v37, v9;
	v5 =	vsub.f32 v31, v5  }
0x276: {  	v4 =	vsub.f32 v32, v4;
	v6 =	vsub.f32 v39, v41;
	v16 =	vor.u32 v40, v0  }
0x277: {  	vm0 =	vmor vm1, vm8;
	v3 =	vsub.f32 v35, v3;
	v8 =	vsub.f32 v46, v47  }
0x278: {  	v11 =	vsel vm0, v16, v34;
	v42 =	vsel vm0, $0x3F800000, v1;
	v43 =	vand.u32 $0x80000000, v7  }
0x279: {  	vm9 =	vgt.f32 v7, $0.0e+00;
	vm10 =	vlt.f32 v7, $0.0e+00;
	vm11 =	vgt.f32 v5, $0.0e+00  }
0x27a: {  	vm2 =	vlt.f32 v5, $0.0e+00;
	v50 =	vand.u32 $0x80000000, v5;
	v11 =	vsub.f32 $0.0e+00, v11  }
0x27b: {  	v51 =	vld [tilespmem:$0x19CC0];
	v44 =	vadd.f32 v42, v36;
	v45 =	vor.u32 v43, v0;
	vm0 =	vmor vm9, vm10  }
0x27c: {  	v49 =	vld.idx.msk [tilespmem:v38+s20+$0x0], $0xffff;
	vm3 =	vgt.f32 v3, $0.0e+00;
	v52 =	vand.u32 $0x80000000, v3;
	vm12 =	vmor vm11, vm2  }
0x27d: {  	vm13 =	vlt.f32 v3, $0.0e+00;
	v7 =	vsel vm0, v45, v7;
	v2 =	vmul.f32 v11, v2  }
0x27e: {  	v48 =	vsel vm0, $0x3F800000, v1;
	v13 =	vor.u32 v52, v0;
	v7 =	vsub.f32 $0.0e+00, v7  }
0x27f: {  	vm1 =	vmor vm3, vm13;
	v53 =	vadd.f32 v48, v44;
	v2 =	vmax.f32 v2, $0.0e+00  }
0x280: {  	v55 =	vld [tilespmem:$0x194C0];
	v6 =	vmul.f32 v7, v6;
	v2 =	vadd.f32 v2, v9;
	v9 =	vor.u32 v50, v0  }
0x281: {  	v54 =	vld.idx.msk [tilespmem:v38+s4+$0x0], $0xffff;
	v3 =	vsel vm1, v13, v3;
	v56 =	vsub.f32 v49, v51;
	v5 =	vsel vm12, v9, v5  }
0x282: {  	v3 =	vsub.f32 $0.0e+00, v3;
	v6 =	vmax.f32 v6, $0.0e+00;
	v5 =	vsub.f32 $0.0e+00, v5  }
0x283: {  	v57 =	vand.u32 $0x80000000, v56;
	vm14 =	vlt.f32 v56, $0.0e+00;
	vm15 =	vgt.f32 v56, $0.0e+00  }
0x284: {  	vm2 =	vmor vm15, vm14;
	v4 =	vmul.f32 v5, v4;
	v5 =	vor.u32 v57, v0  }
0x285: {  	v3 =	vmul.f32 v3, v8;
	v2 =	vadd.f32 v6, v2;
	v5 =	vsel vm2, v5, v56  }
0x286: {  	v58 =	vsub.f32 v54, v55;
	v4 =	vmax.f32 v4, $0.0e+00;
	v5 =	vsub.f32 $0.0e+00, v5  }
0x287: {  	v59 =	vsel vm12, $0x3F800000, v1;
	v2 =	vadd.f32 v4, v2  }
0x288: {  	v60 =	vadd.f32 v59, v53;
	v3 =	vmax.f32 v3, $0.0e+00;
	v5 =	vmul.f32 v5, v58  }
0x289: {  	v61 =	vsel vm1, $0x3F800000, v1;
	v2 =	vadd.f32 v3, v2  }
0x28a: {  	v3 =	vadd.f32 v61, v60;
	v62 =	vmax.f32 v5, $0.0e+00  }
0x28b: {  	v63 =	vsel vm2, $0x3F800000, v1;
	v2 =	vadd.f32 v62, v2  }
0x28c: {  	v3 =	vadd.f32 v63, v3  }
0x28d: {  	[tilespmem:$0x19D00] =	vst v2  }
0x28e: {  	s0 =	simm.s32 $0x19D00;
	[tilespmem:$0x19D80] =	vst v3  }
0x28f: {  	[hbm4b:s9+s4] =	stream.linear.scatter [tilespmem:s0], [sflag:$0x4], $0x80, $0x38;
	[tilespmem:$0x19E00] =	vst v63  }
0x290: {  	s21 =	sadd.s32 $0x1, s21;
	_ =	swait.ge [sflag:s13], $0x80  }
0x291: {  	p0 =	sne.s32 s21, s11;
	[sflag:s13] =	ssyncset.done $0x0  }
.Ltmp8:
0x292: {  	s29 =	simm.s32 $0x19D80;
	[sflag:s13] =	ssyncadd.s32 $0xFFFFFF80;
	(pc) =	sbr.rel @p0 .LBB2_1-.Ltmp8, $4  }
0x293: {  	[hbm4b:s10+s4] =	stream.linear.scatter [tilespmem:s29], [sflag:$0x4], $0x80, $0x38;
	[tilespmem:$0x19E00] =	vst v63  }
0x294: {  	_ =	swait.ge [sflag:s13], $0x80  }
0x295: {  	[sflag:s13] =	ssyncset.done $0x0  }
0x296: {  	[sflag:s13] =	ssyncadd.s32 $0xFFFFFF80  }
0x297: {  	_ =	sfence.sel $0x180000  }
0x298: {  	[bflag:$0x0] =	sbarrier.arrive $0xFFFF  }
0x299: {  	_ =	strace $0x90000047  }
0x29a: {  	s0 =	stileid.u32;
	[bflag:$0x2] =	sbarrier.arrive $0xFFFF  }
0x29b: {  	p0 =	sne.s32 s0, $0x0;
	s0 =	rddreg [dreg:$0x3]  }
0x29c: {  	s0 =	sadd.s32 @!p0 $0x100000, s0  }
0x29d: {  	[sflag:s0] =	ssyncadd.tile.s32 @!p0 $0x1;
	_ =	shalt  }
.Lfunc_end2:
_tile_overlayer_lowered:
.L_overlay_start_2:
0x29e: {  	(tag) =	ssettag $0x2  }
0x29f: {  	s0 =	rddreg [dreg:$0x0];
	s2 =	stileid.u32  }
0x2a0: {  	s1 =	rddreg [dreg:$0x1];
	p0 =	sne.s32 s2, $0x0  }
0x2a1: {  	s3 =	rddreg [dreg:$0x2];
	[bflag:$0x3] =	sbarrier.arrive $0xFFFF;
	s2 =	simm.s32 @!p0 $0x1C04  }
0x2a2: {  	[timem:s3], [sflag:s2] =	dma.local @!p0 [hbm:s0], s1  }
0x2a3: {  	s0 =	simm.s32 @!p0 $0x4  }
0x2a4: {  	_ =	swait.ge @!p0 [sflag:s0], s1  }
0x2a5: {  	s1 =	ssub.s32 @!p0 $0x0, s1;
	[sflag:s0] =	ssyncset.done @!p0 $0x0  }
0x2a6: {  	[sflag:s0] =	ssyncadd.s32 @!p0 s1  }
0x2a7: {  	[bflag:$0x3] =	sbarrier.arrive $0xFFFF  }
0x2a8: {  	_ =	shalt  }

</sc_bundles>
